<compile_context>
chip_gen: v7x
topology: tpu7x:2x2x1
jax: 0.10.2.dev20260603
libtpu: 0.0.44.dev20260713+nightly
codegen_flags: <defaults>
</compile_context>

<pallas_src>
import dataclasses

import jax
import jax.numpy as jnp
import numpy as np
from jax import lax
from jax.experimental import pallas as pl
from jax.experimental.pallas import tpu as pltpu
from jax.experimental.pallas import tpu_sc as plsc

N = 10000
E = 160000
F_IN = 256
H_DIM = 256
C_DIM = 64
D = 128

NC = 2
NS = 16
LANES = 16
CH = 128

E_PAD = 163840
ZR = 624
ZR_LAST = 640



def _mm1_body(x_ref, w_ref, b_ref, o_ref):
    h = jnp.dot(x_ref[...], w_ref[...], preferred_element_type=jnp.float32)
    h = h + b_ref[...]
    o_ref[0] = h[:, :D]
    o_ref[1] = h[:, D:]


def _mm2_body(h_ref, w_ref, b_ref, o_ref):
    hl = jnp.maximum(h_ref[0], 0.0)
    hr = jnp.maximum(h_ref[1], 0.0)
    o_ref[...] = (
        jnp.dot(hl, w_ref[:D], preferred_element_type=jnp.float32)
        + jnp.dot(hr, w_ref[D:], preferred_element_type=jnp.float32)
        + b_ref[...]
    )


def _lsm_body(p_ref, o_ref):
    s = (p_ref[0] + p_ref[1])[:, :C_DIM]
    m = jnp.max(s, axis=1, keepdims=True)
    e = jnp.exp(s - m)
    lse = jnp.log(jnp.sum(e, axis=1, keepdims=True))
    o_ref[...] = s - m - lse



def _make_spmm_body(split_edges, n_scale_chunks):

    if split_edges:
        ept = E_PAD // (NC * NS)
    else:
        ept = E_PAD // NS
    nch = ept // CH
    half = nch // 2

    def body(h_hbm, src_hbm, dst_hbm, w_hbm, z_hbm, out_hbm,
             src_all, dst_v0, dst_v1, w_v0, w_v1, rows0, rows1, acc_sh,
             sg0, sg1, sa0, sa1, ss0, ss1):
        c = lax.axis_index("c")
        s = lax.axis_index("s")

        @pl.when(s < jnp.int32(NS - 1))
        def _():
            pltpu.sync_copy(z_hbm.at[pl.ds(0, ZR)],
                            acc_sh.at[pl.ds(s * jnp.int32(ZR), ZR)])

        @pl.when(s == jnp.int32(NS - 1))
        def _():
            pltpu.sync_copy(z_hbm, acc_sh.at[pl.ds(jnp.int32(ZR * (NS - 1)), ZR_LAST)])

        if split_edges:
            tile = s * jnp.int32(NC) + c
        else:
            tile = s
        ebase = tile * jnp.int32(ept)

        pltpu.sync_copy(src_hbm.at[pl.ds(ebase, ept)], src_all)
        plsc.subcore_barrier()

        def issue(k, dst_v, w_v, rows, sg, sa):
            off = pl.ds(ebase + k * jnp.int32(CH), CH)
            pltpu.async_copy(dst_hbm.at[off], dst_v, sa)
            pltpu.async_copy(w_hbm.at[off], w_v, sa)
            idx = src_all.at[pl.ds(k * jnp.int32(CH), CH)]
            if split_edges:
                pltpu.async_copy(h_hbm.at[idx], rows, sg)
            else:
                pltpu.async_copy(h_hbm.at[c].at[idx], rows, sg)

        def wait(k, dst_v, w_v, rows, sg, sa):
            off = pl.ds(ebase + k * jnp.int32(CH), CH)
            pltpu.make_async_copy(dst_hbm.at[off], dst_v, sa).wait()
            pltpu.make_async_copy(w_hbm.at[off], w_v, sa).wait()
            idx = src_all.at[pl.ds(k * jnp.int32(CH), CH)]
            if split_edges:
                pltpu.make_async_copy(h_hbm.at[idx], rows, sg).wait()
            else:
                pltpu.make_async_copy(h_hbm.at[c].at[idx], rows, sg).wait()

        def scale(w_v, rows):
            @plsc.parallel_loop(jnp.int32(0), jnp.int32(CH), step=jnp.int32(1), unroll=4)
            def _(e):
                eidx = jnp.full((LANES,), e, jnp.int32)
                wv = plsc.load_gather(w_v, [eidx])
                for j in range(n_scale_chunks):
                    sl = (e, pl.ds(j * LANES, LANES))
                    rows[sl] = rows[sl] * wv

        def scatter_start(dst_v, rows, ss):
            pltpu.async_copy(rows, acc_sh.at[dst_v], ss, add=True)

        def scatter_wait(dst_v, rows, ss):
            pltpu.make_async_copy(rows, acc_sh.at[dst_v], ss).wait()

        issue(jnp.int32(0), dst_v0, w_v0, rows0, sg0, sa0)

        @pl.loop(jnp.int32(0), jnp.int32(half))
        def _(k2):
            k0 = k2 * jnp.int32(2)
            k1 = k0 + jnp.int32(1)
            issue(k1, dst_v1, w_v1, rows1, sg1, sa1)
            wait(k0, dst_v0, w_v0, rows0, sg0, sa0)
            scale(w_v0, rows0)
            scatter_start(dst_v0, rows0, ss0)

            @pl.when(k2 + jnp.int32(1) < jnp.int32(half))
            def _():
                scatter_wait(dst_v0, rows0, ss0)
                issue(k0 + jnp.int32(2), dst_v0, w_v0, rows0, sg0, sa0)

            wait(k1, dst_v1, w_v1, rows1, sg1, sa1)
            scale(w_v1, rows1)
            scatter_start(dst_v1, rows1, ss1)

            @pl.when(k2 + jnp.int32(1) < jnp.int32(half))
            def _():
                scatter_wait(dst_v1, rows1, ss1)

        scatter_wait(dst_v0, rows0, ss0)
        scatter_wait(dst_v1, rows1, ss1)
        plsc.subcore_barrier()

        @pl.when(s < jnp.int32(NS - 1))
        def _():
            rs = pl.ds(s * jnp.int32(ZR), ZR)
            pltpu.sync_copy(acc_sh.at[rs], out_hbm.at[c].at[rs])

        @pl.when(s == jnp.int32(NS - 1))
        def _():
            rs = pl.ds(jnp.int32(ZR * (NS - 1)), ZR_LAST)
            pltpu.sync_copy(acc_sh.at[rs], out_hbm.at[c].at[rs])

    return body



_MESH = plsc.VectorSubcoreMesh(core_axis_name="c", subcore_axis_name="s")

_CP = pltpu.CompilerParams()
if "needs_layout_passes" in pltpu.CompilerParams.__dataclass_fields__:
    _CP = dataclasses.replace(_CP, needs_layout_passes=False)

def _sc_scratch(ept):
    return [
        pltpu.VMEM((ept,), jnp.int32),
        pltpu.VMEM((CH,), jnp.int32),
        pltpu.VMEM((CH,), jnp.int32),
        pltpu.VMEM((CH,), jnp.float32),
        pltpu.VMEM((CH,), jnp.float32),
        pltpu.VMEM((CH, D), jnp.float32),
        pltpu.VMEM((CH, D), jnp.float32),
        pltpu.VMEM_SHARED((N, D), jnp.float32),
        pltpu.SemaphoreType.DMA,
        pltpu.SemaphoreType.DMA,
        pltpu.SemaphoreType.DMA,
        pltpu.SemaphoreType.DMA,
        pltpu.SemaphoreType.DMA,
        pltpu.SemaphoreType.DMA,
    ]


_spmm1 = pl.kernel(
    _make_spmm_body(split_edges=False, n_scale_chunks=D // LANES),
    out_type=jax.ShapeDtypeStruct((NC, N, D), jnp.float32),
    mesh=_MESH,
    compiler_params=_CP,
    scratch_types=_sc_scratch(E_PAD // NS),
)

_spmm2 = pl.kernel(
    _make_spmm_body(split_edges=True, n_scale_chunks=C_DIM // LANES),
    out_type=jax.ShapeDtypeStruct((NC, N, D), jnp.float32),
    mesh=_MESH,
    compiler_params=_CP,
    scratch_types=_sc_scratch(E_PAD // (NC * NS)),
)

_BR = 1000
_I0 = np.int32(0)

_mm1 = pl.pallas_call(
    _mm1_body,
    grid=(N // _BR,),
    in_specs=[
        pl.BlockSpec((_BR, F_IN), lambda i: (i, _I0)),
        pl.BlockSpec((F_IN, H_DIM), lambda i: (_I0, _I0)),
        pl.BlockSpec((1, H_DIM), lambda i: (_I0, _I0)),
    ],
    out_specs=pl.BlockSpec((NC, _BR, D), lambda i: (_I0, i, _I0)),
    out_shape=jax.ShapeDtypeStruct((NC, N, D), jnp.float32),
)

_mm2 = pl.pallas_call(
    _mm2_body,
    grid=(N // _BR,),
    in_specs=[
        pl.BlockSpec((NC, _BR, D), lambda i: (_I0, i, _I0)),
        pl.BlockSpec((H_DIM, D), lambda i: (_I0, _I0)),
        pl.BlockSpec((1, D), lambda i: (_I0, _I0)),
    ],
    out_specs=pl.BlockSpec((_BR, D), lambda i: (i, _I0)),
    out_shape=jax.ShapeDtypeStruct((N, D), jnp.float32),
)

_lsm = pl.pallas_call(
    _lsm_body,
    grid=(N // _BR,),
    in_specs=[pl.BlockSpec((NC, _BR, D), lambda i: (_I0, i, _I0))],
    out_specs=pl.BlockSpec((_BR, C_DIM), lambda i: (i, _I0)),
    out_shape=jax.ShapeDtypeStruct((N, C_DIM), jnp.float32),
)


@jax.jit
def kernel(x, edge_index, edge_weight, W1, b1, W2, b2):
    x = x.astype(jnp.float32)
    pad = E_PAD - E
    dst = jnp.pad(edge_index[0].astype(jnp.int32), (0, pad))
    src = jnp.pad(edge_index[1].astype(jnp.int32), (0, pad))
    w = jnp.pad(edge_weight.astype(jnp.float32), (0, pad))

    w1t = W1.astype(jnp.float32).T
    w2t = jnp.pad(W2.astype(jnp.float32).T, ((0, 0), (0, D - C_DIM)))
    b1r = b1.astype(jnp.float32).reshape(1, H_DIM)
    b2r = jnp.pad(b2.astype(jnp.float32), (0, D - C_DIM)).reshape(1, D)

    zrows = jnp.zeros((ZR_LAST, D), jnp.float32)

    h_halves = _mm1(x, w1t, b1r)
    h_agg = _spmm1(h_halves, src, dst, w, zrows)
    h2 = _mm2(h_agg, w2t, b2r)
    partial = _spmm2(h2, src, dst, w, zrows)
    return _lsm(partial)

# --- scband reference (transcript-rebuilt; emitter-appended) ---
"""Pipeline reference for scband-gcn-69724499083613 (READ-ONLY COPY).

The authoritative reference and input builder live on the scoring server;
editing this copy changes nothing except your own understanding.
"""

import jax, jax.numpy as jnp
import numpy as np

jax.config.update("jax_enable_x64", True)

N, E, F_IN, H, C = 10000, 160000, 256, 256, 64


def setup_inputs(seed: int = 0) -> dict:
    key = jax.random.key(seed)
    ks = jax.random.split(key, 8)
    x = jax.random.normal(ks[0], (N, F_IN), dtype=jnp.float32)
    edge_index = jax.random.randint(ks[1], (2, E), 0, N, dtype=jnp.int64)
    edge_weight = jax.random.uniform(ks[2], (E,), dtype=jnp.float32)
    # Learned params: two linear layers (xavier-uniform style init, gain=1.414)
    lim1 = 1.414 * np.sqrt(6.0 / (F_IN + H))
    W1 = jax.random.uniform(ks[3], (H, F_IN), dtype=jnp.float32, minval=-lim1, maxval=lim1)
    b1 = jnp.zeros((H,), dtype=jnp.float32)
    lim2 = 1.414 * np.sqrt(6.0 / (H + C))
    W2 = jax.random.uniform(ks[4], (C, H), dtype=jnp.float32, minval=-lim2, maxval=lim2)
    b2 = jnp.zeros((C,), dtype=jnp.float32)
    return {"x": x, "edge_index": edge_index, "edge_weight": edge_weight,
            "W1": W1, "b1": b1, "W2": W2, "b2": b2}


def reference(x, edge_index, edge_weight, W1, b1, W2, b2):
    # Faithful GCN forward in eval mode (dropout is identity when not training).
    # torch.spmm(adj, h): out[dst] = sum over edges (dst, src) of w * h[src]
    dst = edge_index[0]
    src = edge_index[1]
    n = x.shape[0]
    # layer 1: linear -> spmm -> relu
    h = x @ W1.T + b1
    msg = edge_weight[:, None] * jnp.take(h, src, axis=0)
    h = jax.ops.segment_sum(msg, dst, num_segments=n)
    h = jax.nn.relu(h)
    # layer 2: linear -> spmm
    h2 = h @ W2.T + b2
    msg2 = edge_weight[:, None] * jnp.take(h2, src, axis=0)
    out = jax.ops.segment_sum(msg2, dst, num_segments=n)
    return jax.nn.log_softmax(out, axis=1)

if __name__ == "__main__":
    import jax
    _d = setup_inputs()
    print(jax.jit(kernel)(*tuple(_d.values())))

</pallas_src>

<mosaic_0001>
#map = affine_map<(d0, d1) -> (0, 0, 0)>
#map1 = affine_map<(d0, d1) -> (0)>
#map2 = affine_map<(d0, d1) -> (0, 0)>
module attributes {stable_mosaic.version = 14 : i64} {
  func.func @body(%arg0: i32, %arg1: i32, %arg2: memref<2x10000x128xf32, #tpu.memory_space<hbm>>, %arg3: memref<163840xi32, #tpu.memory_space<hbm>>, %arg4: memref<163840xi32, #tpu.memory_space<hbm>>, %arg5: memref<163840xf32, #tpu.memory_space<hbm>>, %arg6: memref<640x128xf32, #tpu.memory_space<hbm>>, %arg7: memref<2x10000x128xf32, #tpu.memory_space<hbm>>, %arg8: memref<10240xi32, #tpu.memory_space<vmem>>, %arg9: memref<128xi32, #tpu.memory_space<vmem>>, %arg10: memref<128xi32, #tpu.memory_space<vmem>>, %arg11: memref<128xf32, #tpu.memory_space<vmem>>, %arg12: memref<128xf32, #tpu.memory_space<vmem>>, %arg13: memref<128x128xf32, #tpu.memory_space<vmem>>, %arg14: memref<128x128xf32, #tpu.memory_space<vmem>>, %arg15: memref<10000x128xf32, #tpu.memory_space<vmem_shared>>, %arg16: memref<!tpu.dma_semaphore, #tpu.memory_space<semaphore_mem>>, %arg17: memref<!tpu.dma_semaphore, #tpu.memory_space<semaphore_mem>>, %arg18: memref<!tpu.dma_semaphore, #tpu.memory_space<semaphore_mem>>, %arg19: memref<!tpu.dma_semaphore, #tpu.memory_space<semaphore_mem>>, %arg20: memref<!tpu.dma_semaphore, #tpu.memory_space<semaphore_mem>>, %arg21: memref<!tpu.dma_semaphore, #tpu.memory_space<semaphore_mem>>) attributes {dimension_semantics = [#tpu.dimension_semantics<core_parallel>, #tpu.dimension_semantics<subcore_parallel>], iteration_bounds = array<i64: 2, 16>, scalar_prefetch = 0 : i64, scratch_operands = 14 : i64, tpu.core_type = #tpu.core_type<sc_vector_subcore>, window_params = [{transform_indices = #map}, {transform_indices = #map1}, {transform_indices = #map1}, {transform_indices = #map1}, {transform_indices = #map2}, {transform_indices = #map}]} {
    %lt3A = arith.constant 15 : i32
    %lt3A_0 = arith.cmpi slt, %arg1, %lt3A : i32
    %convert_element_type3A = arith.extui %lt3A_0 : i1 to i32
    %cond3A = arith.constant 0 : i32
    %cond3A_1 = arith.cmpi ne, %convert_element_type3A, %cond3A : i32
    scf.if %cond3A_1 {
      %mul3A_57 = arith.constant 624 : i32
      %mul3A_58 = arith.muli %arg1, %mul3A_57 : i32
      "tpu.region"() ({
        %run_scoped3A = tpu.sem_alloc : memref<!tpu.dma_semaphore, #tpu.memory_space<semaphore_mem>>
        %dma_start3A_59 = arith.constant 0 : i32
        %dma_start3A_60 = tpu.memref_slice %arg15[%mul3A_58, %dma_start3A_59] : memref<10000x128xf32, #tpu.memory_space<vmem_shared>> -> memref<624x128xf32, #tpu.memory_space<vmem_shared>>
        %dma_start3A_61 = arith.constant 0 : i32
        %dma_start3A_62 = arith.constant 0 : i32
        %dma_start3A_63 = tpu.memref_slice %arg6[%dma_start3A_61, %dma_start3A_62] : memref<640x128xf32, #tpu.memory_space<hbm>> -> memref<624x128xf32, #tpu.memory_space<hbm>>
        tpu.enqueue_dma source(%dma_start3A_63 : memref<624x128xf32, #tpu.memory_space<hbm>>) target(%dma_start3A_60 : memref<624x128xf32, #tpu.memory_space<vmem_shared>>) target_semaphore(%run_scoped3A : memref<!tpu.dma_semaphore, #tpu.memory_space<semaphore_mem>>)
        %dma_wait3A_64 = arith.constant 0 : i32
        %dma_wait3A_65 = tpu.memref_slice %arg15[%mul3A_58, %dma_wait3A_64] : memref<10000x128xf32, #tpu.memory_space<vmem_shared>> -> memref<624x128xf32, #tpu.memory_space<vmem_shared>>
        %dma_wait3A_66 = arith.constant 0 : i32
        %dma_wait3A_67 = arith.constant 0 : i32
        %dma_wait3A_68 = tpu.memref_slice %arg6[%dma_wait3A_66, %dma_wait3A_67] : memref<640x128xf32, #tpu.memory_space<hbm>> -> memref<624x128xf32, #tpu.memory_space<hbm>>
        tpu.wait_dma2 semaphore(%run_scoped3A : memref<!tpu.dma_semaphore, #tpu.memory_space<semaphore_mem>>) src(%dma_wait3A_68 : memref<624x128xf32, #tpu.memory_space<hbm>>) dst(%dma_wait3A_65 : memref<624x128xf32, #tpu.memory_space<vmem_shared>>)
        tpu.yield
      }) : () -> ()
    } else {
    }
    %eq3A = arith.constant 15 : i32
    %eq3A_2 = arith.cmpi eq, %arg1, %eq3A : i32
    %convert_element_type3A_3 = arith.extui %eq3A_2 : i1 to i32
    %cond3A_4 = arith.constant 0 : i32
    %cond3A_5 = arith.cmpi ne, %convert_element_type3A_3, %cond3A_4 : i32
    scf.if %cond3A_5 {
      %run_scoped3A = arith.constant 9360 : i32
      "tpu.region"() ({
        %run_scoped3A_57 = tpu.sem_alloc : memref<!tpu.dma_semaphore, #tpu.memory_space<semaphore_mem>>
        %dma_start3A_58 = arith.constant 0 : i32
        %dma_start3A_59 = tpu.memref_slice %arg15[%run_scoped3A, %dma_start3A_58] : memref<10000x128xf32, #tpu.memory_space<vmem_shared>> -> memref<640x128xf32, #tpu.memory_space<vmem_shared>>
        tpu.enqueue_dma source(%arg6 : memref<640x128xf32, #tpu.memory_space<hbm>>) target(%dma_start3A_59 : memref<640x128xf32, #tpu.memory_space<vmem_shared>>) target_semaphore(%run_scoped3A_57 : memref<!tpu.dma_semaphore, #tpu.memory_space<semaphore_mem>>)
        %dma_wait3A_60 = arith.constant 0 : i32
        %dma_wait3A_61 = tpu.memref_slice %arg15[%run_scoped3A, %dma_wait3A_60] : memref<10000x128xf32, #tpu.memory_space<vmem_shared>> -> memref<640x128xf32, #tpu.memory_space<vmem_shared>>
        tpu.wait_dma2 semaphore(%run_scoped3A_57 : memref<!tpu.dma_semaphore, #tpu.memory_space<semaphore_mem>>) src(%arg6 : memref<640x128xf32, #tpu.memory_space<hbm>>) dst(%dma_wait3A_61 : memref<640x128xf32, #tpu.memory_space<vmem_shared>>)
        tpu.yield
      }) : () -> ()
    } else {
    }
    %mul3A = arith.constant 10240 : i32
    %mul3A_6 = arith.muli %arg1, %mul3A : i32
    "tpu.region"() ({
      %run_scoped3A = tpu.sem_alloc : memref<!tpu.dma_semaphore, #tpu.memory_space<semaphore_mem>>
      %dma_start3A_57 = tpu.memref_slice %arg3[%mul3A_6] : memref<163840xi32, #tpu.memory_space<hbm>> -> memref<10240xi32, #tpu.memory_space<hbm>>
      %dma_start3A_58 = tpu.memref_slice %arg3[%mul3A_6] : memref<163840xi32, #tpu.memory_space<hbm>> -> memref<10240xi32, #tpu.memory_space<hbm>>
      tpu.enqueue_dma source(%dma_start3A_58 : memref<10240xi32, #tpu.memory_space<hbm>>) target(%arg8 : memref<10240xi32, #tpu.memory_space<vmem>>) target_semaphore(%run_scoped3A : memref<!tpu.dma_semaphore, #tpu.memory_space<semaphore_mem>>)
      %dma_wait3A_59 = tpu.memref_slice %arg3[%mul3A_6] : memref<163840xi32, #tpu.memory_space<hbm>> -> memref<10240xi32, #tpu.memory_space<hbm>>
      %dma_wait3A_60 = tpu.memref_slice %arg3[%mul3A_6] : memref<163840xi32, #tpu.memory_space<hbm>> -> memref<10240xi32, #tpu.memory_space<hbm>>
      tpu.wait_dma2 semaphore(%run_scoped3A : memref<!tpu.dma_semaphore, #tpu.memory_space<semaphore_mem>>) src(%dma_wait3A_60 : memref<10240xi32, #tpu.memory_space<hbm>>) dst(%arg8 : memref<10240xi32, #tpu.memory_space<vmem>>)
      tpu.yield
    }) : () -> ()
    %barrier3A = arith.constant 0 : index
    tpu.barrier barrier_id(%barrier3A)
    %mul3A_7 = arith.constant 0 : i32
    %mul3A_8 = arith.constant 128 : i32
    %mul3A_9 = arith.muli %mul3A_7, %mul3A_8 : i32
    %add3A = arith.addi %mul3A_6, %mul3A_9 : i32
    %dma_start3A = tpu.memref_slice %arg4[%add3A] : memref<163840xi32, #tpu.memory_space<hbm>> -> memref<128xi32, #tpu.memory_space<hbm>>
    %dma_start3A_10 = tpu.memref_slice %arg4[%add3A] : memref<163840xi32, #tpu.memory_space<hbm>> -> memref<128xi32, #tpu.memory_space<hbm>>
    tpu.enqueue_dma source(%dma_start3A_10 : memref<128xi32, #tpu.memory_space<hbm>>) target(%arg9 : memref<128xi32, #tpu.memory_space<vmem>>) target_semaphore(%arg18 : memref<!tpu.dma_semaphore, #tpu.memory_space<semaphore_mem>>)
    %dma_start3A_11 = tpu.memref_slice %arg5[%add3A] : memref<163840xf32, #tpu.memory_space<hbm>> -> memref<128xf32, #tpu.memory_space<hbm>>
    %dma_start3A_12 = tpu.memref_slice %arg5[%add3A] : memref<163840xf32, #tpu.memory_space<hbm>> -> memref<128xf32, #tpu.memory_space<hbm>>
    tpu.enqueue_dma source(%dma_start3A_12 : memref<128xf32, #tpu.memory_space<hbm>>) target(%arg11 : memref<128xf32, #tpu.memory_space<vmem>>) target_semaphore(%arg18 : memref<!tpu.dma_semaphore, #tpu.memory_space<semaphore_mem>>)
    %mul3A_13 = arith.constant 0 : i32
    %mul3A_14 = arith.constant 128 : i32
    %mul3A_15 = arith.muli %mul3A_13, %mul3A_14 : i32
    %dma_start3A_16 = tpu.memref_slice %arg8[%mul3A_15] : memref<10240xi32, #tpu.memory_space<vmem>> -> memref<128xi32, #tpu.memory_space<vmem>>
    %dma_start3A_17 = arith.constant 0 : i32
    %dma_start3A_18 = arith.constant 0 : i32
    %dma_start3A_19 = tpu.memref_slice %arg2[%arg0, %dma_start3A_17, %dma_start3A_18] : memref<2x10000x128xf32, #tpu.memory_space<hbm>> -> memref<1x10000x128xf32, #tpu.memory_space<hbm>>
    %dma_start3A_20 = tpu.memref_squeeze %dma_start3A_19 : memref<1x10000x128xf32, #tpu.memory_space<hbm>> -> memref<10000x128xf32, #tpu.memory_space<hbm>>
    %dma_start3A_21 = arith.constant 0 : i32
    %dma_start3A_22 = arith.constant 0 : i32
    %dma_start3A_23 = tpu.memref_slice %dma_start3A_20[%dma_start3A_21, %dma_start3A_22] : memref<10000x128xf32, #tpu.memory_space<hbm>> -> memref<10000x128xf32, #tpu.memory_space<hbm>>
    tpu.enqueue_indirect_dma source(%dma_start3A_23 : memref<10000x128xf32, #tpu.memory_space<hbm>>) target(%arg13 : memref<128x128xf32, #tpu.memory_space<vmem>>) offsets(%dma_start3A_16 : memref<128xi32, #tpu.memory_space<vmem>>) semaphore(%arg16 : memref<!tpu.dma_semaphore, #tpu.memory_space<semaphore_mem>>)
    %sub3A = arith.constant 40 : i32
    %sub3A_24 = arith.constant 0 : i32
    %sub3A_25 = arith.subi %sub3A, %sub3A_24 : i32
    %sub3A_26 = arith.constant 1 : i32
    %sub3A_27 = arith.constant 1 : i32
    %sub3A_28 = arith.subi %sub3A_26, %sub3A_27 : i32
    %add3A_29 = arith.addi %sub3A_25, %sub3A_28 : i32
    %div3A = arith.constant 1 : i32
    %div3A_30 = arith.divsi %add3A_29, %div3A : i32
    %while3A = arith.constant 1 : i32
    %while3A_31 = arith.constant 0 : i32
    %while3A_32 = arith.constant 0 : i32
    %while3A_33 = arith.subi %div3A_30, %while3A_32 : i32
    %while3A_34 = arith.addi %while3A_32, %while3A_33 : i32
    %while3A_35 = arith.constant 1 : i32
    %while3A_36 = arith.divsi %while3A_33, %while3A_35 : i32
    %while3A_37 = arith.muli %while3A_36, %while3A_35 : i32
    %while3A_38 = arith.addi %while3A_32, %while3A_37 : i32
    %while3A_39 = arith.constant 1 : i32
    scf.for %while3A_57 = %while3A_32 to %while3A_38 step %while3A_39  : i32 {
      %mul3A_58 = arith.muli %while3A_57, %while3A : i32
      %add3A_59 = arith.addi %while3A_31, %mul3A_58 : i32
      %mul3A_60 = arith.constant 2 : i32
      %mul3A_61 = arith.muli %add3A_59, %mul3A_60 : i32
      %add3A_62 = arith.constant 1 : i32
      %add3A_63 = arith.addi %mul3A_61, %add3A_62 : i32
      %mul3A_64 = arith.constant 128 : i32
      %mul3A_65 = arith.muli %add3A_63, %mul3A_64 : i32
      %add3A_66 = arith.addi %mul3A_6, %mul3A_65 : i32
      %dma_start3A_67 = tpu.memref_slice %arg4[%add3A_66] : memref<163840xi32, #tpu.memory_space<hbm>> -> memref<128xi32, #tpu.memory_space<hbm>>
      %dma_start3A_68 = tpu.memref_slice %arg4[%add3A_66] : memref<163840xi32, #tpu.memory_space<hbm>> -> memref<128xi32, #tpu.memory_space<hbm>>
      tpu.enqueue_dma source(%dma_start3A_68 : memref<128xi32, #tpu.memory_space<hbm>>) target(%arg10 : memref<128xi32, #tpu.memory_space<vmem>>) target_semaphore(%arg19 : memref<!tpu.dma_semaphore, #tpu.memory_space<semaphore_mem>>)
      %dma_start3A_69 = tpu.memref_slice %arg5[%add3A_66] : memref<163840xf32, #tpu.memory_space<hbm>> -> memref<128xf32, #tpu.memory_space<hbm>>
      %dma_start3A_70 = tpu.memref_slice %arg5[%add3A_66] : memref<163840xf32, #tpu.memory_space<hbm>> -> memref<128xf32, #tpu.memory_space<hbm>>
      tpu.enqueue_dma source(%dma_start3A_70 : memref<128xf32, #tpu.memory_space<hbm>>) target(%arg12 : memref<128xf32, #tpu.memory_space<vmem>>) target_semaphore(%arg19 : memref<!tpu.dma_semaphore, #tpu.memory_space<semaphore_mem>>)
      %mul3A_71 = arith.constant 128 : i32
      %mul3A_72 = arith.muli %add3A_63, %mul3A_71 : i32
      %dma_start3A_73 = tpu.memref_slice %arg8[%mul3A_72] : memref<10240xi32, #tpu.memory_space<vmem>> -> memref<128xi32, #tpu.memory_space<vmem>>
      %dma_start3A_74 = arith.constant 0 : i32
      %dma_start3A_75 = arith.constant 0 : i32
      %dma_start3A_76 = tpu.memref_slice %arg2[%arg0, %dma_start3A_74, %dma_start3A_75] : memref<2x10000x128xf32, #tpu.memory_space<hbm>> -> memref<1x10000x128xf32, #tpu.memory_space<hbm>>
      %dma_start3A_77 = tpu.memref_squeeze %dma_start3A_76 : memref<1x10000x128xf32, #tpu.memory_space<hbm>> -> memref<10000x128xf32, #tpu.memory_space<hbm>>
      %dma_start3A_78 = arith.constant 0 : i32
      %dma_start3A_79 = arith.constant 0 : i32
      %dma_start3A_80 = tpu.memref_slice %dma_start3A_77[%dma_start3A_78, %dma_start3A_79] : memref<10000x128xf32, #tpu.memory_space<hbm>> -> memref<10000x128xf32, #tpu.memory_space<hbm>>
      tpu.enqueue_indirect_dma source(%dma_start3A_80 : memref<10000x128xf32, #tpu.memory_space<hbm>>) target(%arg14 : memref<128x128xf32, #tpu.memory_space<vmem>>) offsets(%dma_start3A_73 : memref<128xi32, #tpu.memory_space<vmem>>) semaphore(%arg17 : memref<!tpu.dma_semaphore, #tpu.memory_space<semaphore_mem>>)
      %mul3A_81 = arith.constant 128 : i32
      %mul3A_82 = arith.muli %mul3A_61, %mul3A_81 : i32
      %add3A_83 = arith.addi %mul3A_6, %mul3A_82 : i32
      %dma_wait3A_84 = tpu.memref_slice %arg4[%add3A_83] : memref<163840xi32, #tpu.memory_space<hbm>> -> memref<128xi32, #tpu.memory_space<hbm>>
      %dma_wait3A_85 = tpu.memref_slice %arg4[%add3A_83] : memref<163840xi32, #tpu.memory_space<hbm>> -> memref<128xi32, #tpu.memory_space<hbm>>
      tpu.wait_dma2 semaphore(%arg18 : memref<!tpu.dma_semaphore, #tpu.memory_space<semaphore_mem>>) src(%dma_wait3A_85 : memref<128xi32, #tpu.memory_space<hbm>>) dst(%arg9 : memref<128xi32, #tpu.memory_space<vmem>>)
      %dma_wait3A_86 = tpu.memref_slice %arg5[%add3A_83] : memref<163840xf32, #tpu.memory_space<hbm>> -> memref<128xf32, #tpu.memory_space<hbm>>
      %dma_wait3A_87 = tpu.memref_slice %arg5[%add3A_83] : memref<163840xf32, #tpu.memory_space<hbm>> -> memref<128xf32, #tpu.memory_space<hbm>>
      tpu.wait_dma2 semaphore(%arg18 : memref<!tpu.dma_semaphore, #tpu.memory_space<semaphore_mem>>) src(%dma_wait3A_87 : memref<128xf32, #tpu.memory_space<hbm>>) dst(%arg11 : memref<128xf32, #tpu.memory_space<vmem>>)
      %mul3A_88 = arith.constant 128 : i32
      %mul3A_89 = arith.muli %mul3A_61, %mul3A_88 : i32
      %dma_wait3A_90 = tpu.memref_slice %arg8[%mul3A_89] : memref<10240xi32, #tpu.memory_space<vmem>> -> memref<128xi32, #tpu.memory_space<vmem>>
      %dma_wait3A_91 = arith.constant 0 : i32
      %dma_wait3A_92 = arith.constant 0 : i32
      %dma_wait3A_93 = tpu.memref_slice %arg2[%arg0, %dma_wait3A_91, %dma_wait3A_92] : memref<2x10000x128xf32, #tpu.memory_space<hbm>> -> memref<1x10000x128xf32, #tpu.memory_space<hbm>>
      %dma_wait3A_94 = tpu.memref_squeeze %dma_wait3A_93 : memref<1x10000x128xf32, #tpu.memory_space<hbm>> -> memref<10000x128xf32, #tpu.memory_space<hbm>>
      %dma_wait3A_95 = arith.constant 0 : i32
      %dma_wait3A_96 = arith.constant 0 : i32
      %dma_wait3A_97 = tpu.memref_slice %dma_wait3A_94[%dma_wait3A_95, %dma_wait3A_96] : memref<10000x128xf32, #tpu.memory_space<hbm>> -> memref<10000x128xf32, #tpu.memory_space<hbm>>
      tpu.wait_indirect_dma semaphore(%arg16 : memref<!tpu.dma_semaphore, #tpu.memory_space<semaphore_mem>>) src(%dma_wait3A_97 : memref<10000x128xf32, #tpu.memory_space<hbm>>) dst(%arg13 : memref<128x128xf32, #tpu.memory_space<vmem>>)
      %parallel_loop3A = arith.constant 0 : i32
      %parallel_loop3A_98 = arith.constant 128 : i32
      %parallel_loop3A_99 = arith.constant 1 : i32
      scf.for %parallel_loop3A_140 = %parallel_loop3A to %parallel_loop3A_98 step %parallel_loop3A_99  : i32 {
        %parallel_loop3A_141 = vector.broadcast %parallel_loop3A_140 : i32 to vector<16xi32>
        %parallel_loop3A_142 = tpu.vector_load_idx %arg11[%parallel_loop3A_141] : memref<128xf32, #tpu.memory_space<vmem>>[vector<16xi32>], vector<16xf32>,
        %parallel_loop3A_143 = arith.index_cast %parallel_loop3A_140 : i32 to index
        %parallel_loop3A_144 = arith.constant 0 : index
        %parallel_loop3A_145 = tpu.vector_load %arg13[%parallel_loop3A_143, %parallel_loop3A_144] {strides = array<i32>} : memref<128x128xf32, #tpu.memory_space<vmem>>, vector<16xf32>,
        %parallel_loop3A_146 = arith.mulf %parallel_loop3A_145, %parallel_loop3A_142 : vector<16xf32>
        %parallel_loop3A_147 = arith.index_cast %parallel_loop3A_140 : i32 to index
        %parallel_loop3A_148 = arith.constant 0 : index
        %parallel_loop3A_149 = tpu.vector_load %arg13[%parallel_loop3A_147, %parallel_loop3A_148] {strides = array<i32>} : memref<128x128xf32, #tpu.memory_space<vmem>>, vector<16xf32>,
        tpu.vector_store %arg13[%parallel_loop3A_147, %parallel_loop3A_148], %parallel_loop3A_146 {strides = array<i32>} : memref<128x128xf32, #tpu.memory_space<vmem>>, vector<16xf32>,
        %parallel_loop3A_150 = arith.index_cast %parallel_loop3A_140 : i32 to index
        %parallel_loop3A_151 = arith.constant 16 : index
        %parallel_loop3A_152 = tpu.vector_load %arg13[%parallel_loop3A_150, %parallel_loop3A_151] {strides = array<i32>} : memref<128x128xf32, #tpu.memory_space<vmem>>, vector<16xf32>,
        %parallel_loop3A_153 = arith.mulf %parallel_loop3A_152, %parallel_loop3A_142 : vector<16xf32>
        %parallel_loop3A_154 = arith.index_cast %parallel_loop3A_140 : i32 to index
        %parallel_loop3A_155 = arith.constant 16 : index
        %parallel_loop3A_156 = tpu.vector_load %arg13[%parallel_loop3A_154, %parallel_loop3A_155] {strides = array<i32>} : memref<128x128xf32, #tpu.memory_space<vmem>>, vector<16xf32>,
        tpu.vector_store %arg13[%parallel_loop3A_154, %parallel_loop3A_155], %parallel_loop3A_153 {strides = array<i32>} : memref<128x128xf32, #tpu.memory_space<vmem>>, vector<16xf32>,
        %parallel_loop3A_157 = arith.index_cast %parallel_loop3A_140 : i32 to index
        %parallel_loop3A_158 = arith.constant 32 : index
        %parallel_loop3A_159 = tpu.vector_load %arg13[%parallel_loop3A_157, %parallel_loop3A_158] {strides = array<i32>} : memref<128x128xf32, #tpu.memory_space<vmem>>, vector<16xf32>,
        %parallel_loop3A_160 = arith.mulf %parallel_loop3A_159, %parallel_loop3A_142 : vector<16xf32>
        %parallel_loop3A_161 = arith.index_cast %parallel_loop3A_140 : i32 to index
        %parallel_loop3A_162 = arith.constant 32 : index
        %parallel_loop3A_163 = tpu.vector_load %arg13[%parallel_loop3A_161, %parallel_loop3A_162] {strides = array<i32>} : memref<128x128xf32, #tpu.memory_space<vmem>>, vector<16xf32>,
        tpu.vector_store %arg13[%parallel_loop3A_161, %parallel_loop3A_162], %parallel_loop3A_160 {strides = array<i32>} : memref<128x128xf32, #tpu.memory_space<vmem>>, vector<16xf32>,
        %parallel_loop3A_164 = arith.index_cast %parallel_loop3A_140 : i32 to index
        %parallel_loop3A_165 = arith.constant 48 : index
        %parallel_loop3A_166 = tpu.vector_load %arg13[%parallel_loop3A_164, %parallel_loop3A_165] {strides = array<i32>} : memref<128x128xf32, #tpu.memory_space<vmem>>, vector<16xf32>,
        %parallel_loop3A_167 = arith.mulf %parallel_loop3A_166, %parallel_loop3A_142 : vector<16xf32>
        %parallel_loop3A_168 = arith.index_cast %parallel_loop3A_140 : i32 to index
        %parallel_loop3A_169 = arith.constant 48 : index
        %parallel_loop3A_170 = tpu.vector_load %arg13[%parallel_loop3A_168, %parallel_loop3A_169] {strides = array<i32>} : memref<128x128xf32, #tpu.memory_space<vmem>>, vector<16xf32>,
        tpu.vector_store %arg13[%parallel_loop3A_168, %parallel_loop3A_169], %parallel_loop3A_167 {strides = array<i32>} : memref<128x128xf32, #tpu.memory_space<vmem>>, vector<16xf32>,
        %parallel_loop3A_171 = arith.index_cast %parallel_loop3A_140 : i32 to index
        %parallel_loop3A_172 = arith.constant 64 : index
        %parallel_loop3A_173 = tpu.vector_load %arg13[%parallel_loop3A_171, %parallel_loop3A_172] {strides = array<i32>} : memref<128x128xf32, #tpu.memory_space<vmem>>, vector<16xf32>,
        %parallel_loop3A_174 = arith.mulf %parallel_loop3A_173, %parallel_loop3A_142 : vector<16xf32>
        %parallel_loop3A_175 = arith.index_cast %parallel_loop3A_140 : i32 to index
        %parallel_loop3A_176 = arith.constant 64 : index
        %parallel_loop3A_177 = tpu.vector_load %arg13[%parallel_loop3A_175, %parallel_loop3A_176] {strides = array<i32>} : memref<128x128xf32, #tpu.memory_space<vmem>>, vector<16xf32>,
        tpu.vector_store %arg13[%parallel_loop3A_175, %parallel_loop3A_176], %parallel_loop3A_174 {strides = array<i32>} : memref<128x128xf32, #tpu.memory_space<vmem>>, vector<16xf32>,
        %parallel_loop3A_178 = arith.index_cast %parallel_loop3A_140 : i32 to index
        %parallel_loop3A_179 = arith.constant 80 : index
        %parallel_loop3A_180 = tpu.vector_load %arg13[%parallel_loop3A_178, %parallel_loop3A_179] {strides = array<i32>} : memref<128x128xf32, #tpu.memory_space<vmem>>, vector<16xf32>,
        %parallel_loop3A_181 = arith.mulf %parallel_loop3A_180, %parallel_loop3A_142 : vector<16xf32>
        %parallel_loop3A_182 = arith.index_cast %parallel_loop3A_140 : i32 to index
        %parallel_loop3A_183 = arith.constant 80 : index
        %parallel_loop3A_184 = tpu.vector_load %arg13[%parallel_loop3A_182, %parallel_loop3A_183] {strides = array<i32>} : memref<128x128xf32, #tpu.memory_space<vmem>>, vector<16xf32>,
        tpu.vector_store %arg13[%parallel_loop3A_182, %parallel_loop3A_183], %parallel_loop3A_181 {strides = array<i32>} : memref<128x128xf32, #tpu.memory_space<vmem>>, vector<16xf32>,
        %parallel_loop3A_185 = arith.index_cast %parallel_loop3A_140 : i32 to index
        %parallel_loop3A_186 = arith.constant 96 : index
        %parallel_loop3A_187 = tpu.vector_load %arg13[%parallel_loop3A_185, %parallel_loop3A_186] {strides = array<i32>} : memref<128x128xf32, #tpu.memory_space<vmem>>, vector<16xf32>,
        %parallel_loop3A_188 = arith.mulf %parallel_loop3A_187, %parallel_loop3A_142 : vector<16xf32>
        %parallel_loop3A_189 = arith.index_cast %parallel_loop3A_140 : i32 to index
        %parallel_loop3A_190 = arith.constant 96 : index
        %parallel_loop3A_191 = tpu.vector_load %arg13[%parallel_loop3A_189, %parallel_loop3A_190] {strides = array<i32>} : memref<128x128xf32, #tpu.memory_space<vmem>>, vector<16xf32>,
        tpu.vector_store %arg13[%parallel_loop3A_189, %parallel_loop3A_190], %parallel_loop3A_188 {strides = array<i32>} : memref<128x128xf32, #tpu.memory_space<vmem>>, vector<16xf32>,
        %parallel_loop3A_192 = arith.index_cast %parallel_loop3A_140 : i32 to index
        %parallel_loop3A_193 = arith.constant 112 : index
        %parallel_loop3A_194 = tpu.vector_load %arg13[%parallel_loop3A_192, %parallel_loop3A_193] {strides = array<i32>} : memref<128x128xf32, #tpu.memory_space<vmem>>, vector<16xf32>,
        %parallel_loop3A_195 = arith.mulf %parallel_loop3A_194, %parallel_loop3A_142 : vector<16xf32>
        %parallel_loop3A_196 = arith.index_cast %parallel_loop3A_140 : i32 to index
        %parallel_loop3A_197 = arith.constant 112 : index
        %parallel_loop3A_198 = tpu.vector_load %arg13[%parallel_loop3A_196, %parallel_loop3A_197] {strides = array<i32>} : memref<128x128xf32, #tpu.memory_space<vmem>>, vector<16xf32>,
        tpu.vector_store %arg13[%parallel_loop3A_196, %parallel_loop3A_197], %parallel_loop3A_195 {strides = array<i32>} : memref<128x128xf32, #tpu.memory_space<vmem>>, vector<16xf32>,
      } {sc.loop_unroll_factor = 4 : i64, sc.parallel_access}
      %dma_start3A_100 = arith.constant 0 : i32
      %dma_start3A_101 = arith.constant 0 : i32
      %dma_start3A_102 = tpu.memref_slice %arg15[%dma_start3A_100, %dma_start3A_101] : memref<10000x128xf32, #tpu.memory_space<vmem_shared>> -> memref<10000x128xf32, #tpu.memory_space<vmem_shared>>
      tpu.enqueue_indirect_dma source(%arg13 : memref<128x128xf32, #tpu.memory_space<vmem>>) target(%dma_start3A_102 : memref<10000x128xf32, #tpu.memory_space<vmem_shared>>) offsets(%arg9 : memref<128xi32, #tpu.memory_space<vmem>>) semaphore(%arg20 : memref<!tpu.dma_semaphore, #tpu.memory_space<semaphore_mem>>) {add = true}
      %add3A_103 = arith.constant 1 : i32
      %add3A_104 = arith.addi %add3A_59, %add3A_103 : i32
      %lt3A_105 = arith.constant 40 : i32
      %lt3A_106 = arith.cmpi slt, %add3A_104, %lt3A_105 : i32
      %convert_element_type3A_107 = arith.extui %lt3A_106 : i1 to i32
      %cond3A_108 = arith.constant 0 : i32
      %cond3A_109 = arith.cmpi ne, %convert_element_type3A_107, %cond3A_108 : i32
      scf.if %cond3A_109 {
        %dma_wait3A_140 = arith.constant 0 : i32
        %dma_wait3A_141 = arith.constant 0 : i32
        %dma_wait3A_142 = tpu.memref_slice %arg15[%dma_wait3A_140, %dma_wait3A_141] : memref<10000x128xf32, #tpu.memory_space<vmem_shared>> -> memref<10000x128xf32, #tpu.memory_space<vmem_shared>>
        tpu.wait_indirect_dma semaphore(%arg20 : memref<!tpu.dma_semaphore, #tpu.memory_space<semaphore_mem>>) src(%arg13 : memref<128x128xf32, #tpu.memory_space<vmem>>) dst(%dma_wait3A_142 : memref<10000x128xf32, #tpu.memory_space<vmem_shared>>)
        %add3A_143 = arith.constant 2 : i32
        %add3A_144 = arith.addi %mul3A_61, %add3A_143 : i32
        %mul3A_145 = arith.constant 128 : i32
        %mul3A_146 = arith.muli %add3A_144, %mul3A_145 : i32
        %add3A_147 = arith.addi %mul3A_6, %mul3A_146 : i32
        %dma_start3A_148 = tpu.memref_slice %arg4[%add3A_147] : memref<163840xi32, #tpu.memory_space<hbm>> -> memref<128xi32, #tpu.memory_space<hbm>>
        %dma_start3A_149 = tpu.memref_slice %arg4[%add3A_147] : memref<163840xi32, #tpu.memory_space<hbm>> -> memref<128xi32, #tpu.memory_space<hbm>>
        tpu.enqueue_dma source(%dma_start3A_149 : memref<128xi32, #tpu.memory_space<hbm>>) target(%arg9 : memref<128xi32, #tpu.memory_space<vmem>>) target_semaphore(%arg18 : memref<!tpu.dma_semaphore, #tpu.memory_space<semaphore_mem>>)
        %dma_start3A_150 = tpu.memref_slice %arg5[%add3A_147] : memref<163840xf32, #tpu.memory_space<hbm>> -> memref<128xf32, #tpu.memory_space<hbm>>
        %dma_start3A_151 = tpu.memref_slice %arg5[%add3A_147] : memref<163840xf32, #tpu.memory_space<hbm>> -> memref<128xf32, #tpu.memory_space<hbm>>
        tpu.enqueue_dma source(%dma_start3A_151 : memref<128xf32, #tpu.memory_space<hbm>>) target(%arg11 : memref<128xf32, #tpu.memory_space<vmem>>) target_semaphore(%arg18 : memref<!tpu.dma_semaphore, #tpu.memory_space<semaphore_mem>>)
        %mul3A_152 = arith.constant 128 : i32
        %mul3A_153 = arith.muli %add3A_144, %mul3A_152 : i32
        %dma_start3A_154 = tpu.memref_slice %arg8[%mul3A_153] : memref<10240xi32, #tpu.memory_space<vmem>> -> memref<128xi32, #tpu.memory_space<vmem>>
        %dma_start3A_155 = arith.constant 0 : i32
        %dma_start3A_156 = arith.constant 0 : i32
        %dma_start3A_157 = tpu.memref_slice %arg2[%arg0, %dma_start3A_155, %dma_start3A_156] : memref<2x10000x128xf32, #tpu.memory_space<hbm>> -> memref<1x10000x128xf32, #tpu.memory_space<hbm>>
        %dma_start3A_158 = tpu.memref_squeeze %dma_start3A_157 : memref<1x10000x128xf32, #tpu.memory_space<hbm>> -> memref<10000x128xf32, #tpu.memory_space<hbm>>
        %dma_start3A_159 = arith.constant 0 : i32
        %dma_start3A_160 = arith.constant 0 : i32
        %dma_start3A_161 = tpu.memref_slice %dma_start3A_158[%dma_start3A_159, %dma_start3A_160] : memref<10000x128xf32, #tpu.memory_space<hbm>> -> memref<10000x128xf32, #tpu.memory_space<hbm>>
        tpu.enqueue_indirect_dma source(%dma_start3A_161 : memref<10000x128xf32, #tpu.memory_space<hbm>>) target(%arg13 : memref<128x128xf32, #tpu.memory_space<vmem>>) offsets(%dma_start3A_154 : memref<128xi32, #tpu.memory_space<vmem>>) semaphore(%arg16 : memref<!tpu.dma_semaphore, #tpu.memory_space<semaphore_mem>>)
      } else {
      }
      %mul3A_110 = arith.constant 128 : i32
      %mul3A_111 = arith.muli %add3A_63, %mul3A_110 : i32
      %add3A_112 = arith.addi %mul3A_6, %mul3A_111 : i32
      %dma_wait3A_113 = tpu.memref_slice %arg4[%add3A_112] : memref<163840xi32, #tpu.memory_space<hbm>> -> memref<128xi32, #tpu.memory_space<hbm>>
      %dma_wait3A_114 = tpu.memref_slice %arg4[%add3A_112] : memref<163840xi32, #tpu.memory_space<hbm>> -> memref<128xi32, #tpu.memory_space<hbm>>
      tpu.wait_dma2 semaphore(%arg19 : memref<!tpu.dma_semaphore, #tpu.memory_space<semaphore_mem>>) src(%dma_wait3A_114 : memref<128xi32, #tpu.memory_space<hbm>>) dst(%arg10 : memref<128xi32, #tpu.memory_space<vmem>>)
      %dma_wait3A_115 = tpu.memref_slice %arg5[%add3A_112] : memref<163840xf32, #tpu.memory_space<hbm>> -> memref<128xf32, #tpu.memory_space<hbm>>
      %dma_wait3A_116 = tpu.memref_slice %arg5[%add3A_112] : memref<163840xf32, #tpu.memory_space<hbm>> -> memref<128xf32, #tpu.memory_space<hbm>>
      tpu.wait_dma2 semaphore(%arg19 : memref<!tpu.dma_semaphore, #tpu.memory_space<semaphore_mem>>) src(%dma_wait3A_116 : memref<128xf32, #tpu.memory_space<hbm>>) dst(%arg12 : memref<128xf32, #tpu.memory_space<vmem>>)
      %mul3A_117 = arith.constant 128 : i32
      %mul3A_118 = arith.muli %add3A_63, %mul3A_117 : i32
      %dma_wait3A_119 = tpu.memref_slice %arg8[%mul3A_118] : memref<10240xi32, #tpu.memory_space<vmem>> -> memref<128xi32, #tpu.memory_space<vmem>>
      %dma_wait3A_120 = arith.constant 0 : i32
      %dma_wait3A_121 = arith.constant 0 : i32
      %dma_wait3A_122 = tpu.memref_slice %arg2[%arg0, %dma_wait3A_120, %dma_wait3A_121] : memref<2x10000x128xf32, #tpu.memory_space<hbm>> -> memref<1x10000x128xf32, #tpu.memory_space<hbm>>
      %dma_wait3A_123 = tpu.memref_squeeze %dma_wait3A_122 : memref<1x10000x128xf32, #tpu.memory_space<hbm>> -> memref<10000x128xf32, #tpu.memory_space<hbm>>
      %dma_wait3A_124 = arith.constant 0 : i32
      %dma_wait3A_125 = arith.constant 0 : i32
      %dma_wait3A_126 = tpu.memref_slice %dma_wait3A_123[%dma_wait3A_124, %dma_wait3A_125] : memref<10000x128xf32, #tpu.memory_space<hbm>> -> memref<10000x128xf32, #tpu.memory_space<hbm>>
      tpu.wait_indirect_dma semaphore(%arg17 : memref<!tpu.dma_semaphore, #tpu.memory_space<semaphore_mem>>) src(%dma_wait3A_126 : memref<10000x128xf32, #tpu.memory_space<hbm>>) dst(%arg14 : memref<128x128xf32, #tpu.memory_space<vmem>>)
      %parallel_loop3A_127 = arith.constant 0 : i32
      %parallel_loop3A_128 = arith.constant 128 : i32
      %parallel_loop3A_129 = arith.constant 1 : i32
      scf.for %parallel_loop3A_140 = %parallel_loop3A_127 to %parallel_loop3A_128 step %parallel_loop3A_129  : i32 {
        %parallel_loop3A_141 = vector.broadcast %parallel_loop3A_140 : i32 to vector<16xi32>
        %parallel_loop3A_142 = tpu.vector_load_idx %arg12[%parallel_loop3A_141] : memref<128xf32, #tpu.memory_space<vmem>>[vector<16xi32>], vector<16xf32>,
        %parallel_loop3A_143 = arith.index_cast %parallel_loop3A_140 : i32 to index
        %parallel_loop3A_144 = arith.constant 0 : index
        %parallel_loop3A_145 = tpu.vector_load %arg14[%parallel_loop3A_143, %parallel_loop3A_144] {strides = array<i32>} : memref<128x128xf32, #tpu.memory_space<vmem>>, vector<16xf32>,
        %parallel_loop3A_146 = arith.mulf %parallel_loop3A_145, %parallel_loop3A_142 : vector<16xf32>
        %parallel_loop3A_147 = arith.index_cast %parallel_loop3A_140 : i32 to index
        %parallel_loop3A_148 = arith.constant 0 : index
        %parallel_loop3A_149 = tpu.vector_load %arg14[%parallel_loop3A_147, %parallel_loop3A_148] {strides = array<i32>} : memref<128x128xf32, #tpu.memory_space<vmem>>, vector<16xf32>,
        tpu.vector_store %arg14[%parallel_loop3A_147, %parallel_loop3A_148], %parallel_loop3A_146 {strides = array<i32>} : memref<128x128xf32, #tpu.memory_space<vmem>>, vector<16xf32>,
        %parallel_loop3A_150 = arith.index_cast %parallel_loop3A_140 : i32 to index
        %parallel_loop3A_151 = arith.constant 16 : index
        %parallel_loop3A_152 = tpu.vector_load %arg14[%parallel_loop3A_150, %parallel_loop3A_151] {strides = array<i32>} : memref<128x128xf32, #tpu.memory_space<vmem>>, vector<16xf32>,
        %parallel_loop3A_153 = arith.mulf %parallel_loop3A_152, %parallel_loop3A_142 : vector<16xf32>
        %parallel_loop3A_154 = arith.index_cast %parallel_loop3A_140 : i32 to index
        %parallel_loop3A_155 = arith.constant 16 : index
        %parallel_loop3A_156 = tpu.vector_load %arg14[%parallel_loop3A_154, %parallel_loop3A_155] {strides = array<i32>} : memref<128x128xf32, #tpu.memory_space<vmem>>, vector<16xf32>,
        tpu.vector_store %arg14[%parallel_loop3A_154, %parallel_loop3A_155], %parallel_loop3A_153 {strides = array<i32>} : memref<128x128xf32, #tpu.memory_space<vmem>>, vector<16xf32>,
        %parallel_loop3A_157 = arith.index_cast %parallel_loop3A_140 : i32 to index
        %parallel_loop3A_158 = arith.constant 32 : index
        %parallel_loop3A_159 = tpu.vector_load %arg14[%parallel_loop3A_157, %parallel_loop3A_158] {strides = array<i32>} : memref<128x128xf32, #tpu.memory_space<vmem>>, vector<16xf32>,
        %parallel_loop3A_160 = arith.mulf %parallel_loop3A_159, %parallel_loop3A_142 : vector<16xf32>
        %parallel_loop3A_161 = arith.index_cast %parallel_loop3A_140 : i32 to index
        %parallel_loop3A_162 = arith.constant 32 : index
        %parallel_loop3A_163 = tpu.vector_load %arg14[%parallel_loop3A_161, %parallel_loop3A_162] {strides = array<i32>} : memref<128x128xf32, #tpu.memory_space<vmem>>, vector<16xf32>,
        tpu.vector_store %arg14[%parallel_loop3A_161, %parallel_loop3A_162], %parallel_loop3A_160 {strides = array<i32>} : memref<128x128xf32, #tpu.memory_space<vmem>>, vector<16xf32>,
        %parallel_loop3A_164 = arith.index_cast %parallel_loop3A_140 : i32 to index
        %parallel_loop3A_165 = arith.constant 48 : index
        %parallel_loop3A_166 = tpu.vector_load %arg14[%parallel_loop3A_164, %parallel_loop3A_165] {strides = array<i32>} : memref<128x128xf32, #tpu.memory_space<vmem>>, vector<16xf32>,
        %parallel_loop3A_167 = arith.mulf %parallel_loop3A_166, %parallel_loop3A_142 : vector<16xf32>
        %parallel_loop3A_168 = arith.index_cast %parallel_loop3A_140 : i32 to index
        %parallel_loop3A_169 = arith.constant 48 : index
        %parallel_loop3A_170 = tpu.vector_load %arg14[%parallel_loop3A_168, %parallel_loop3A_169] {strides = array<i32>} : memref<128x128xf32, #tpu.memory_space<vmem>>, vector<16xf32>,
        tpu.vector_store %arg14[%parallel_loop3A_168, %parallel_loop3A_169], %parallel_loop3A_167 {strides = array<i32>} : memref<128x128xf32, #tpu.memory_space<vmem>>, vector<16xf32>,
        %parallel_loop3A_171 = arith.index_cast %parallel_loop3A_140 : i32 to index
        %parallel_loop3A_172 = arith.constant 64 : index
        %parallel_loop3A_173 = tpu.vector_load %arg14[%parallel_loop3A_171, %parallel_loop3A_172] {strides = array<i32>} : memref<128x128xf32, #tpu.memory_space<vmem>>, vector<16xf32>,
        %parallel_loop3A_174 = arith.mulf %parallel_loop3A_173, %parallel_loop3A_142 : vector<16xf32>
        %parallel_loop3A_175 = arith.index_cast %parallel_loop3A_140 : i32 to index
        %parallel_loop3A_176 = arith.constant 64 : index
        %parallel_loop3A_177 = tpu.vector_load %arg14[%parallel_loop3A_175, %parallel_loop3A_176] {strides = array<i32>} : memref<128x128xf32, #tpu.memory_space<vmem>>, vector<16xf32>,
        tpu.vector_store %arg14[%parallel_loop3A_175, %parallel_loop3A_176], %parallel_loop3A_174 {strides = array<i32>} : memref<128x128xf32, #tpu.memory_space<vmem>>, vector<16xf32>,
        %parallel_loop3A_178 = arith.index_cast %parallel_loop3A_140 : i32 to index
        %parallel_loop3A_179 = arith.constant 80 : index
        %parallel_loop3A_180 = tpu.vector_load %arg14[%parallel_loop3A_178, %parallel_loop3A_179] {strides = array<i32>} : memref<128x128xf32, #tpu.memory_space<vmem>>, vector<16xf32>,
        %parallel_loop3A_181 = arith.mulf %parallel_loop3A_180, %parallel_loop3A_142 : vector<16xf32>
        %parallel_loop3A_182 = arith.index_cast %parallel_loop3A_140 : i32 to index
        %parallel_loop3A_183 = arith.constant 80 : index
        %parallel_loop3A_184 = tpu.vector_load %arg14[%parallel_loop3A_182, %parallel_loop3A_183] {strides = array<i32>} : memref<128x128xf32, #tpu.memory_space<vmem>>, vector<16xf32>,
        tpu.vector_store %arg14[%parallel_loop3A_182, %parallel_loop3A_183], %parallel_loop3A_181 {strides = array<i32>} : memref<128x128xf32, #tpu.memory_space<vmem>>, vector<16xf32>,
        %parallel_loop3A_185 = arith.index_cast %parallel_loop3A_140 : i32 to index
        %parallel_loop3A_186 = arith.constant 96 : index
        %parallel_loop3A_187 = tpu.vector_load %arg14[%parallel_loop3A_185, %parallel_loop3A_186] {strides = array<i32>} : memref<128x128xf32, #tpu.memory_space<vmem>>, vector<16xf32>,
        %parallel_loop3A_188 = arith.mulf %parallel_loop3A_187, %parallel_loop3A_142 : vector<16xf32>
        %parallel_loop3A_189 = arith.index_cast %parallel_loop3A_140 : i32 to index
        %parallel_loop3A_190 = arith.constant 96 : index
        %parallel_loop3A_191 = tpu.vector_load %arg14[%parallel_loop3A_189, %parallel_loop3A_190] {strides = array<i32>} : memref<128x128xf32, #tpu.memory_space<vmem>>, vector<16xf32>,
        tpu.vector_store %arg14[%parallel_loop3A_189, %parallel_loop3A_190], %parallel_loop3A_188 {strides = array<i32>} : memref<128x128xf32, #tpu.memory_space<vmem>>, vector<16xf32>,
        %parallel_loop3A_192 = arith.index_cast %parallel_loop3A_140 : i32 to index
        %parallel_loop3A_193 = arith.constant 112 : index
        %parallel_loop3A_194 = tpu.vector_load %arg14[%parallel_loop3A_192, %parallel_loop3A_193] {strides = array<i32>} : memref<128x128xf32, #tpu.memory_space<vmem>>, vector<16xf32>,
        %parallel_loop3A_195 = arith.mulf %parallel_loop3A_194, %parallel_loop3A_142 : vector<16xf32>
        %parallel_loop3A_196 = arith.index_cast %parallel_loop3A_140 : i32 to index
        %parallel_loop3A_197 = arith.constant 112 : index
        %parallel_loop3A_198 = tpu.vector_load %arg14[%parallel_loop3A_196, %parallel_loop3A_197] {strides = array<i32>} : memref<128x128xf32, #tpu.memory_space<vmem>>, vector<16xf32>,
        tpu.vector_store %arg14[%parallel_loop3A_196, %parallel_loop3A_197], %parallel_loop3A_195 {strides = array<i32>} : memref<128x128xf32, #tpu.memory_space<vmem>>, vector<16xf32>,
      } {sc.loop_unroll_factor = 4 : i64, sc.parallel_access}
      %dma_start3A_130 = arith.constant 0 : i32
      %dma_start3A_131 = arith.constant 0 : i32
      %dma_start3A_132 = tpu.memref_slice %arg15[%dma_start3A_130, %dma_start3A_131] : memref<10000x128xf32, #tpu.memory_space<vmem_shared>> -> memref<10000x128xf32, #tpu.memory_space<vmem_shared>>
      tpu.enqueue_indirect_dma source(%arg14 : memref<128x128xf32, #tpu.memory_space<vmem>>) target(%dma_start3A_132 : memref<10000x128xf32, #tpu.memory_space<vmem_shared>>) offsets(%arg10 : memref<128xi32, #tpu.memory_space<vmem>>) semaphore(%arg21 : memref<!tpu.dma_semaphore, #tpu.memory_space<semaphore_mem>>) {add = true}
      %add3A_133 = arith.constant 1 : i32
      %add3A_134 = arith.addi %add3A_59, %add3A_133 : i32
      %lt3A_135 = arith.constant 40 : i32
      %lt3A_136 = arith.cmpi slt, %add3A_134, %lt3A_135 : i32
      %convert_element_type3A_137 = arith.extui %lt3A_136 : i1 to i32
      %cond3A_138 = arith.constant 0 : i32
      %cond3A_139 = arith.cmpi ne, %convert_element_type3A_137, %cond3A_138 : i32
      scf.if %cond3A_139 {
        %dma_wait3A_140 = arith.constant 0 : i32
        %dma_wait3A_141 = arith.constant 0 : i32
        %dma_wait3A_142 = tpu.memref_slice %arg15[%dma_wait3A_140, %dma_wait3A_141] : memref<10000x128xf32, #tpu.memory_space<vmem_shared>> -> memref<10000x128xf32, #tpu.memory_space<vmem_shared>>
        tpu.wait_indirect_dma semaphore(%arg21 : memref<!tpu.dma_semaphore, #tpu.memory_space<semaphore_mem>>) src(%arg14 : memref<128x128xf32, #tpu.memory_space<vmem>>) dst(%dma_wait3A_142 : memref<10000x128xf32, #tpu.memory_space<vmem_shared>>)
      } else {
      }
    }
    %while3A_40 = arith.constant 1 : i32
    scf.for %while3A_57 = %while3A_38 to %while3A_34 step %while3A_40  : i32 {
      %mul3A_58 = arith.muli %while3A_57, %while3A : i32
      %add3A_59 = arith.addi %while3A_31, %mul3A_58 : i32
      %mul3A_60 = arith.constant 2 : i32
      %mul3A_61 = arith.muli %add3A_59, %mul3A_60 : i32
      %add3A_62 = arith.constant 1 : i32
      %add3A_63 = arith.addi %mul3A_61, %add3A_62 : i32
      %mul3A_64 = arith.constant 128 : i32
      %mul3A_65 = arith.muli %add3A_63, %mul3A_64 : i32
      %add3A_66 = arith.addi %mul3A_6, %mul3A_65 : i32
      %dma_start3A_67 = tpu.memref_slice %arg4[%add3A_66] : memref<163840xi32, #tpu.memory_space<hbm>> -> memref<128xi32, #tpu.memory_space<hbm>>
      %dma_start3A_68 = tpu.memref_slice %arg4[%add3A_66] : memref<163840xi32, #tpu.memory_space<hbm>> -> memref<128xi32, #tpu.memory_space<hbm>>
      tpu.enqueue_dma source(%dma_start3A_68 : memref<128xi32, #tpu.memory_space<hbm>>) target(%arg10 : memref<128xi32, #tpu.memory_space<vmem>>) target_semaphore(%arg19 : memref<!tpu.dma_semaphore, #tpu.memory_space<semaphore_mem>>)
      %dma_start3A_69 = tpu.memref_slice %arg5[%add3A_66] : memref<163840xf32, #tpu.memory_space<hbm>> -> memref<128xf32, #tpu.memory_space<hbm>>
      %dma_start3A_70 = tpu.memref_slice %arg5[%add3A_66] : memref<163840xf32, #tpu.memory_space<hbm>> -> memref<128xf32, #tpu.memory_space<hbm>>
      tpu.enqueue_dma source(%dma_start3A_70 : memref<128xf32, #tpu.memory_space<hbm>>) target(%arg12 : memref<128xf32, #tpu.memory_space<vmem>>) target_semaphore(%arg19 : memref<!tpu.dma_semaphore, #tpu.memory_space<semaphore_mem>>)
      %mul3A_71 = arith.constant 128 : i32
      %mul3A_72 = arith.muli %add3A_63, %mul3A_71 : i32
      %dma_start3A_73 = tpu.memref_slice %arg8[%mul3A_72] : memref<10240xi32, #tpu.memory_space<vmem>> -> memref<128xi32, #tpu.memory_space<vmem>>
      %dma_start3A_74 = arith.constant 0 : i32
      %dma_start3A_75 = arith.constant 0 : i32
      %dma_start3A_76 = tpu.memref_slice %arg2[%arg0, %dma_start3A_74, %dma_start3A_75] : memref<2x10000x128xf32, #tpu.memory_space<hbm>> -> memref<1x10000x128xf32, #tpu.memory_space<hbm>>
      %dma_start3A_77 = tpu.memref_squeeze %dma_start3A_76 : memref<1x10000x128xf32, #tpu.memory_space<hbm>> -> memref<10000x128xf32, #tpu.memory_space<hbm>>
      %dma_start3A_78 = arith.constant 0 : i32
      %dma_start3A_79 = arith.constant 0 : i32
      %dma_start3A_80 = tpu.memref_slice %dma_start3A_77[%dma_start3A_78, %dma_start3A_79] : memref<10000x128xf32, #tpu.memory_space<hbm>> -> memref<10000x128xf32, #tpu.memory_space<hbm>>
      tpu.enqueue_indirect_dma source(%dma_start3A_80 : memref<10000x128xf32, #tpu.memory_space<hbm>>) target(%arg14 : memref<128x128xf32, #tpu.memory_space<vmem>>) offsets(%dma_start3A_73 : memref<128xi32, #tpu.memory_space<vmem>>) semaphore(%arg17 : memref<!tpu.dma_semaphore, #tpu.memory_space<semaphore_mem>>)
      %mul3A_81 = arith.constant 128 : i32
      %mul3A_82 = arith.muli %mul3A_61, %mul3A_81 : i32
      %add3A_83 = arith.addi %mul3A_6, %mul3A_82 : i32
      %dma_wait3A_84 = tpu.memref_slice %arg4[%add3A_83] : memref<163840xi32, #tpu.memory_space<hbm>> -> memref<128xi32, #tpu.memory_space<hbm>>
      %dma_wait3A_85 = tpu.memref_slice %arg4[%add3A_83] : memref<163840xi32, #tpu.memory_space<hbm>> -> memref<128xi32, #tpu.memory_space<hbm>>
      tpu.wait_dma2 semaphore(%arg18 : memref<!tpu.dma_semaphore, #tpu.memory_space<semaphore_mem>>) src(%dma_wait3A_85 : memref<128xi32, #tpu.memory_space<hbm>>) dst(%arg9 : memref<128xi32, #tpu.memory_space<vmem>>)
      %dma_wait3A_86 = tpu.memref_slice %arg5[%add3A_83] : memref<163840xf32, #tpu.memory_space<hbm>> -> memref<128xf32, #tpu.memory_space<hbm>>
      %dma_wait3A_87 = tpu.memref_slice %arg5[%add3A_83] : memref<163840xf32, #tpu.memory_space<hbm>> -> memref<128xf32, #tpu.memory_space<hbm>>
      tpu.wait_dma2 semaphore(%arg18 : memref<!tpu.dma_semaphore, #tpu.memory_space<semaphore_mem>>) src(%dma_wait3A_87 : memref<128xf32, #tpu.memory_space<hbm>>) dst(%arg11 : memref<128xf32, #tpu.memory_space<vmem>>)
      %mul3A_88 = arith.constant 128 : i32
      %mul3A_89 = arith.muli %mul3A_61, %mul3A_88 : i32
      %dma_wait3A_90 = tpu.memref_slice %arg8[%mul3A_89] : memref<10240xi32, #tpu.memory_space<vmem>> -> memref<128xi32, #tpu.memory_space<vmem>>
      %dma_wait3A_91 = arith.constant 0 : i32
      %dma_wait3A_92 = arith.constant 0 : i32
      %dma_wait3A_93 = tpu.memref_slice %arg2[%arg0, %dma_wait3A_91, %dma_wait3A_92] : memref<2x10000x128xf32, #tpu.memory_space<hbm>> -> memref<1x10000x128xf32, #tpu.memory_space<hbm>>
      %dma_wait3A_94 = tpu.memref_squeeze %dma_wait3A_93 : memref<1x10000x128xf32, #tpu.memory_space<hbm>> -> memref<10000x128xf32, #tpu.memory_space<hbm>>
      %dma_wait3A_95 = arith.constant 0 : i32
      %dma_wait3A_96 = arith.constant 0 : i32
      %dma_wait3A_97 = tpu.memref_slice %dma_wait3A_94[%dma_wait3A_95, %dma_wait3A_96] : memref<10000x128xf32, #tpu.memory_space<hbm>> -> memref<10000x128xf32, #tpu.memory_space<hbm>>
      tpu.wait_indirect_dma semaphore(%arg16 : memref<!tpu.dma_semaphore, #tpu.memory_space<semaphore_mem>>) src(%dma_wait3A_97 : memref<10000x128xf32, #tpu.memory_space<hbm>>) dst(%arg13 : memref<128x128xf32, #tpu.memory_space<vmem>>)
      %parallel_loop3A = arith.constant 0 : i32
      %parallel_loop3A_98 = arith.constant 128 : i32
      %parallel_loop3A_99 = arith.constant 1 : i32
      scf.for %parallel_loop3A_140 = %parallel_loop3A to %parallel_loop3A_98 step %parallel_loop3A_99  : i32 {
        %parallel_loop3A_141 = vector.broadcast %parallel_loop3A_140 : i32 to vector<16xi32>
        %parallel_loop3A_142 = tpu.vector_load_idx %arg11[%parallel_loop3A_141] : memref<128xf32, #tpu.memory_space<vmem>>[vector<16xi32>], vector<16xf32>,
        %parallel_loop3A_143 = arith.index_cast %parallel_loop3A_140 : i32 to index
        %parallel_loop3A_144 = arith.constant 0 : index
        %parallel_loop3A_145 = tpu.vector_load %arg13[%parallel_loop3A_143, %parallel_loop3A_144] {strides = array<i32>} : memref<128x128xf32, #tpu.memory_space<vmem>>, vector<16xf32>,
        %parallel_loop3A_146 = arith.mulf %parallel_loop3A_145, %parallel_loop3A_142 : vector<16xf32>
        %parallel_loop3A_147 = arith.index_cast %parallel_loop3A_140 : i32 to index
        %parallel_loop3A_148 = arith.constant 0 : index
        %parallel_loop3A_149 = tpu.vector_load %arg13[%parallel_loop3A_147, %parallel_loop3A_148] {strides = array<i32>} : memref<128x128xf32, #tpu.memory_space<vmem>>, vector<16xf32>,
        tpu.vector_store %arg13[%parallel_loop3A_147, %parallel_loop3A_148], %parallel_loop3A_146 {strides = array<i32>} : memref<128x128xf32, #tpu.memory_space<vmem>>, vector<16xf32>,
        %parallel_loop3A_150 = arith.index_cast %parallel_loop3A_140 : i32 to index
        %parallel_loop3A_151 = arith.constant 16 : index
        %parallel_loop3A_152 = tpu.vector_load %arg13[%parallel_loop3A_150, %parallel_loop3A_151] {strides = array<i32>} : memref<128x128xf32, #tpu.memory_space<vmem>>, vector<16xf32>,
        %parallel_loop3A_153 = arith.mulf %parallel_loop3A_152, %parallel_loop3A_142 : vector<16xf32>
        %parallel_loop3A_154 = arith.index_cast %parallel_loop3A_140 : i32 to index
        %parallel_loop3A_155 = arith.constant 16 : index
        %parallel_loop3A_156 = tpu.vector_load %arg13[%parallel_loop3A_154, %parallel_loop3A_155] {strides = array<i32>} : memref<128x128xf32, #tpu.memory_space<vmem>>, vector<16xf32>,
        tpu.vector_store %arg13[%parallel_loop3A_154, %parallel_loop3A_155], %parallel_loop3A_153 {strides = array<i32>} : memref<128x128xf32, #tpu.memory_space<vmem>>, vector<16xf32>,
        %parallel_loop3A_157 = arith.index_cast %parallel_loop3A_140 : i32 to index
        %parallel_loop3A_158 = arith.constant 32 : index
        %parallel_loop3A_159 = tpu.vector_load %arg13[%parallel_loop3A_157, %parallel_loop3A_158] {strides = array<i32>} : memref<128x128xf32, #tpu.memory_space<vmem>>, vector<16xf32>,
        %parallel_loop3A_160 = arith.mulf %parallel_loop3A_159, %parallel_loop3A_142 : vector<16xf32>
        %parallel_loop3A_161 = arith.index_cast %parallel_loop3A_140 : i32 to index
        %parallel_loop3A_162 = arith.constant 32 : index
        %parallel_loop3A_163 = tpu.vector_load %arg13[%parallel_loop3A_161, %parallel_loop3A_162] {strides = array<i32>} : memref<128x128xf32, #tpu.memory_space<vmem>>, vector<16xf32>,
        tpu.vector_store %arg13[%parallel_loop3A_161, %parallel_loop3A_162], %parallel_loop3A_160 {strides = array<i32>} : memref<128x128xf32, #tpu.memory_space<vmem>>, vector<16xf32>,
        %parallel_loop3A_164 = arith.index_cast %parallel_loop3A_140 : i32 to index
        %parallel_loop3A_165 = arith.constant 48 : index
        %parallel_loop3A_166 = tpu.vector_load %arg13[%parallel_loop3A_164, %parallel_loop3A_165] {strides = array<i32>} : memref<128x128xf32, #tpu.memory_space<vmem>>, vector<16xf32>,
        %parallel_loop3A_167 = arith.mulf %parallel_loop3A_166, %parallel_loop3A_142 : vector<16xf32>
        %parallel_loop3A_168 = arith.index_cast %parallel_loop3A_140 : i32 to index
        %parallel_loop3A_169 = arith.constant 48 : index
        %parallel_loop3A_170 = tpu.vector_load %arg13[%parallel_loop3A_168, %parallel_loop3A_169] {strides = array<i32>} : memref<128x128xf32, #tpu.memory_space<vmem>>, vector<16xf32>,
        tpu.vector_store %arg13[%parallel_loop3A_168, %parallel_loop3A_169], %parallel_loop3A_167 {strides = array<i32>} : memref<128x128xf32, #tpu.memory_space<vmem>>, vector<16xf32>,
        %parallel_loop3A_171 = arith.index_cast %parallel_loop3A_140 : i32 to index
        %parallel_loop3A_172 = arith.constant 64 : index
        %parallel_loop3A_173 = tpu.vector_load %arg13[%parallel_loop3A_171, %parallel_loop3A_172] {strides = array<i32>} : memref<128x128xf32, #tpu.memory_space<vmem>>, vector<16xf32>,
        %parallel_loop3A_174 = arith.mulf %parallel_loop3A_173, %parallel_loop3A_142 : vector<16xf32>
        %parallel_loop3A_175 = arith.index_cast %parallel_loop3A_140 : i32 to index
        %parallel_loop3A_176 = arith.constant 64 : index
        %parallel_loop3A_177 = tpu.vector_load %arg13[%parallel_loop3A_175, %parallel_loop3A_176] {strides = array<i32>} : memref<128x128xf32, #tpu.memory_space<vmem>>, vector<16xf32>,
        tpu.vector_store %arg13[%parallel_loop3A_175, %parallel_loop3A_176], %parallel_loop3A_174 {strides = array<i32>} : memref<128x128xf32, #tpu.memory_space<vmem>>, vector<16xf32>,
        %parallel_loop3A_178 = arith.index_cast %parallel_loop3A_140 : i32 to index
        %parallel_loop3A_179 = arith.constant 80 : index
        %parallel_loop3A_180 = tpu.vector_load %arg13[%parallel_loop3A_178, %parallel_loop3A_179] {strides = array<i32>} : memref<128x128xf32, #tpu.memory_space<vmem>>, vector<16xf32>,
        %parallel_loop3A_181 = arith.mulf %parallel_loop3A_180, %parallel_loop3A_142 : vector<16xf32>
        %parallel_loop3A_182 = arith.index_cast %parallel_loop3A_140 : i32 to index
        %parallel_loop3A_183 = arith.constant 80 : index
        %parallel_loop3A_184 = tpu.vector_load %arg13[%parallel_loop3A_182, %parallel_loop3A_183] {strides = array<i32>} : memref<128x128xf32, #tpu.memory_space<vmem>>, vector<16xf32>,
        tpu.vector_store %arg13[%parallel_loop3A_182, %parallel_loop3A_183], %parallel_loop3A_181 {strides = array<i32>} : memref<128x128xf32, #tpu.memory_space<vmem>>, vector<16xf32>,
        %parallel_loop3A_185 = arith.index_cast %parallel_loop3A_140 : i32 to index
        %parallel_loop3A_186 = arith.constant 96 : index
        %parallel_loop3A_187 = tpu.vector_load %arg13[%parallel_loop3A_185, %parallel_loop3A_186] {strides = array<i32>} : memref<128x128xf32, #tpu.memory_space<vmem>>, vector<16xf32>,
        %parallel_loop3A_188 = arith.mulf %parallel_loop3A_187, %parallel_loop3A_142 : vector<16xf32>
        %parallel_loop3A_189 = arith.index_cast %parallel_loop3A_140 : i32 to index
        %parallel_loop3A_190 = arith.constant 96 : index
        %parallel_loop3A_191 = tpu.vector_load %arg13[%parallel_loop3A_189, %parallel_loop3A_190] {strides = array<i32>} : memref<128x128xf32, #tpu.memory_space<vmem>>, vector<16xf32>,
        tpu.vector_store %arg13[%parallel_loop3A_189, %parallel_loop3A_190], %parallel_loop3A_188 {strides = array<i32>} : memref<128x128xf32, #tpu.memory_space<vmem>>, vector<16xf32>,
        %parallel_loop3A_192 = arith.index_cast %parallel_loop3A_140 : i32 to index
        %parallel_loop3A_193 = arith.constant 112 : index
        %parallel_loop3A_194 = tpu.vector_load %arg13[%parallel_loop3A_192, %parallel_loop3A_193] {strides = array<i32>} : memref<128x128xf32, #tpu.memory_space<vmem>>, vector<16xf32>,
        %parallel_loop3A_195 = arith.mulf %parallel_loop3A_194, %parallel_loop3A_142 : vector<16xf32>
        %parallel_loop3A_196 = arith.index_cast %parallel_loop3A_140 : i32 to index
        %parallel_loop3A_197 = arith.constant 112 : index
        %parallel_loop3A_198 = tpu.vector_load %arg13[%parallel_loop3A_196, %parallel_loop3A_197] {strides = array<i32>} : memref<128x128xf32, #tpu.memory_space<vmem>>, vector<16xf32>,
        tpu.vector_store %arg13[%parallel_loop3A_196, %parallel_loop3A_197], %parallel_loop3A_195 {strides = array<i32>} : memref<128x128xf32, #tpu.memory_space<vmem>>, vector<16xf32>,
      } {sc.loop_unroll_factor = 4 : i64, sc.parallel_access}
      %dma_start3A_100 = arith.constant 0 : i32
      %dma_start3A_101 = arith.constant 0 : i32
      %dma_start3A_102 = tpu.memref_slice %arg15[%dma_start3A_100, %dma_start3A_101] : memref<10000x128xf32, #tpu.memory_space<vmem_shared>> -> memref<10000x128xf32, #tpu.memory_space<vmem_shared>>
      tpu.enqueue_indirect_dma source(%arg13 : memref<128x128xf32, #tpu.memory_space<vmem>>) target(%dma_start3A_102 : memref<10000x128xf32, #tpu.memory_space<vmem_shared>>) offsets(%arg9 : memref<128xi32, #tpu.memory_space<vmem>>) semaphore(%arg20 : memref<!tpu.dma_semaphore, #tpu.memory_space<semaphore_mem>>) {add = true}
      %add3A_103 = arith.constant 1 : i32
      %add3A_104 = arith.addi %add3A_59, %add3A_103 : i32
      %lt3A_105 = arith.constant 40 : i32
      %lt3A_106 = arith.cmpi slt, %add3A_104, %lt3A_105 : i32
      %convert_element_type3A_107 = arith.extui %lt3A_106 : i1 to i32
      %cond3A_108 = arith.constant 0 : i32
      %cond3A_109 = arith.cmpi ne, %convert_element_type3A_107, %cond3A_108 : i32
      scf.if %cond3A_109 {
        %dma_wait3A_140 = arith.constant 0 : i32
        %dma_wait3A_141 = arith.constant 0 : i32
        %dma_wait3A_142 = tpu.memref_slice %arg15[%dma_wait3A_140, %dma_wait3A_141] : memref<10000x128xf32, #tpu.memory_space<vmem_shared>> -> memref<10000x128xf32, #tpu.memory_space<vmem_shared>>
        tpu.wait_indirect_dma semaphore(%arg20 : memref<!tpu.dma_semaphore, #tpu.memory_space<semaphore_mem>>) src(%arg13 : memref<128x128xf32, #tpu.memory_space<vmem>>) dst(%dma_wait3A_142 : memref<10000x128xf32, #tpu.memory_space<vmem_shared>>)
        %add3A_143 = arith.constant 2 : i32
        %add3A_144 = arith.addi %mul3A_61, %add3A_143 : i32
        %mul3A_145 = arith.constant 128 : i32
        %mul3A_146 = arith.muli %add3A_144, %mul3A_145 : i32
        %add3A_147 = arith.addi %mul3A_6, %mul3A_146 : i32
        %dma_start3A_148 = tpu.memref_slice %arg4[%add3A_147] : memref<163840xi32, #tpu.memory_space<hbm>> -> memref<128xi32, #tpu.memory_space<hbm>>
        %dma_start3A_149 = tpu.memref_slice %arg4[%add3A_147] : memref<163840xi32, #tpu.memory_space<hbm>> -> memref<128xi32, #tpu.memory_space<hbm>>
        tpu.enqueue_dma source(%dma_start3A_149 : memref<128xi32, #tpu.memory_space<hbm>>) target(%arg9 : memref<128xi32, #tpu.memory_space<vmem>>) target_semaphore(%arg18 : memref<!tpu.dma_semaphore, #tpu.memory_space<semaphore_mem>>)
        %dma_start3A_150 = tpu.memref_slice %arg5[%add3A_147] : memref<163840xf32, #tpu.memory_space<hbm>> -> memref<128xf32, #tpu.memory_space<hbm>>
        %dma_start3A_151 = tpu.memref_slice %arg5[%add3A_147] : memref<163840xf32, #tpu.memory_space<hbm>> -> memref<128xf32, #tpu.memory_space<hbm>>
        tpu.enqueue_dma source(%dma_start3A_151 : memref<128xf32, #tpu.memory_space<hbm>>) target(%arg11 : memref<128xf32, #tpu.memory_space<vmem>>) target_semaphore(%arg18 : memref<!tpu.dma_semaphore, #tpu.memory_space<semaphore_mem>>)
        %mul3A_152 = arith.constant 128 : i32
        %mul3A_153 = arith.muli %add3A_144, %mul3A_152 : i32
        %dma_start3A_154 = tpu.memref_slice %arg8[%mul3A_153] : memref<10240xi32, #tpu.memory_space<vmem>> -> memref<128xi32, #tpu.memory_space<vmem>>
        %dma_start3A_155 = arith.constant 0 : i32
        %dma_start3A_156 = arith.constant 0 : i32
        %dma_start3A_157 = tpu.memref_slice %arg2[%arg0, %dma_start3A_155, %dma_start3A_156] : memref<2x10000x128xf32, #tpu.memory_space<hbm>> -> memref<1x10000x128xf32, #tpu.memory_space<hbm>>
        %dma_start3A_158 = tpu.memref_squeeze %dma_start3A_157 : memref<1x10000x128xf32, #tpu.memory_space<hbm>> -> memref<10000x128xf32, #tpu.memory_space<hbm>>
        %dma_start3A_159 = arith.constant 0 : i32
        %dma_start3A_160 = arith.constant 0 : i32
        %dma_start3A_161 = tpu.memref_slice %dma_start3A_158[%dma_start3A_159, %dma_start3A_160] : memref<10000x128xf32, #tpu.memory_space<hbm>> -> memref<10000x128xf32, #tpu.memory_space<hbm>>
        tpu.enqueue_indirect_dma source(%dma_start3A_161 : memref<10000x128xf32, #tpu.memory_space<hbm>>) target(%arg13 : memref<128x128xf32, #tpu.memory_space<vmem>>) offsets(%dma_start3A_154 : memref<128xi32, #tpu.memory_space<vmem>>) semaphore(%arg16 : memref<!tpu.dma_semaphore, #tpu.memory_space<semaphore_mem>>)
      } else {
      }
      %mul3A_110 = arith.constant 128 : i32
      %mul3A_111 = arith.muli %add3A_63, %mul3A_110 : i32
      %add3A_112 = arith.addi %mul3A_6, %mul3A_111 : i32
      %dma_wait3A_113 = tpu.memref_slice %arg4[%add3A_112] : memref<163840xi32, #tpu.memory_space<hbm>> -> memref<128xi32, #tpu.memory_space<hbm>>
      %dma_wait3A_114 = tpu.memref_slice %arg4[%add3A_112] : memref<163840xi32, #tpu.memory_space<hbm>> -> memref<128xi32, #tpu.memory_space<hbm>>
      tpu.wait_dma2 semaphore(%arg19 : memref<!tpu.dma_semaphore, #tpu.memory_space<semaphore_mem>>) src(%dma_wait3A_114 : memref<128xi32, #tpu.memory_space<hbm>>) dst(%arg10 : memref<128xi32, #tpu.memory_space<vmem>>)
      %dma_wait3A_115 = tpu.memref_slice %arg5[%add3A_112] : memref<163840xf32, #tpu.memory_space<hbm>> -> memref<128xf32, #tpu.memory_space<hbm>>
      %dma_wait3A_116 = tpu.memref_slice %arg5[%add3A_112] : memref<163840xf32, #tpu.memory_space<hbm>> -> memref<128xf32, #tpu.memory_space<hbm>>
      tpu.wait_dma2 semaphore(%arg19 : memref<!tpu.dma_semaphore, #tpu.memory_space<semaphore_mem>>) src(%dma_wait3A_116 : memref<128xf32, #tpu.memory_space<hbm>>) dst(%arg12 : memref<128xf32, #tpu.memory_space<vmem>>)
      %mul3A_117 = arith.constant 128 : i32
      %mul3A_118 = arith.muli %add3A_63, %mul3A_117 : i32
      %dma_wait3A_119 = tpu.memref_slice %arg8[%mul3A_118] : memref<10240xi32, #tpu.memory_space<vmem>> -> memref<128xi32, #tpu.memory_space<vmem>>
      %dma_wait3A_120 = arith.constant 0 : i32
      %dma_wait3A_121 = arith.constant 0 : i32
      %dma_wait3A_122 = tpu.memref_slice %arg2[%arg0, %dma_wait3A_120, %dma_wait3A_121] : memref<2x10000x128xf32, #tpu.memory_space<hbm>> -> memref<1x10000x128xf32, #tpu.memory_space<hbm>>
      %dma_wait3A_123 = tpu.memref_squeeze %dma_wait3A_122 : memref<1x10000x128xf32, #tpu.memory_space<hbm>> -> memref<10000x128xf32, #tpu.memory_space<hbm>>
      %dma_wait3A_124 = arith.constant 0 : i32
      %dma_wait3A_125 = arith.constant 0 : i32
      %dma_wait3A_126 = tpu.memref_slice %dma_wait3A_123[%dma_wait3A_124, %dma_wait3A_125] : memref<10000x128xf32, #tpu.memory_space<hbm>> -> memref<10000x128xf32, #tpu.memory_space<hbm>>
      tpu.wait_indirect_dma semaphore(%arg17 : memref<!tpu.dma_semaphore, #tpu.memory_space<semaphore_mem>>) src(%dma_wait3A_126 : memref<10000x128xf32, #tpu.memory_space<hbm>>) dst(%arg14 : memref<128x128xf32, #tpu.memory_space<vmem>>)
      %parallel_loop3A_127 = arith.constant 0 : i32
      %parallel_loop3A_128 = arith.constant 128 : i32
      %parallel_loop3A_129 = arith.constant 1 : i32
      scf.for %parallel_loop3A_140 = %parallel_loop3A_127 to %parallel_loop3A_128 step %parallel_loop3A_129  : i32 {
        %parallel_loop3A_141 = vector.broadcast %parallel_loop3A_140 : i32 to vector<16xi32>
        %parallel_loop3A_142 = tpu.vector_load_idx %arg12[%parallel_loop3A_141] : memref<128xf32, #tpu.memory_space<vmem>>[vector<16xi32>], vector<16xf32>,
        %parallel_loop3A_143 = arith.index_cast %parallel_loop3A_140 : i32 to index
        %parallel_loop3A_144 = arith.constant 0 : index
        %parallel_loop3A_145 = tpu.vector_load %arg14[%parallel_loop3A_143, %parallel_loop3A_144] {strides = array<i32>} : memref<128x128xf32, #tpu.memory_space<vmem>>, vector<16xf32>,
        %parallel_loop3A_146 = arith.mulf %parallel_loop3A_145, %parallel_loop3A_142 : vector<16xf32>
        %parallel_loop3A_147 = arith.index_cast %parallel_loop3A_140 : i32 to index
        %parallel_loop3A_148 = arith.constant 0 : index
        %parallel_loop3A_149 = tpu.vector_load %arg14[%parallel_loop3A_147, %parallel_loop3A_148] {strides = array<i32>} : memref<128x128xf32, #tpu.memory_space<vmem>>, vector<16xf32>,
        tpu.vector_store %arg14[%parallel_loop3A_147, %parallel_loop3A_148], %parallel_loop3A_146 {strides = array<i32>} : memref<128x128xf32, #tpu.memory_space<vmem>>, vector<16xf32>,
        %parallel_loop3A_150 = arith.index_cast %parallel_loop3A_140 : i32 to index
        %parallel_loop3A_151 = arith.constant 16 : index
        %parallel_loop3A_152 = tpu.vector_load %arg14[%parallel_loop3A_150, %parallel_loop3A_151] {strides = array<i32>} : memref<128x128xf32, #tpu.memory_space<vmem>>, vector<16xf32>,
        %parallel_loop3A_153 = arith.mulf %parallel_loop3A_152, %parallel_loop3A_142 : vector<16xf32>
        %parallel_loop3A_154 = arith.index_cast %parallel_loop3A_140 : i32 to index
        %parallel_loop3A_155 = arith.constant 16 : index
        %parallel_loop3A_156 = tpu.vector_load %arg14[%parallel_loop3A_154, %parallel_loop3A_155] {strides = array<i32>} : memref<128x128xf32, #tpu.memory_space<vmem>>, vector<16xf32>,
        tpu.vector_store %arg14[%parallel_loop3A_154, %parallel_loop3A_155], %parallel_loop3A_153 {strides = array<i32>} : memref<128x128xf32, #tpu.memory_space<vmem>>, vector<16xf32>,
        %parallel_loop3A_157 = arith.index_cast %parallel_loop3A_140 : i32 to index
        %parallel_loop3A_158 = arith.constant 32 : index
        %parallel_loop3A_159 = tpu.vector_load %arg14[%parallel_loop3A_157, %parallel_loop3A_158] {strides = array<i32>} : memref<128x128xf32, #tpu.memory_space<vmem>>, vector<16xf32>,
        %parallel_loop3A_160 = arith.mulf %parallel_loop3A_159, %parallel_loop3A_142 : vector<16xf32>
        %parallel_loop3A_161 = arith.index_cast %parallel_loop3A_140 : i32 to index
        %parallel_loop3A_162 = arith.constant 32 : index
        %parallel_loop3A_163 = tpu.vector_load %arg14[%parallel_loop3A_161, %parallel_loop3A_162] {strides = array<i32>} : memref<128x128xf32, #tpu.memory_space<vmem>>, vector<16xf32>,
        tpu.vector_store %arg14[%parallel_loop3A_161, %parallel_loop3A_162], %parallel_loop3A_160 {strides = array<i32>} : memref<128x128xf32, #tpu.memory_space<vmem>>, vector<16xf32>,
        %parallel_loop3A_164 = arith.index_cast %parallel_loop3A_140 : i32 to index
        %parallel_loop3A_165 = arith.constant 48 : index
        %parallel_loop3A_166 = tpu.vector_load %arg14[%parallel_loop3A_164, %parallel_loop3A_165] {strides = array<i32>} : memref<128x128xf32, #tpu.memory_space<vmem>>, vector<16xf32>,
        %parallel_loop3A_167 = arith.mulf %parallel_loop3A_166, %parallel_loop3A_142 : vector<16xf32>
        %parallel_loop3A_168 = arith.index_cast %parallel_loop3A_140 : i32 to index
        %parallel_loop3A_169 = arith.constant 48 : index
        %parallel_loop3A_170 = tpu.vector_load %arg14[%parallel_loop3A_168, %parallel_loop3A_169] {strides = array<i32>} : memref<128x128xf32, #tpu.memory_space<vmem>>, vector<16xf32>,
        tpu.vector_store %arg14[%parallel_loop3A_168, %parallel_loop3A_169], %parallel_loop3A_167 {strides = array<i32>} : memref<128x128xf32, #tpu.memory_space<vmem>>, vector<16xf32>,
        %parallel_loop3A_171 = arith.index_cast %parallel_loop3A_140 : i32 to index
        %parallel_loop3A_172 = arith.constant 64 : index
        %parallel_loop3A_173 = tpu.vector_load %arg14[%parallel_loop3A_171, %parallel_loop3A_172] {strides = array<i32>} : memref<128x128xf32, #tpu.memory_space<vmem>>, vector<16xf32>,
        %parallel_loop3A_174 = arith.mulf %parallel_loop3A_173, %parallel_loop3A_142 : vector<16xf32>
        %parallel_loop3A_175 = arith.index_cast %parallel_loop3A_140 : i32 to index
        %parallel_loop3A_176 = arith.constant 64 : index
        %parallel_loop3A_177 = tpu.vector_load %arg14[%parallel_loop3A_175, %parallel_loop3A_176] {strides = array<i32>} : memref<128x128xf32, #tpu.memory_space<vmem>>, vector<16xf32>,
        tpu.vector_store %arg14[%parallel_loop3A_175, %parallel_loop3A_176], %parallel_loop3A_174 {strides = array<i32>} : memref<128x128xf32, #tpu.memory_space<vmem>>, vector<16xf32>,
        %parallel_loop3A_178 = arith.index_cast %parallel_loop3A_140 : i32 to index
        %parallel_loop3A_179 = arith.constant 80 : index
        %parallel_loop3A_180 = tpu.vector_load %arg14[%parallel_loop3A_178, %parallel_loop3A_179] {strides = array<i32>} : memref<128x128xf32, #tpu.memory_space<vmem>>, vector<16xf32>,
        %parallel_loop3A_181 = arith.mulf %parallel_loop3A_180, %parallel_loop3A_142 : vector<16xf32>
        %parallel_loop3A_182 = arith.index_cast %parallel_loop3A_140 : i32 to index
        %parallel_loop3A_183 = arith.constant 80 : index
        %parallel_loop3A_184 = tpu.vector_load %arg14[%parallel_loop3A_182, %parallel_loop3A_183] {strides = array<i32>} : memref<128x128xf32, #tpu.memory_space<vmem>>, vector<16xf32>,
        tpu.vector_store %arg14[%parallel_loop3A_182, %parallel_loop3A_183], %parallel_loop3A_181 {strides = array<i32>} : memref<128x128xf32, #tpu.memory_space<vmem>>, vector<16xf32>,
        %parallel_loop3A_185 = arith.index_cast %parallel_loop3A_140 : i32 to index
        %parallel_loop3A_186 = arith.constant 96 : index
        %parallel_loop3A_187 = tpu.vector_load %arg14[%parallel_loop3A_185, %parallel_loop3A_186] {strides = array<i32>} : memref<128x128xf32, #tpu.memory_space<vmem>>, vector<16xf32>,
        %parallel_loop3A_188 = arith.mulf %parallel_loop3A_187, %parallel_loop3A_142 : vector<16xf32>
        %parallel_loop3A_189 = arith.index_cast %parallel_loop3A_140 : i32 to index
        %parallel_loop3A_190 = arith.constant 96 : index
        %parallel_loop3A_191 = tpu.vector_load %arg14[%parallel_loop3A_189, %parallel_loop3A_190] {strides = array<i32>} : memref<128x128xf32, #tpu.memory_space<vmem>>, vector<16xf32>,
        tpu.vector_store %arg14[%parallel_loop3A_189, %parallel_loop3A_190], %parallel_loop3A_188 {strides = array<i32>} : memref<128x128xf32, #tpu.memory_space<vmem>>, vector<16xf32>,
        %parallel_loop3A_192 = arith.index_cast %parallel_loop3A_140 : i32 to index
        %parallel_loop3A_193 = arith.constant 112 : index
        %parallel_loop3A_194 = tpu.vector_load %arg14[%parallel_loop3A_192, %parallel_loop3A_193] {strides = array<i32>} : memref<128x128xf32, #tpu.memory_space<vmem>>, vector<16xf32>,
        %parallel_loop3A_195 = arith.mulf %parallel_loop3A_194, %parallel_loop3A_142 : vector<16xf32>
        %parallel_loop3A_196 = arith.index_cast %parallel_loop3A_140 : i32 to index
        %parallel_loop3A_197 = arith.constant 112 : index
        %parallel_loop3A_198 = tpu.vector_load %arg14[%parallel_loop3A_196, %parallel_loop3A_197] {strides = array<i32>} : memref<128x128xf32, #tpu.memory_space<vmem>>, vector<16xf32>,
        tpu.vector_store %arg14[%parallel_loop3A_196, %parallel_loop3A_197], %parallel_loop3A_195 {strides = array<i32>} : memref<128x128xf32, #tpu.memory_space<vmem>>, vector<16xf32>,
      } {sc.loop_unroll_factor = 4 : i64, sc.parallel_access}
      %dma_start3A_130 = arith.constant 0 : i32
      %dma_start3A_131 = arith.constant 0 : i32
      %dma_start3A_132 = tpu.memref_slice %arg15[%dma_start3A_130, %dma_start3A_131] : memref<10000x128xf32, #tpu.memory_space<vmem_shared>> -> memref<10000x128xf32, #tpu.memory_space<vmem_shared>>
      tpu.enqueue_indirect_dma source(%arg14 : memref<128x128xf32, #tpu.memory_space<vmem>>) target(%dma_start3A_132 : memref<10000x128xf32, #tpu.memory_space<vmem_shared>>) offsets(%arg10 : memref<128xi32, #tpu.memory_space<vmem>>) semaphore(%arg21 : memref<!tpu.dma_semaphore, #tpu.memory_space<semaphore_mem>>) {add = true}
      %add3A_133 = arith.constant 1 : i32
      %add3A_134 = arith.addi %add3A_59, %add3A_133 : i32
      %lt3A_135 = arith.constant 40 : i32
      %lt3A_136 = arith.cmpi slt, %add3A_134, %lt3A_135 : i32
      %convert_element_type3A_137 = arith.extui %lt3A_136 : i1 to i32
      %cond3A_138 = arith.constant 0 : i32
      %cond3A_139 = arith.cmpi ne, %convert_element_type3A_137, %cond3A_138 : i32
      scf.if %cond3A_139 {
        %dma_wait3A_140 = arith.constant 0 : i32
        %dma_wait3A_141 = arith.constant 0 : i32
        %dma_wait3A_142 = tpu.memref_slice %arg15[%dma_wait3A_140, %dma_wait3A_141] : memref<10000x128xf32, #tpu.memory_space<vmem_shared>> -> memref<10000x128xf32, #tpu.memory_space<vmem_shared>>
        tpu.wait_indirect_dma semaphore(%arg21 : memref<!tpu.dma_semaphore, #tpu.memory_space<semaphore_mem>>) src(%arg14 : memref<128x128xf32, #tpu.memory_space<vmem>>) dst(%dma_wait3A_142 : memref<10000x128xf32, #tpu.memory_space<vmem_shared>>)
      } else {
      }
    }
    %dma_wait3A = arith.constant 0 : i32
    %dma_wait3A_41 = arith.constant 0 : i32
    %dma_wait3A_42 = tpu.memref_slice %arg15[%dma_wait3A, %dma_wait3A_41] : memref<10000x128xf32, #tpu.memory_space<vmem_shared>> -> memref<10000x128xf32, #tpu.memory_space<vmem_shared>>
    tpu.wait_indirect_dma semaphore(%arg20 : memref<!tpu.dma_semaphore, #tpu.memory_space<semaphore_mem>>) src(%arg13 : memref<128x128xf32, #tpu.memory_space<vmem>>) dst(%dma_wait3A_42 : memref<10000x128xf32, #tpu.memory_space<vmem_shared>>)
    %dma_wait3A_43 = arith.constant 0 : i32
    %dma_wait3A_44 = arith.constant 0 : i32
    %dma_wait3A_45 = tpu.memref_slice %arg15[%dma_wait3A_43, %dma_wait3A_44] : memref<10000x128xf32, #tpu.memory_space<vmem_shared>> -> memref<10000x128xf32, #tpu.memory_space<vmem_shared>>
    tpu.wait_indirect_dma semaphore(%arg21 : memref<!tpu.dma_semaphore, #tpu.memory_space<semaphore_mem>>) src(%arg14 : memref<128x128xf32, #tpu.memory_space<vmem>>) dst(%dma_wait3A_45 : memref<10000x128xf32, #tpu.memory_space<vmem_shared>>)
    %barrier3A_46 = arith.constant 0 : index
    tpu.barrier barrier_id(%barrier3A_46)
    %lt3A_47 = arith.constant 15 : i32
    %lt3A_48 = arith.cmpi slt, %arg1, %lt3A_47 : i32
    %convert_element_type3A_49 = arith.extui %lt3A_48 : i1 to i32
    %cond3A_50 = arith.constant 0 : i32
    %cond3A_51 = arith.cmpi ne, %convert_element_type3A_49, %cond3A_50 : i32
    scf.if %cond3A_51 {
      %mul3A_57 = arith.constant 624 : i32
      %mul3A_58 = arith.muli %arg1, %mul3A_57 : i32
      "tpu.region"() ({
        %run_scoped3A = tpu.sem_alloc : memref<!tpu.dma_semaphore, #tpu.memory_space<semaphore_mem>>
        %dma_start3A_59 = arith.constant 0 : i32
        %dma_start3A_60 = arith.constant 0 : i32
        %dma_start3A_61 = tpu.memref_slice %arg7[%arg0, %dma_start3A_59, %dma_start3A_60] : memref<2x10000x128xf32, #tpu.memory_space<hbm>> -> memref<1x10000x128xf32, #tpu.memory_space<hbm>>
        %dma_start3A_62 = tpu.memref_squeeze %dma_start3A_61 : memref<1x10000x128xf32, #tpu.memory_space<hbm>> -> memref<10000x128xf32, #tpu.memory_space<hbm>>
        %dma_start3A_63 = arith.constant 0 : i32
        %dma_start3A_64 = tpu.memref_slice %dma_start3A_62[%mul3A_58, %dma_start3A_63] : memref<10000x128xf32, #tpu.memory_space<hbm>> -> memref<624x128xf32, #tpu.memory_space<hbm>>
        %dma_start3A_65 = arith.constant 0 : i32
        %dma_start3A_66 = tpu.memref_slice %arg15[%mul3A_58, %dma_start3A_65] : memref<10000x128xf32, #tpu.memory_space<vmem_shared>> -> memref<624x128xf32, #tpu.memory_space<vmem_shared>>
        tpu.enqueue_dma source(%dma_start3A_66 : memref<624x128xf32, #tpu.memory_space<vmem_shared>>) target(%dma_start3A_64 : memref<624x128xf32, #tpu.memory_space<hbm>>) target_semaphore(%run_scoped3A : memref<!tpu.dma_semaphore, #tpu.memory_space<semaphore_mem>>)
        %dma_wait3A_67 = arith.constant 0 : i32
        %dma_wait3A_68 = arith.constant 0 : i32
        %dma_wait3A_69 = tpu.memref_slice %arg7[%arg0, %dma_wait3A_67, %dma_wait3A_68] : memref<2x10000x128xf32, #tpu.memory_space<hbm>> -> memref<1x10000x128xf32, #tpu.memory_space<hbm>>
        %dma_wait3A_70 = tpu.memref_squeeze %dma_wait3A_69 : memref<1x10000x128xf32, #tpu.memory_space<hbm>> -> memref<10000x128xf32, #tpu.memory_space<hbm>>
        %dma_wait3A_71 = arith.constant 0 : i32
        %dma_wait3A_72 = tpu.memref_slice %dma_wait3A_70[%mul3A_58, %dma_wait3A_71] : memref<10000x128xf32, #tpu.memory_space<hbm>> -> memref<624x128xf32, #tpu.memory_space<hbm>>
        %dma_wait3A_73 = arith.constant 0 : i32
        %dma_wait3A_74 = tpu.memref_slice %arg15[%mul3A_58, %dma_wait3A_73] : memref<10000x128xf32, #tpu.memory_space<vmem_shared>> -> memref<624x128xf32, #tpu.memory_space<vmem_shared>>
        tpu.wait_dma2 semaphore(%run_scoped3A : memref<!tpu.dma_semaphore, #tpu.memory_space<semaphore_mem>>) src(%dma_wait3A_74 : memref<624x128xf32, #tpu.memory_space<vmem_shared>>) dst(%dma_wait3A_72 : memref<624x128xf32, #tpu.memory_space<hbm>>)
        tpu.yield
      }) : () -> ()
    } else {
    }
    %eq3A_52 = arith.constant 15 : i32
    %eq3A_53 = arith.cmpi eq, %arg1, %eq3A_52 : i32
    %convert_element_type3A_54 = arith.extui %eq3A_53 : i1 to i32
    %cond3A_55 = arith.constant 0 : i32
    %cond3A_56 = arith.cmpi ne, %convert_element_type3A_54, %cond3A_55 : i32
    scf.if %cond3A_56 {
      %run_scoped3A = arith.constant 9360 : i32
      "tpu.region"() ({
        %run_scoped3A_57 = tpu.sem_alloc : memref<!tpu.dma_semaphore, #tpu.memory_space<semaphore_mem>>
        %dma_start3A_58 = arith.constant 0 : i32
        %dma_start3A_59 = arith.constant 0 : i32
        %dma_start3A_60 = tpu.memref_slice %arg7[%arg0, %dma_start3A_58, %dma_start3A_59] : memref<2x10000x128xf32, #tpu.memory_space<hbm>> -> memref<1x10000x128xf32, #tpu.memory_space<hbm>>
        %dma_start3A_61 = tpu.memref_squeeze %dma_start3A_60 : memref<1x10000x128xf32, #tpu.memory_space<hbm>> -> memref<10000x128xf32, #tpu.memory_space<hbm>>
        %dma_start3A_62 = arith.constant 0 : i32
        %dma_start3A_63 = tpu.memref_slice %dma_start3A_61[%run_scoped3A, %dma_start3A_62] : memref<10000x128xf32, #tpu.memory_space<hbm>> -> memref<640x128xf32, #tpu.memory_space<hbm>>
        %dma_start3A_64 = arith.constant 0 : i32
        %dma_start3A_65 = tpu.memref_slice %arg15[%run_scoped3A, %dma_start3A_64] : memref<10000x128xf32, #tpu.memory_space<vmem_shared>> -> memref<640x128xf32, #tpu.memory_space<vmem_shared>>
        tpu.enqueue_dma source(%dma_start3A_65 : memref<640x128xf32, #tpu.memory_space<vmem_shared>>) target(%dma_start3A_63 : memref<640x128xf32, #tpu.memory_space<hbm>>) target_semaphore(%run_scoped3A_57 : memref<!tpu.dma_semaphore, #tpu.memory_space<semaphore_mem>>)
        %dma_wait3A_66 = arith.constant 0 : i32
        %dma_wait3A_67 = arith.constant 0 : i32
        %dma_wait3A_68 = tpu.memref_slice %arg7[%arg0, %dma_wait3A_66, %dma_wait3A_67] : memref<2x10000x128xf32, #tpu.memory_space<hbm>> -> memref<1x10000x128xf32, #tpu.memory_space<hbm>>
        %dma_wait3A_69 = tpu.memref_squeeze %dma_wait3A_68 : memref<1x10000x128xf32, #tpu.memory_space<hbm>> -> memref<10000x128xf32, #tpu.memory_space<hbm>>
        %dma_wait3A_70 = arith.constant 0 : i32
        %dma_wait3A_71 = tpu.memref_slice %dma_wait3A_69[%run_scoped3A, %dma_wait3A_70] : memref<10000x128xf32, #tpu.memory_space<hbm>> -> memref<640x128xf32, #tpu.memory_space<hbm>>
        %dma_wait3A_72 = arith.constant 0 : i32
        %dma_wait3A_73 = tpu.memref_slice %arg15[%run_scoped3A, %dma_wait3A_72] : memref<10000x128xf32, #tpu.memory_space<vmem_shared>> -> memref<640x128xf32, #tpu.memory_space<vmem_shared>>
        tpu.wait_dma2 semaphore(%run_scoped3A_57 : memref<!tpu.dma_semaphore, #tpu.memory_space<semaphore_mem>>) src(%dma_wait3A_73 : memref<640x128xf32, #tpu.memory_space<vmem_shared>>) dst(%dma_wait3A_71 : memref<640x128xf32, #tpu.memory_space<hbm>>)
        tpu.yield
      }) : () -> ()
    } else {
    }
    return
  }
}

#map = affine_map<(d0, d1) -> (0, 0)>
#map1 = affine_map<(d0, d1) -> (0)>
#map2 = affine_map<(d0, d1) -> (0, 0, 0)>
module attributes {stable_mosaic.version = 14 : i64} {
  func.func @body(%arg0: i32, %arg1: i32, %arg2: memref<10000x128xf32, #tpu.memory_space<hbm>>, %arg3: memref<163840xi32, #tpu.memory_space<hbm>>, %arg4: memref<163840xi32, #tpu.memory_space<hbm>>, %arg5: memref<163840xf32, #tpu.memory_space<hbm>>, %arg6: memref<640x128xf32, #tpu.memory_space<hbm>>, %arg7: memref<2x10000x128xf32, #tpu.memory_space<hbm>>, %arg8: memref<5120xi32, #tpu.memory_space<vmem>>, %arg9: memref<128xi32, #tpu.memory_space<vmem>>, %arg10: memref<128xi32, #tpu.memory_space<vmem>>, %arg11: memref<128xf32, #tpu.memory_space<vmem>>, %arg12: memref<128xf32, #tpu.memory_space<vmem>>, %arg13: memref<128x128xf32, #tpu.memory_space<vmem>>, %arg14: memref<128x128xf32, #tpu.memory_space<vmem>>, %arg15: memref<10000x128xf32, #tpu.memory_space<vmem_shared>>, %arg16: memref<!tpu.dma_semaphore, #tpu.memory_space<semaphore_mem>>, %arg17: memref<!tpu.dma_semaphore, #tpu.memory_space<semaphore_mem>>, %arg18: memref<!tpu.dma_semaphore, #tpu.memory_space<semaphore_mem>>, %arg19: memref<!tpu.dma_semaphore, #tpu.memory_space<semaphore_mem>>, %arg20: memref<!tpu.dma_semaphore, #tpu.memory_space<semaphore_mem>>, %arg21: memref<!tpu.dma_semaphore, #tpu.memory_space<semaphore_mem>>) attributes {dimension_semantics = [#tpu.dimension_semantics<core_parallel>, #tpu.dimension_semantics<subcore_parallel>], iteration_bounds = array<i64: 2, 16>, scalar_prefetch = 0 : i64, scratch_operands = 14 : i64, tpu.core_type = #tpu.core_type<sc_vector_subcore>, window_params = [{transform_indices = #map}, {transform_indices = #map1}, {transform_indices = #map1}, {transform_indices = #map1}, {transform_indices = #map}, {transform_indices = #map2}]} {
    %lt3A = arith.constant 15 : i32
    %lt3A_0 = arith.cmpi slt, %arg1, %lt3A : i32
    %convert_element_type3A = arith.extui %lt3A_0 : i1 to i32
    %cond3A = arith.constant 0 : i32
    %cond3A_1 = arith.cmpi ne, %convert_element_type3A, %cond3A : i32
    scf.if %cond3A_1 {
      %mul3A_56 = arith.constant 624 : i32
      %mul3A_57 = arith.muli %arg1, %mul3A_56 : i32
      "tpu.region"() ({
        %run_scoped3A = tpu.sem_alloc : memref<!tpu.dma_semaphore, #tpu.memory_space<semaphore_mem>>
        %dma_start3A_58 = arith.constant 0 : i32
        %dma_start3A_59 = tpu.memref_slice %arg15[%mul3A_57, %dma_start3A_58] : memref<10000x128xf32, #tpu.memory_space<vmem_shared>> -> memref<624x128xf32, #tpu.memory_space<vmem_shared>>
        %dma_start3A_60 = arith.constant 0 : i32
        %dma_start3A_61 = arith.constant 0 : i32
        %dma_start3A_62 = tpu.memref_slice %arg6[%dma_start3A_60, %dma_start3A_61] : memref<640x128xf32, #tpu.memory_space<hbm>> -> memref<624x128xf32, #tpu.memory_space<hbm>>
        tpu.enqueue_dma source(%dma_start3A_62 : memref<624x128xf32, #tpu.memory_space<hbm>>) target(%dma_start3A_59 : memref<624x128xf32, #tpu.memory_space<vmem_shared>>) target_semaphore(%run_scoped3A : memref<!tpu.dma_semaphore, #tpu.memory_space<semaphore_mem>>)
        %dma_wait3A_63 = arith.constant 0 : i32
        %dma_wait3A_64 = tpu.memref_slice %arg15[%mul3A_57, %dma_wait3A_63] : memref<10000x128xf32, #tpu.memory_space<vmem_shared>> -> memref<624x128xf32, #tpu.memory_space<vmem_shared>>
        %dma_wait3A_65 = arith.constant 0 : i32
        %dma_wait3A_66 = arith.constant 0 : i32
        %dma_wait3A_67 = tpu.memref_slice %arg6[%dma_wait3A_65, %dma_wait3A_66] : memref<640x128xf32, #tpu.memory_space<hbm>> -> memref<624x128xf32, #tpu.memory_space<hbm>>
        tpu.wait_dma2 semaphore(%run_scoped3A : memref<!tpu.dma_semaphore, #tpu.memory_space<semaphore_mem>>) src(%dma_wait3A_67 : memref<624x128xf32, #tpu.memory_space<hbm>>) dst(%dma_wait3A_64 : memref<624x128xf32, #tpu.memory_space<vmem_shared>>)
        tpu.yield
      }) : () -> ()
    } else {
    }
    %eq3A = arith.constant 15 : i32
    %eq3A_2 = arith.cmpi eq, %arg1, %eq3A : i32
    %convert_element_type3A_3 = arith.extui %eq3A_2 : i1 to i32
    %cond3A_4 = arith.constant 0 : i32
    %cond3A_5 = arith.cmpi ne, %convert_element_type3A_3, %cond3A_4 : i32
    scf.if %cond3A_5 {
      %run_scoped3A = arith.constant 9360 : i32
      "tpu.region"() ({
        %run_scoped3A_56 = tpu.sem_alloc : memref<!tpu.dma_semaphore, #tpu.memory_space<semaphore_mem>>
        %dma_start3A_57 = arith.constant 0 : i32
        %dma_start3A_58 = tpu.memref_slice %arg15[%run_scoped3A, %dma_start3A_57] : memref<10000x128xf32, #tpu.memory_space<vmem_shared>> -> memref<640x128xf32, #tpu.memory_space<vmem_shared>>
        tpu.enqueue_dma source(%arg6 : memref<640x128xf32, #tpu.memory_space<hbm>>) target(%dma_start3A_58 : memref<640x128xf32, #tpu.memory_space<vmem_shared>>) target_semaphore(%run_scoped3A_56 : memref<!tpu.dma_semaphore, #tpu.memory_space<semaphore_mem>>)
        %dma_wait3A_59 = arith.constant 0 : i32
        %dma_wait3A_60 = tpu.memref_slice %arg15[%run_scoped3A, %dma_wait3A_59] : memref<10000x128xf32, #tpu.memory_space<vmem_shared>> -> memref<640x128xf32, #tpu.memory_space<vmem_shared>>
        tpu.wait_dma2 semaphore(%run_scoped3A_56 : memref<!tpu.dma_semaphore, #tpu.memory_space<semaphore_mem>>) src(%arg6 : memref<640x128xf32, #tpu.memory_space<hbm>>) dst(%dma_wait3A_60 : memref<640x128xf32, #tpu.memory_space<vmem_shared>>)
        tpu.yield
      }) : () -> ()
    } else {
    }
    %mul3A = arith.constant 2 : i32
    %mul3A_6 = arith.muli %arg1, %mul3A : i32
    %add3A = arith.addi %mul3A_6, %arg0 : i32
    %mul3A_7 = arith.constant 5120 : i32
    %mul3A_8 = arith.muli %add3A, %mul3A_7 : i32
    "tpu.region"() ({
      %run_scoped3A = tpu.sem_alloc : memref<!tpu.dma_semaphore, #tpu.memory_space<semaphore_mem>>
      %dma_start3A_56 = tpu.memref_slice %arg3[%mul3A_8] : memref<163840xi32, #tpu.memory_space<hbm>> -> memref<5120xi32, #tpu.memory_space<hbm>>
      %dma_start3A_57 = tpu.memref_slice %arg3[%mul3A_8] : memref<163840xi32, #tpu.memory_space<hbm>> -> memref<5120xi32, #tpu.memory_space<hbm>>
      tpu.enqueue_dma source(%dma_start3A_57 : memref<5120xi32, #tpu.memory_space<hbm>>) target(%arg8 : memref<5120xi32, #tpu.memory_space<vmem>>) target_semaphore(%run_scoped3A : memref<!tpu.dma_semaphore, #tpu.memory_space<semaphore_mem>>)
      %dma_wait3A_58 = tpu.memref_slice %arg3[%mul3A_8] : memref<163840xi32, #tpu.memory_space<hbm>> -> memref<5120xi32, #tpu.memory_space<hbm>>
      %dma_wait3A_59 = tpu.memref_slice %arg3[%mul3A_8] : memref<163840xi32, #tpu.memory_space<hbm>> -> memref<5120xi32, #tpu.memory_space<hbm>>
      tpu.wait_dma2 semaphore(%run_scoped3A : memref<!tpu.dma_semaphore, #tpu.memory_space<semaphore_mem>>) src(%dma_wait3A_59 : memref<5120xi32, #tpu.memory_space<hbm>>) dst(%arg8 : memref<5120xi32, #tpu.memory_space<vmem>>)
      tpu.yield
    }) : () -> ()
    %barrier3A = arith.constant 0 : index
    tpu.barrier barrier_id(%barrier3A)
    %mul3A_9 = arith.constant 0 : i32
    %mul3A_10 = arith.constant 128 : i32
    %mul3A_11 = arith.muli %mul3A_9, %mul3A_10 : i32
    %add3A_12 = arith.addi %mul3A_8, %mul3A_11 : i32
    %dma_start3A = tpu.memref_slice %arg4[%add3A_12] : memref<163840xi32, #tpu.memory_space<hbm>> -> memref<128xi32, #tpu.memory_space<hbm>>
    %dma_start3A_13 = tpu.memref_slice %arg4[%add3A_12] : memref<163840xi32, #tpu.memory_space<hbm>> -> memref<128xi32, #tpu.memory_space<hbm>>
    tpu.enqueue_dma source(%dma_start3A_13 : memref<128xi32, #tpu.memory_space<hbm>>) target(%arg9 : memref<128xi32, #tpu.memory_space<vmem>>) target_semaphore(%arg18 : memref<!tpu.dma_semaphore, #tpu.memory_space<semaphore_mem>>)
    %dma_start3A_14 = tpu.memref_slice %arg5[%add3A_12] : memref<163840xf32, #tpu.memory_space<hbm>> -> memref<128xf32, #tpu.memory_space<hbm>>
    %dma_start3A_15 = tpu.memref_slice %arg5[%add3A_12] : memref<163840xf32, #tpu.memory_space<hbm>> -> memref<128xf32, #tpu.memory_space<hbm>>
    tpu.enqueue_dma source(%dma_start3A_15 : memref<128xf32, #tpu.memory_space<hbm>>) target(%arg11 : memref<128xf32, #tpu.memory_space<vmem>>) target_semaphore(%arg18 : memref<!tpu.dma_semaphore, #tpu.memory_space<semaphore_mem>>)
    %mul3A_16 = arith.constant 0 : i32
    %mul3A_17 = arith.constant 128 : i32
    %mul3A_18 = arith.muli %mul3A_16, %mul3A_17 : i32
    %dma_start3A_19 = tpu.memref_slice %arg8[%mul3A_18] : memref<5120xi32, #tpu.memory_space<vmem>> -> memref<128xi32, #tpu.memory_space<vmem>>
    %dma_start3A_20 = arith.constant 0 : i32
    %dma_start3A_21 = arith.constant 0 : i32
    %dma_start3A_22 = tpu.memref_slice %arg2[%dma_start3A_20, %dma_start3A_21] : memref<10000x128xf32, #tpu.memory_space<hbm>> -> memref<10000x128xf32, #tpu.memory_space<hbm>>
    tpu.enqueue_indirect_dma source(%dma_start3A_22 : memref<10000x128xf32, #tpu.memory_space<hbm>>) target(%arg13 : memref<128x128xf32, #tpu.memory_space<vmem>>) offsets(%dma_start3A_19 : memref<128xi32, #tpu.memory_space<vmem>>) semaphore(%arg16 : memref<!tpu.dma_semaphore, #tpu.memory_space<semaphore_mem>>)
    %sub3A = arith.constant 20 : i32
    %sub3A_23 = arith.constant 0 : i32
    %sub3A_24 = arith.subi %sub3A, %sub3A_23 : i32
    %sub3A_25 = arith.constant 1 : i32
    %sub3A_26 = arith.constant 1 : i32
    %sub3A_27 = arith.subi %sub3A_25, %sub3A_26 : i32
    %add3A_28 = arith.addi %sub3A_24, %sub3A_27 : i32
    %div3A = arith.constant 1 : i32
    %div3A_29 = arith.divsi %add3A_28, %div3A : i32
    %while3A = arith.constant 1 : i32
    %while3A_30 = arith.constant 0 : i32
    %while3A_31 = arith.constant 0 : i32
    %while3A_32 = arith.subi %div3A_29, %while3A_31 : i32
    %while3A_33 = arith.addi %while3A_31, %while3A_32 : i32
    %while3A_34 = arith.constant 1 : i32
    %while3A_35 = arith.divsi %while3A_32, %while3A_34 : i32
    %while3A_36 = arith.muli %while3A_35, %while3A_34 : i32
    %while3A_37 = arith.addi %while3A_31, %while3A_36 : i32
    %while3A_38 = arith.constant 1 : i32
    scf.for %while3A_56 = %while3A_31 to %while3A_37 step %while3A_38  : i32 {
      %mul3A_57 = arith.muli %while3A_56, %while3A : i32
      %add3A_58 = arith.addi %while3A_30, %mul3A_57 : i32
      %mul3A_59 = arith.constant 2 : i32
      %mul3A_60 = arith.muli %add3A_58, %mul3A_59 : i32
      %add3A_61 = arith.constant 1 : i32
      %add3A_62 = arith.addi %mul3A_60, %add3A_61 : i32
      %mul3A_63 = arith.constant 128 : i32
      %mul3A_64 = arith.muli %add3A_62, %mul3A_63 : i32
      %add3A_65 = arith.addi %mul3A_8, %mul3A_64 : i32
      %dma_start3A_66 = tpu.memref_slice %arg4[%add3A_65] : memref<163840xi32, #tpu.memory_space<hbm>> -> memref<128xi32, #tpu.memory_space<hbm>>
      %dma_start3A_67 = tpu.memref_slice %arg4[%add3A_65] : memref<163840xi32, #tpu.memory_space<hbm>> -> memref<128xi32, #tpu.memory_space<hbm>>
      tpu.enqueue_dma source(%dma_start3A_67 : memref<128xi32, #tpu.memory_space<hbm>>) target(%arg10 : memref<128xi32, #tpu.memory_space<vmem>>) target_semaphore(%arg19 : memref<!tpu.dma_semaphore, #tpu.memory_space<semaphore_mem>>)
      %dma_start3A_68 = tpu.memref_slice %arg5[%add3A_65] : memref<163840xf32, #tpu.memory_space<hbm>> -> memref<128xf32, #tpu.memory_space<hbm>>
      %dma_start3A_69 = tpu.memref_slice %arg5[%add3A_65] : memref<163840xf32, #tpu.memory_space<hbm>> -> memref<128xf32, #tpu.memory_space<hbm>>
      tpu.enqueue_dma source(%dma_start3A_69 : memref<128xf32, #tpu.memory_space<hbm>>) target(%arg12 : memref<128xf32, #tpu.memory_space<vmem>>) target_semaphore(%arg19 : memref<!tpu.dma_semaphore, #tpu.memory_space<semaphore_mem>>)
      %mul3A_70 = arith.constant 128 : i32
      %mul3A_71 = arith.muli %add3A_62, %mul3A_70 : i32
      %dma_start3A_72 = tpu.memref_slice %arg8[%mul3A_71] : memref<5120xi32, #tpu.memory_space<vmem>> -> memref<128xi32, #tpu.memory_space<vmem>>
      %dma_start3A_73 = arith.constant 0 : i32
      %dma_start3A_74 = arith.constant 0 : i32
      %dma_start3A_75 = tpu.memref_slice %arg2[%dma_start3A_73, %dma_start3A_74] : memref<10000x128xf32, #tpu.memory_space<hbm>> -> memref<10000x128xf32, #tpu.memory_space<hbm>>
      tpu.enqueue_indirect_dma source(%dma_start3A_75 : memref<10000x128xf32, #tpu.memory_space<hbm>>) target(%arg14 : memref<128x128xf32, #tpu.memory_space<vmem>>) offsets(%dma_start3A_72 : memref<128xi32, #tpu.memory_space<vmem>>) semaphore(%arg17 : memref<!tpu.dma_semaphore, #tpu.memory_space<semaphore_mem>>)
      %mul3A_76 = arith.constant 128 : i32
      %mul3A_77 = arith.muli %mul3A_60, %mul3A_76 : i32
      %add3A_78 = arith.addi %mul3A_8, %mul3A_77 : i32
      %dma_wait3A_79 = tpu.memref_slice %arg4[%add3A_78] : memref<163840xi32, #tpu.memory_space<hbm>> -> memref<128xi32, #tpu.memory_space<hbm>>
      %dma_wait3A_80 = tpu.memref_slice %arg4[%add3A_78] : memref<163840xi32, #tpu.memory_space<hbm>> -> memref<128xi32, #tpu.memory_space<hbm>>
      tpu.wait_dma2 semaphore(%arg18 : memref<!tpu.dma_semaphore, #tpu.memory_space<semaphore_mem>>) src(%dma_wait3A_80 : memref<128xi32, #tpu.memory_space<hbm>>) dst(%arg9 : memref<128xi32, #tpu.memory_space<vmem>>)
      %dma_wait3A_81 = tpu.memref_slice %arg5[%add3A_78] : memref<163840xf32, #tpu.memory_space<hbm>> -> memref<128xf32, #tpu.memory_space<hbm>>
      %dma_wait3A_82 = tpu.memref_slice %arg5[%add3A_78] : memref<163840xf32, #tpu.memory_space<hbm>> -> memref<128xf32, #tpu.memory_space<hbm>>
      tpu.wait_dma2 semaphore(%arg18 : memref<!tpu.dma_semaphore, #tpu.memory_space<semaphore_mem>>) src(%dma_wait3A_82 : memref<128xf32, #tpu.memory_space<hbm>>) dst(%arg11 : memref<128xf32, #tpu.memory_space<vmem>>)
      %mul3A_83 = arith.constant 128 : i32
      %mul3A_84 = arith.muli %mul3A_60, %mul3A_83 : i32
      %dma_wait3A_85 = tpu.memref_slice %arg8[%mul3A_84] : memref<5120xi32, #tpu.memory_space<vmem>> -> memref<128xi32, #tpu.memory_space<vmem>>
      %dma_wait3A_86 = arith.constant 0 : i32
      %dma_wait3A_87 = arith.constant 0 : i32
      %dma_wait3A_88 = tpu.memref_slice %arg2[%dma_wait3A_86, %dma_wait3A_87] : memref<10000x128xf32, #tpu.memory_space<hbm>> -> memref<10000x128xf32, #tpu.memory_space<hbm>>
      tpu.wait_indirect_dma semaphore(%arg16 : memref<!tpu.dma_semaphore, #tpu.memory_space<semaphore_mem>>) src(%dma_wait3A_88 : memref<10000x128xf32, #tpu.memory_space<hbm>>) dst(%arg13 : memref<128x128xf32, #tpu.memory_space<vmem>>)
      %parallel_loop3A = arith.constant 0 : i32
      %parallel_loop3A_89 = arith.constant 128 : i32
      %parallel_loop3A_90 = arith.constant 1 : i32
      scf.for %parallel_loop3A_127 = %parallel_loop3A to %parallel_loop3A_89 step %parallel_loop3A_90  : i32 {
        %parallel_loop3A_128 = vector.broadcast %parallel_loop3A_127 : i32 to vector<16xi32>
        %parallel_loop3A_129 = tpu.vector_load_idx %arg11[%parallel_loop3A_128] : memref<128xf32, #tpu.memory_space<vmem>>[vector<16xi32>], vector<16xf32>,
        %parallel_loop3A_130 = arith.index_cast %parallel_loop3A_127 : i32 to index
        %parallel_loop3A_131 = arith.constant 0 : index
        %parallel_loop3A_132 = tpu.vector_load %arg13[%parallel_loop3A_130, %parallel_loop3A_131] {strides = array<i32>} : memref<128x128xf32, #tpu.memory_space<vmem>>, vector<16xf32>,
        %parallel_loop3A_133 = arith.mulf %parallel_loop3A_132, %parallel_loop3A_129 : vector<16xf32>
        %parallel_loop3A_134 = arith.index_cast %parallel_loop3A_127 : i32 to index
        %parallel_loop3A_135 = arith.constant 0 : index
        %parallel_loop3A_136 = tpu.vector_load %arg13[%parallel_loop3A_134, %parallel_loop3A_135] {strides = array<i32>} : memref<128x128xf32, #tpu.memory_space<vmem>>, vector<16xf32>,
        tpu.vector_store %arg13[%parallel_loop3A_134, %parallel_loop3A_135], %parallel_loop3A_133 {strides = array<i32>} : memref<128x128xf32, #tpu.memory_space<vmem>>, vector<16xf32>,
        %parallel_loop3A_137 = arith.index_cast %parallel_loop3A_127 : i32 to index
        %parallel_loop3A_138 = arith.constant 16 : index
        %parallel_loop3A_139 = tpu.vector_load %arg13[%parallel_loop3A_137, %parallel_loop3A_138] {strides = array<i32>} : memref<128x128xf32, #tpu.memory_space<vmem>>, vector<16xf32>,
        %parallel_loop3A_140 = arith.mulf %parallel_loop3A_139, %parallel_loop3A_129 : vector<16xf32>
        %parallel_loop3A_141 = arith.index_cast %parallel_loop3A_127 : i32 to index
        %parallel_loop3A_142 = arith.constant 16 : index
        %parallel_loop3A_143 = tpu.vector_load %arg13[%parallel_loop3A_141, %parallel_loop3A_142] {strides = array<i32>} : memref<128x128xf32, #tpu.memory_space<vmem>>, vector<16xf32>,
        tpu.vector_store %arg13[%parallel_loop3A_141, %parallel_loop3A_142], %parallel_loop3A_140 {strides = array<i32>} : memref<128x128xf32, #tpu.memory_space<vmem>>, vector<16xf32>,
        %parallel_loop3A_144 = arith.index_cast %parallel_loop3A_127 : i32 to index
        %parallel_loop3A_145 = arith.constant 32 : index
        %parallel_loop3A_146 = tpu.vector_load %arg13[%parallel_loop3A_144, %parallel_loop3A_145] {strides = array<i32>} : memref<128x128xf32, #tpu.memory_space<vmem>>, vector<16xf32>,
        %parallel_loop3A_147 = arith.mulf %parallel_loop3A_146, %parallel_loop3A_129 : vector<16xf32>
        %parallel_loop3A_148 = arith.index_cast %parallel_loop3A_127 : i32 to index
        %parallel_loop3A_149 = arith.constant 32 : index
        %parallel_loop3A_150 = tpu.vector_load %arg13[%parallel_loop3A_148, %parallel_loop3A_149] {strides = array<i32>} : memref<128x128xf32, #tpu.memory_space<vmem>>, vector<16xf32>,
        tpu.vector_store %arg13[%parallel_loop3A_148, %parallel_loop3A_149], %parallel_loop3A_147 {strides = array<i32>} : memref<128x128xf32, #tpu.memory_space<vmem>>, vector<16xf32>,
        %parallel_loop3A_151 = arith.index_cast %parallel_loop3A_127 : i32 to index
        %parallel_loop3A_152 = arith.constant 48 : index
        %parallel_loop3A_153 = tpu.vector_load %arg13[%parallel_loop3A_151, %parallel_loop3A_152] {strides = array<i32>} : memref<128x128xf32, #tpu.memory_space<vmem>>, vector<16xf32>,
        %parallel_loop3A_154 = arith.mulf %parallel_loop3A_153, %parallel_loop3A_129 : vector<16xf32>
        %parallel_loop3A_155 = arith.index_cast %parallel_loop3A_127 : i32 to index
        %parallel_loop3A_156 = arith.constant 48 : index
        %parallel_loop3A_157 = tpu.vector_load %arg13[%parallel_loop3A_155, %parallel_loop3A_156] {strides = array<i32>} : memref<128x128xf32, #tpu.memory_space<vmem>>, vector<16xf32>,
        tpu.vector_store %arg13[%parallel_loop3A_155, %parallel_loop3A_156], %parallel_loop3A_154 {strides = array<i32>} : memref<128x128xf32, #tpu.memory_space<vmem>>, vector<16xf32>,
      } {sc.loop_unroll_factor = 4 : i64, sc.parallel_access}
      %dma_start3A_91 = arith.constant 0 : i32
      %dma_start3A_92 = arith.constant 0 : i32
      %dma_start3A_93 = tpu.memref_slice %arg15[%dma_start3A_91, %dma_start3A_92] : memref<10000x128xf32, #tpu.memory_space<vmem_shared>> -> memref<10000x128xf32, #tpu.memory_space<vmem_shared>>
      tpu.enqueue_indirect_dma source(%arg13 : memref<128x128xf32, #tpu.memory_space<vmem>>) target(%dma_start3A_93 : memref<10000x128xf32, #tpu.memory_space<vmem_shared>>) offsets(%arg9 : memref<128xi32, #tpu.memory_space<vmem>>) semaphore(%arg20 : memref<!tpu.dma_semaphore, #tpu.memory_space<semaphore_mem>>) {add = true}
      %add3A_94 = arith.constant 1 : i32
      %add3A_95 = arith.addi %add3A_58, %add3A_94 : i32
      %lt3A_96 = arith.constant 20 : i32
      %lt3A_97 = arith.cmpi slt, %add3A_95, %lt3A_96 : i32
      %convert_element_type3A_98 = arith.extui %lt3A_97 : i1 to i32
      %cond3A_99 = arith.constant 0 : i32
      %cond3A_100 = arith.cmpi ne, %convert_element_type3A_98, %cond3A_99 : i32
      scf.if %cond3A_100 {
        %dma_wait3A_127 = arith.constant 0 : i32
        %dma_wait3A_128 = arith.constant 0 : i32
        %dma_wait3A_129 = tpu.memref_slice %arg15[%dma_wait3A_127, %dma_wait3A_128] : memref<10000x128xf32, #tpu.memory_space<vmem_shared>> -> memref<10000x128xf32, #tpu.memory_space<vmem_shared>>
        tpu.wait_indirect_dma semaphore(%arg20 : memref<!tpu.dma_semaphore, #tpu.memory_space<semaphore_mem>>) src(%arg13 : memref<128x128xf32, #tpu.memory_space<vmem>>) dst(%dma_wait3A_129 : memref<10000x128xf32, #tpu.memory_space<vmem_shared>>)
        %add3A_130 = arith.constant 2 : i32
        %add3A_131 = arith.addi %mul3A_60, %add3A_130 : i32
        %mul3A_132 = arith.constant 128 : i32
        %mul3A_133 = arith.muli %add3A_131, %mul3A_132 : i32
        %add3A_134 = arith.addi %mul3A_8, %mul3A_133 : i32
        %dma_start3A_135 = tpu.memref_slice %arg4[%add3A_134] : memref<163840xi32, #tpu.memory_space<hbm>> -> memref<128xi32, #tpu.memory_space<hbm>>
        %dma_start3A_136 = tpu.memref_slice %arg4[%add3A_134] : memref<163840xi32, #tpu.memory_space<hbm>> -> memref<128xi32, #tpu.memory_space<hbm>>
        tpu.enqueue_dma source(%dma_start3A_136 : memref<128xi32, #tpu.memory_space<hbm>>) target(%arg9 : memref<128xi32, #tpu.memory_space<vmem>>) target_semaphore(%arg18 : memref<!tpu.dma_semaphore, #tpu.memory_space<semaphore_mem>>)
        %dma_start3A_137 = tpu.memref_slice %arg5[%add3A_134] : memref<163840xf32, #tpu.memory_space<hbm>> -> memref<128xf32, #tpu.memory_space<hbm>>
        %dma_start3A_138 = tpu.memref_slice %arg5[%add3A_134] : memref<163840xf32, #tpu.memory_space<hbm>> -> memref<128xf32, #tpu.memory_space<hbm>>
        tpu.enqueue_dma source(%dma_start3A_138 : memref<128xf32, #tpu.memory_space<hbm>>) target(%arg11 : memref<128xf32, #tpu.memory_space<vmem>>) target_semaphore(%arg18 : memref<!tpu.dma_semaphore, #tpu.memory_space<semaphore_mem>>)
        %mul3A_139 = arith.constant 128 : i32
        %mul3A_140 = arith.muli %add3A_131, %mul3A_139 : i32
        %dma_start3A_141 = tpu.memref_slice %arg8[%mul3A_140] : memref<5120xi32, #tpu.memory_space<vmem>> -> memref<128xi32, #tpu.memory_space<vmem>>
        %dma_start3A_142 = arith.constant 0 : i32
        %dma_start3A_143 = arith.constant 0 : i32
        %dma_start3A_144 = tpu.memref_slice %arg2[%dma_start3A_142, %dma_start3A_143] : memref<10000x128xf32, #tpu.memory_space<hbm>> -> memref<10000x128xf32, #tpu.memory_space<hbm>>
        tpu.enqueue_indirect_dma source(%dma_start3A_144 : memref<10000x128xf32, #tpu.memory_space<hbm>>) target(%arg13 : memref<128x128xf32, #tpu.memory_space<vmem>>) offsets(%dma_start3A_141 : memref<128xi32, #tpu.memory_space<vmem>>) semaphore(%arg16 : memref<!tpu.dma_semaphore, #tpu.memory_space<semaphore_mem>>)
      } else {
      }
      %mul3A_101 = arith.constant 128 : i32
      %mul3A_102 = arith.muli %add3A_62, %mul3A_101 : i32
      %add3A_103 = arith.addi %mul3A_8, %mul3A_102 : i32
      %dma_wait3A_104 = tpu.memref_slice %arg4[%add3A_103] : memref<163840xi32, #tpu.memory_space<hbm>> -> memref<128xi32, #tpu.memory_space<hbm>>
      %dma_wait3A_105 = tpu.memref_slice %arg4[%add3A_103] : memref<163840xi32, #tpu.memory_space<hbm>> -> memref<128xi32, #tpu.memory_space<hbm>>
      tpu.wait_dma2 semaphore(%arg19 : memref<!tpu.dma_semaphore, #tpu.memory_space<semaphore_mem>>) src(%dma_wait3A_105 : memref<128xi32, #tpu.memory_space<hbm>>) dst(%arg10 : memref<128xi32, #tpu.memory_space<vmem>>)
      %dma_wait3A_106 = tpu.memref_slice %arg5[%add3A_103] : memref<163840xf32, #tpu.memory_space<hbm>> -> memref<128xf32, #tpu.memory_space<hbm>>
      %dma_wait3A_107 = tpu.memref_slice %arg5[%add3A_103] : memref<163840xf32, #tpu.memory_space<hbm>> -> memref<128xf32, #tpu.memory_space<hbm>>
      tpu.wait_dma2 semaphore(%arg19 : memref<!tpu.dma_semaphore, #tpu.memory_space<semaphore_mem>>) src(%dma_wait3A_107 : memref<128xf32, #tpu.memory_space<hbm>>) dst(%arg12 : memref<128xf32, #tpu.memory_space<vmem>>)
      %mul3A_108 = arith.constant 128 : i32
      %mul3A_109 = arith.muli %add3A_62, %mul3A_108 : i32
      %dma_wait3A_110 = tpu.memref_slice %arg8[%mul3A_109] : memref<5120xi32, #tpu.memory_space<vmem>> -> memref<128xi32, #tpu.memory_space<vmem>>
      %dma_wait3A_111 = arith.constant 0 : i32
      %dma_wait3A_112 = arith.constant 0 : i32
      %dma_wait3A_113 = tpu.memref_slice %arg2[%dma_wait3A_111, %dma_wait3A_112] : memref<10000x128xf32, #tpu.memory_space<hbm>> -> memref<10000x128xf32, #tpu.memory_space<hbm>>
      tpu.wait_indirect_dma semaphore(%arg17 : memref<!tpu.dma_semaphore, #tpu.memory_space<semaphore_mem>>) src(%dma_wait3A_113 : memref<10000x128xf32, #tpu.memory_space<hbm>>) dst(%arg14 : memref<128x128xf32, #tpu.memory_space<vmem>>)
      %parallel_loop3A_114 = arith.constant 0 : i32
      %parallel_loop3A_115 = arith.constant 128 : i32
      %parallel_loop3A_116 = arith.constant 1 : i32
      scf.for %parallel_loop3A_127 = %parallel_loop3A_114 to %parallel_loop3A_115 step %parallel_loop3A_116  : i32 {
        %parallel_loop3A_128 = vector.broadcast %parallel_loop3A_127 : i32 to vector<16xi32>
        %parallel_loop3A_129 = tpu.vector_load_idx %arg12[%parallel_loop3A_128] : memref<128xf32, #tpu.memory_space<vmem>>[vector<16xi32>], vector<16xf32>,
        %parallel_loop3A_130 = arith.index_cast %parallel_loop3A_127 : i32 to index
        %parallel_loop3A_131 = arith.constant 0 : index
        %parallel_loop3A_132 = tpu.vector_load %arg14[%parallel_loop3A_130, %parallel_loop3A_131] {strides = array<i32>} : memref<128x128xf32, #tpu.memory_space<vmem>>, vector<16xf32>,
        %parallel_loop3A_133 = arith.mulf %parallel_loop3A_132, %parallel_loop3A_129 : vector<16xf32>
        %parallel_loop3A_134 = arith.index_cast %parallel_loop3A_127 : i32 to index
        %parallel_loop3A_135 = arith.constant 0 : index
        %parallel_loop3A_136 = tpu.vector_load %arg14[%parallel_loop3A_134, %parallel_loop3A_135] {strides = array<i32>} : memref<128x128xf32, #tpu.memory_space<vmem>>, vector<16xf32>,
        tpu.vector_store %arg14[%parallel_loop3A_134, %parallel_loop3A_135], %parallel_loop3A_133 {strides = array<i32>} : memref<128x128xf32, #tpu.memory_space<vmem>>, vector<16xf32>,
        %parallel_loop3A_137 = arith.index_cast %parallel_loop3A_127 : i32 to index
        %parallel_loop3A_138 = arith.constant 16 : index
        %parallel_loop3A_139 = tpu.vector_load %arg14[%parallel_loop3A_137, %parallel_loop3A_138] {strides = array<i32>} : memref<128x128xf32, #tpu.memory_space<vmem>>, vector<16xf32>,
        %parallel_loop3A_140 = arith.mulf %parallel_loop3A_139, %parallel_loop3A_129 : vector<16xf32>
        %parallel_loop3A_141 = arith.index_cast %parallel_loop3A_127 : i32 to index
        %parallel_loop3A_142 = arith.constant 16 : index
        %parallel_loop3A_143 = tpu.vector_load %arg14[%parallel_loop3A_141, %parallel_loop3A_142] {strides = array<i32>} : memref<128x128xf32, #tpu.memory_space<vmem>>, vector<16xf32>,
        tpu.vector_store %arg14[%parallel_loop3A_141, %parallel_loop3A_142], %parallel_loop3A_140 {strides = array<i32>} : memref<128x128xf32, #tpu.memory_space<vmem>>, vector<16xf32>,
        %parallel_loop3A_144 = arith.index_cast %parallel_loop3A_127 : i32 to index
        %parallel_loop3A_145 = arith.constant 32 : index
        %parallel_loop3A_146 = tpu.vector_load %arg14[%parallel_loop3A_144, %parallel_loop3A_145] {strides = array<i32>} : memref<128x128xf32, #tpu.memory_space<vmem>>, vector<16xf32>,
        %parallel_loop3A_147 = arith.mulf %parallel_loop3A_146, %parallel_loop3A_129 : vector<16xf32>
        %parallel_loop3A_148 = arith.index_cast %parallel_loop3A_127 : i32 to index
        %parallel_loop3A_149 = arith.constant 32 : index
        %parallel_loop3A_150 = tpu.vector_load %arg14[%parallel_loop3A_148, %parallel_loop3A_149] {strides = array<i32>} : memref<128x128xf32, #tpu.memory_space<vmem>>, vector<16xf32>,
        tpu.vector_store %arg14[%parallel_loop3A_148, %parallel_loop3A_149], %parallel_loop3A_147 {strides = array<i32>} : memref<128x128xf32, #tpu.memory_space<vmem>>, vector<16xf32>,
        %parallel_loop3A_151 = arith.index_cast %parallel_loop3A_127 : i32 to index
        %parallel_loop3A_152 = arith.constant 48 : index
        %parallel_loop3A_153 = tpu.vector_load %arg14[%parallel_loop3A_151, %parallel_loop3A_152] {strides = array<i32>} : memref<128x128xf32, #tpu.memory_space<vmem>>, vector<16xf32>,
        %parallel_loop3A_154 = arith.mulf %parallel_loop3A_153, %parallel_loop3A_129 : vector<16xf32>
        %parallel_loop3A_155 = arith.index_cast %parallel_loop3A_127 : i32 to index
        %parallel_loop3A_156 = arith.constant 48 : index
        %parallel_loop3A_157 = tpu.vector_load %arg14[%parallel_loop3A_155, %parallel_loop3A_156] {strides = array<i32>} : memref<128x128xf32, #tpu.memory_space<vmem>>, vector<16xf32>,
        tpu.vector_store %arg14[%parallel_loop3A_155, %parallel_loop3A_156], %parallel_loop3A_154 {strides = array<i32>} : memref<128x128xf32, #tpu.memory_space<vmem>>, vector<16xf32>,
      } {sc.loop_unroll_factor = 4 : i64, sc.parallel_access}
      %dma_start3A_117 = arith.constant 0 : i32
      %dma_start3A_118 = arith.constant 0 : i32
      %dma_start3A_119 = tpu.memref_slice %arg15[%dma_start3A_117, %dma_start3A_118] : memref<10000x128xf32, #tpu.memory_space<vmem_shared>> -> memref<10000x128xf32, #tpu.memory_space<vmem_shared>>
      tpu.enqueue_indirect_dma source(%arg14 : memref<128x128xf32, #tpu.memory_space<vmem>>) target(%dma_start3A_119 : memref<10000x128xf32, #tpu.memory_space<vmem_shared>>) offsets(%arg10 : memref<128xi32, #tpu.memory_space<vmem>>) semaphore(%arg21 : memref<!tpu.dma_semaphore, #tpu.memory_space<semaphore_mem>>) {add = true}
      %add3A_120 = arith.constant 1 : i32
      %add3A_121 = arith.addi %add3A_58, %add3A_120 : i32
      %lt3A_122 = arith.constant 20 : i32
      %lt3A_123 = arith.cmpi slt, %add3A_121, %lt3A_122 : i32
      %convert_element_type3A_124 = arith.extui %lt3A_123 : i1 to i32
      %cond3A_125 = arith.constant 0 : i32
      %cond3A_126 = arith.cmpi ne, %convert_element_type3A_124, %cond3A_125 : i32
      scf.if %cond3A_126 {
        %dma_wait3A_127 = arith.constant 0 : i32
        %dma_wait3A_128 = arith.constant 0 : i32
        %dma_wait3A_129 = tpu.memref_slice %arg15[%dma_wait3A_127, %dma_wait3A_128] : memref<10000x128xf32, #tpu.memory_space<vmem_shared>> -> memref<10000x128xf32, #tpu.memory_space<vmem_shared>>
        tpu.wait_indirect_dma semaphore(%arg21 : memref<!tpu.dma_semaphore, #tpu.memory_space<semaphore_mem>>) src(%arg14 : memref<128x128xf32, #tpu.memory_space<vmem>>) dst(%dma_wait3A_129 : memref<10000x128xf32, #tpu.memory_space<vmem_shared>>)
      } else {
      }
    }
    %while3A_39 = arith.constant 1 : i32
    scf.for %while3A_56 = %while3A_37 to %while3A_33 step %while3A_39  : i32 {
      %mul3A_57 = arith.muli %while3A_56, %while3A : i32
      %add3A_58 = arith.addi %while3A_30, %mul3A_57 : i32
      %mul3A_59 = arith.constant 2 : i32
      %mul3A_60 = arith.muli %add3A_58, %mul3A_59 : i32
      %add3A_61 = arith.constant 1 : i32
      %add3A_62 = arith.addi %mul3A_60, %add3A_61 : i32
      %mul3A_63 = arith.constant 128 : i32
      %mul3A_64 = arith.muli %add3A_62, %mul3A_63 : i32
      %add3A_65 = arith.addi %mul3A_8, %mul3A_64 : i32
      %dma_start3A_66 = tpu.memref_slice %arg4[%add3A_65] : memref<163840xi32, #tpu.memory_space<hbm>> -> memref<128xi32, #tpu.memory_space<hbm>>
      %dma_start3A_67 = tpu.memref_slice %arg4[%add3A_65] : memref<163840xi32, #tpu.memory_space<hbm>> -> memref<128xi32, #tpu.memory_space<hbm>>
      tpu.enqueue_dma source(%dma_start3A_67 : memref<128xi32, #tpu.memory_space<hbm>>) target(%arg10 : memref<128xi32, #tpu.memory_space<vmem>>) target_semaphore(%arg19 : memref<!tpu.dma_semaphore, #tpu.memory_space<semaphore_mem>>)
      %dma_start3A_68 = tpu.memref_slice %arg5[%add3A_65] : memref<163840xf32, #tpu.memory_space<hbm>> -> memref<128xf32, #tpu.memory_space<hbm>>
      %dma_start3A_69 = tpu.memref_slice %arg5[%add3A_65] : memref<163840xf32, #tpu.memory_space<hbm>> -> memref<128xf32, #tpu.memory_space<hbm>>
      tpu.enqueue_dma source(%dma_start3A_69 : memref<128xf32, #tpu.memory_space<hbm>>) target(%arg12 : memref<128xf32, #tpu.memory_space<vmem>>) target_semaphore(%arg19 : memref<!tpu.dma_semaphore, #tpu.memory_space<semaphore_mem>>)
      %mul3A_70 = arith.constant 128 : i32
      %mul3A_71 = arith.muli %add3A_62, %mul3A_70 : i32
      %dma_start3A_72 = tpu.memref_slice %arg8[%mul3A_71] : memref<5120xi32, #tpu.memory_space<vmem>> -> memref<128xi32, #tpu.memory_space<vmem>>
      %dma_start3A_73 = arith.constant 0 : i32
      %dma_start3A_74 = arith.constant 0 : i32
      %dma_start3A_75 = tpu.memref_slice %arg2[%dma_start3A_73, %dma_start3A_74] : memref<10000x128xf32, #tpu.memory_space<hbm>> -> memref<10000x128xf32, #tpu.memory_space<hbm>>
      tpu.enqueue_indirect_dma source(%dma_start3A_75 : memref<10000x128xf32, #tpu.memory_space<hbm>>) target(%arg14 : memref<128x128xf32, #tpu.memory_space<vmem>>) offsets(%dma_start3A_72 : memref<128xi32, #tpu.memory_space<vmem>>) semaphore(%arg17 : memref<!tpu.dma_semaphore, #tpu.memory_space<semaphore_mem>>)
      %mul3A_76 = arith.constant 128 : i32
      %mul3A_77 = arith.muli %mul3A_60, %mul3A_76 : i32
      %add3A_78 = arith.addi %mul3A_8, %mul3A_77 : i32
      %dma_wait3A_79 = tpu.memref_slice %arg4[%add3A_78] : memref<163840xi32, #tpu.memory_space<hbm>> -> memref<128xi32, #tpu.memory_space<hbm>>
      %dma_wait3A_80 = tpu.memref_slice %arg4[%add3A_78] : memref<163840xi32, #tpu.memory_space<hbm>> -> memref<128xi32, #tpu.memory_space<hbm>>
      tpu.wait_dma2 semaphore(%arg18 : memref<!tpu.dma_semaphore, #tpu.memory_space<semaphore_mem>>) src(%dma_wait3A_80 : memref<128xi32, #tpu.memory_space<hbm>>) dst(%arg9 : memref<128xi32, #tpu.memory_space<vmem>>)
      %dma_wait3A_81 = tpu.memref_slice %arg5[%add3A_78] : memref<163840xf32, #tpu.memory_space<hbm>> -> memref<128xf32, #tpu.memory_space<hbm>>
      %dma_wait3A_82 = tpu.memref_slice %arg5[%add3A_78] : memref<163840xf32, #tpu.memory_space<hbm>> -> memref<128xf32, #tpu.memory_space<hbm>>
      tpu.wait_dma2 semaphore(%arg18 : memref<!tpu.dma_semaphore, #tpu.memory_space<semaphore_mem>>) src(%dma_wait3A_82 : memref<128xf32, #tpu.memory_space<hbm>>) dst(%arg11 : memref<128xf32, #tpu.memory_space<vmem>>)
      %mul3A_83 = arith.constant 128 : i32
      %mul3A_84 = arith.muli %mul3A_60, %mul3A_83 : i32
      %dma_wait3A_85 = tpu.memref_slice %arg8[%mul3A_84] : memref<5120xi32, #tpu.memory_space<vmem>> -> memref<128xi32, #tpu.memory_space<vmem>>
      %dma_wait3A_86 = arith.constant 0 : i32
      %dma_wait3A_87 = arith.constant 0 : i32
      %dma_wait3A_88 = tpu.memref_slice %arg2[%dma_wait3A_86, %dma_wait3A_87] : memref<10000x128xf32, #tpu.memory_space<hbm>> -> memref<10000x128xf32, #tpu.memory_space<hbm>>
      tpu.wait_indirect_dma semaphore(%arg16 : memref<!tpu.dma_semaphore, #tpu.memory_space<semaphore_mem>>) src(%dma_wait3A_88 : memref<10000x128xf32, #tpu.memory_space<hbm>>) dst(%arg13 : memref<128x128xf32, #tpu.memory_space<vmem>>)
      %parallel_loop3A = arith.constant 0 : i32
      %parallel_loop3A_89 = arith.constant 128 : i32
      %parallel_loop3A_90 = arith.constant 1 : i32
      scf.for %parallel_loop3A_127 = %parallel_loop3A to %parallel_loop3A_89 step %parallel_loop3A_90  : i32 {
        %parallel_loop3A_128 = vector.broadcast %parallel_loop3A_127 : i32 to vector<16xi32>
        %parallel_loop3A_129 = tpu.vector_load_idx %arg11[%parallel_loop3A_128] : memref<128xf32, #tpu.memory_space<vmem>>[vector<16xi32>], vector<16xf32>,
        %parallel_loop3A_130 = arith.index_cast %parallel_loop3A_127 : i32 to index
        %parallel_loop3A_131 = arith.constant 0 : index
        %parallel_loop3A_132 = tpu.vector_load %arg13[%parallel_loop3A_130, %parallel_loop3A_131] {strides = array<i32>} : memref<128x128xf32, #tpu.memory_space<vmem>>, vector<16xf32>,
        %parallel_loop3A_133 = arith.mulf %parallel_loop3A_132, %parallel_loop3A_129 : vector<16xf32>
        %parallel_loop3A_134 = arith.index_cast %parallel_loop3A_127 : i32 to index
        %parallel_loop3A_135 = arith.constant 0 : index
        %parallel_loop3A_136 = tpu.vector_load %arg13[%parallel_loop3A_134, %parallel_loop3A_135] {strides = array<i32>} : memref<128x128xf32, #tpu.memory_space<vmem>>, vector<16xf32>,
        tpu.vector_store %arg13[%parallel_loop3A_134, %parallel_loop3A_135], %parallel_loop3A_133 {strides = array<i32>} : memref<128x128xf32, #tpu.memory_space<vmem>>, vector<16xf32>,
        %parallel_loop3A_137 = arith.index_cast %parallel_loop3A_127 : i32 to index
        %parallel_loop3A_138 = arith.constant 16 : index
        %parallel_loop3A_139 = tpu.vector_load %arg13[%parallel_loop3A_137, %parallel_loop3A_138] {strides = array<i32>} : memref<128x128xf32, #tpu.memory_space<vmem>>, vector<16xf32>,
        %parallel_loop3A_140 = arith.mulf %parallel_loop3A_139, %parallel_loop3A_129 : vector<16xf32>
        %parallel_loop3A_141 = arith.index_cast %parallel_loop3A_127 : i32 to index
        %parallel_loop3A_142 = arith.constant 16 : index
        %parallel_loop3A_143 = tpu.vector_load %arg13[%parallel_loop3A_141, %parallel_loop3A_142] {strides = array<i32>} : memref<128x128xf32, #tpu.memory_space<vmem>>, vector<16xf32>,
        tpu.vector_store %arg13[%parallel_loop3A_141, %parallel_loop3A_142], %parallel_loop3A_140 {strides = array<i32>} : memref<128x128xf32, #tpu.memory_space<vmem>>, vector<16xf32>,
        %parallel_loop3A_144 = arith.index_cast %parallel_loop3A_127 : i32 to index
        %parallel_loop3A_145 = arith.constant 32 : index
        %parallel_loop3A_146 = tpu.vector_load %arg13[%parallel_loop3A_144, %parallel_loop3A_145] {strides = array<i32>} : memref<128x128xf32, #tpu.memory_space<vmem>>, vector<16xf32>,
        %parallel_loop3A_147 = arith.mulf %parallel_loop3A_146, %parallel_loop3A_129 : vector<16xf32>
        %parallel_loop3A_148 = arith.index_cast %parallel_loop3A_127 : i32 to index
        %parallel_loop3A_149 = arith.constant 32 : index
        %parallel_loop3A_150 = tpu.vector_load %arg13[%parallel_loop3A_148, %parallel_loop3A_149] {strides = array<i32>} : memref<128x128xf32, #tpu.memory_space<vmem>>, vector<16xf32>,
        tpu.vector_store %arg13[%parallel_loop3A_148, %parallel_loop3A_149], %parallel_loop3A_147 {strides = array<i32>} : memref<128x128xf32, #tpu.memory_space<vmem>>, vector<16xf32>,
        %parallel_loop3A_151 = arith.index_cast %parallel_loop3A_127 : i32 to index
        %parallel_loop3A_152 = arith.constant 48 : index
        %parallel_loop3A_153 = tpu.vector_load %arg13[%parallel_loop3A_151, %parallel_loop3A_152] {strides = array<i32>} : memref<128x128xf32, #tpu.memory_space<vmem>>, vector<16xf32>,
        %parallel_loop3A_154 = arith.mulf %parallel_loop3A_153, %parallel_loop3A_129 : vector<16xf32>
        %parallel_loop3A_155 = arith.index_cast %parallel_loop3A_127 : i32 to index
        %parallel_loop3A_156 = arith.constant 48 : index
        %parallel_loop3A_157 = tpu.vector_load %arg13[%parallel_loop3A_155, %parallel_loop3A_156] {strides = array<i32>} : memref<128x128xf32, #tpu.memory_space<vmem>>, vector<16xf32>,
        tpu.vector_store %arg13[%parallel_loop3A_155, %parallel_loop3A_156], %parallel_loop3A_154 {strides = array<i32>} : memref<128x128xf32, #tpu.memory_space<vmem>>, vector<16xf32>,
      } {sc.loop_unroll_factor = 4 : i64, sc.parallel_access}
      %dma_start3A_91 = arith.constant 0 : i32
      %dma_start3A_92 = arith.constant 0 : i32
      %dma_start3A_93 = tpu.memref_slice %arg15[%dma_start3A_91, %dma_start3A_92] : memref<10000x128xf32, #tpu.memory_space<vmem_shared>> -> memref<10000x128xf32, #tpu.memory_space<vmem_shared>>
      tpu.enqueue_indirect_dma source(%arg13 : memref<128x128xf32, #tpu.memory_space<vmem>>) target(%dma_start3A_93 : memref<10000x128xf32, #tpu.memory_space<vmem_shared>>) offsets(%arg9 : memref<128xi32, #tpu.memory_space<vmem>>) semaphore(%arg20 : memref<!tpu.dma_semaphore, #tpu.memory_space<semaphore_mem>>) {add = true}
      %add3A_94 = arith.constant 1 : i32
      %add3A_95 = arith.addi %add3A_58, %add3A_94 : i32
      %lt3A_96 = arith.constant 20 : i32
      %lt3A_97 = arith.cmpi slt, %add3A_95, %lt3A_96 : i32
      %convert_element_type3A_98 = arith.extui %lt3A_97 : i1 to i32
      %cond3A_99 = arith.constant 0 : i32
      %cond3A_100 = arith.cmpi ne, %convert_element_type3A_98, %cond3A_99 : i32
      scf.if %cond3A_100 {
        %dma_wait3A_127 = arith.constant 0 : i32
        %dma_wait3A_128 = arith.constant 0 : i32
        %dma_wait3A_129 = tpu.memref_slice %arg15[%dma_wait3A_127, %dma_wait3A_128] : memref<10000x128xf32, #tpu.memory_space<vmem_shared>> -> memref<10000x128xf32, #tpu.memory_space<vmem_shared>>
        tpu.wait_indirect_dma semaphore(%arg20 : memref<!tpu.dma_semaphore, #tpu.memory_space<semaphore_mem>>) src(%arg13 : memref<128x128xf32, #tpu.memory_space<vmem>>) dst(%dma_wait3A_129 : memref<10000x128xf32, #tpu.memory_space<vmem_shared>>)
        %add3A_130 = arith.constant 2 : i32
        %add3A_131 = arith.addi %mul3A_60, %add3A_130 : i32
        %mul3A_132 = arith.constant 128 : i32
        %mul3A_133 = arith.muli %add3A_131, %mul3A_132 : i32
        %add3A_134 = arith.addi %mul3A_8, %mul3A_133 : i32
        %dma_start3A_135 = tpu.memref_slice %arg4[%add3A_134] : memref<163840xi32, #tpu.memory_space<hbm>> -> memref<128xi32, #tpu.memory_space<hbm>>
        %dma_start3A_136 = tpu.memref_slice %arg4[%add3A_134] : memref<163840xi32, #tpu.memory_space<hbm>> -> memref<128xi32, #tpu.memory_space<hbm>>
        tpu.enqueue_dma source(%dma_start3A_136 : memref<128xi32, #tpu.memory_space<hbm>>) target(%arg9 : memref<128xi32, #tpu.memory_space<vmem>>) target_semaphore(%arg18 : memref<!tpu.dma_semaphore, #tpu.memory_space<semaphore_mem>>)
        %dma_start3A_137 = tpu.memref_slice %arg5[%add3A_134] : memref<163840xf32, #tpu.memory_space<hbm>> -> memref<128xf32, #tpu.memory_space<hbm>>
        %dma_start3A_138 = tpu.memref_slice %arg5[%add3A_134] : memref<163840xf32, #tpu.memory_space<hbm>> -> memref<128xf32, #tpu.memory_space<hbm>>
        tpu.enqueue_dma source(%dma_start3A_138 : memref<128xf32, #tpu.memory_space<hbm>>) target(%arg11 : memref<128xf32, #tpu.memory_space<vmem>>) target_semaphore(%arg18 : memref<!tpu.dma_semaphore, #tpu.memory_space<semaphore_mem>>)
        %mul3A_139 = arith.constant 128 : i32
        %mul3A_140 = arith.muli %add3A_131, %mul3A_139 : i32
        %dma_start3A_141 = tpu.memref_slice %arg8[%mul3A_140] : memref<5120xi32, #tpu.memory_space<vmem>> -> memref<128xi32, #tpu.memory_space<vmem>>
        %dma_start3A_142 = arith.constant 0 : i32
        %dma_start3A_143 = arith.constant 0 : i32
        %dma_start3A_144 = tpu.memref_slice %arg2[%dma_start3A_142, %dma_start3A_143] : memref<10000x128xf32, #tpu.memory_space<hbm>> -> memref<10000x128xf32, #tpu.memory_space<hbm>>
        tpu.enqueue_indirect_dma source(%dma_start3A_144 : memref<10000x128xf32, #tpu.memory_space<hbm>>) target(%arg13 : memref<128x128xf32, #tpu.memory_space<vmem>>) offsets(%dma_start3A_141 : memref<128xi32, #tpu.memory_space<vmem>>) semaphore(%arg16 : memref<!tpu.dma_semaphore, #tpu.memory_space<semaphore_mem>>)
      } else {
      }
      %mul3A_101 = arith.constant 128 : i32
      %mul3A_102 = arith.muli %add3A_62, %mul3A_101 : i32
      %add3A_103 = arith.addi %mul3A_8, %mul3A_102 : i32
      %dma_wait3A_104 = tpu.memref_slice %arg4[%add3A_103] : memref<163840xi32, #tpu.memory_space<hbm>> -> memref<128xi32, #tpu.memory_space<hbm>>
      %dma_wait3A_105 = tpu.memref_slice %arg4[%add3A_103] : memref<163840xi32, #tpu.memory_space<hbm>> -> memref<128xi32, #tpu.memory_space<hbm>>
      tpu.wait_dma2 semaphore(%arg19 : memref<!tpu.dma_semaphore, #tpu.memory_space<semaphore_mem>>) src(%dma_wait3A_105 : memref<128xi32, #tpu.memory_space<hbm>>) dst(%arg10 : memref<128xi32, #tpu.memory_space<vmem>>)
      %dma_wait3A_106 = tpu.memref_slice %arg5[%add3A_103] : memref<163840xf32, #tpu.memory_space<hbm>> -> memref<128xf32, #tpu.memory_space<hbm>>
      %dma_wait3A_107 = tpu.memref_slice %arg5[%add3A_103] : memref<163840xf32, #tpu.memory_space<hbm>> -> memref<128xf32, #tpu.memory_space<hbm>>
      tpu.wait_dma2 semaphore(%arg19 : memref<!tpu.dma_semaphore, #tpu.memory_space<semaphore_mem>>) src(%dma_wait3A_107 : memref<128xf32, #tpu.memory_space<hbm>>) dst(%arg12 : memref<128xf32, #tpu.memory_space<vmem>>)
      %mul3A_108 = arith.constant 128 : i32
      %mul3A_109 = arith.muli %add3A_62, %mul3A_108 : i32
      %dma_wait3A_110 = tpu.memref_slice %arg8[%mul3A_109] : memref<5120xi32, #tpu.memory_space<vmem>> -> memref<128xi32, #tpu.memory_space<vmem>>
      %dma_wait3A_111 = arith.constant 0 : i32
      %dma_wait3A_112 = arith.constant 0 : i32
      %dma_wait3A_113 = tpu.memref_slice %arg2[%dma_wait3A_111, %dma_wait3A_112] : memref<10000x128xf32, #tpu.memory_space<hbm>> -> memref<10000x128xf32, #tpu.memory_space<hbm>>
      tpu.wait_indirect_dma semaphore(%arg17 : memref<!tpu.dma_semaphore, #tpu.memory_space<semaphore_mem>>) src(%dma_wait3A_113 : memref<10000x128xf32, #tpu.memory_space<hbm>>) dst(%arg14 : memref<128x128xf32, #tpu.memory_space<vmem>>)
      %parallel_loop3A_114 = arith.constant 0 : i32
      %parallel_loop3A_115 = arith.constant 128 : i32
      %parallel_loop3A_116 = arith.constant 1 : i32
      scf.for %parallel_loop3A_127 = %parallel_loop3A_114 to %parallel_loop3A_115 step %parallel_loop3A_116  : i32 {
        %parallel_loop3A_128 = vector.broadcast %parallel_loop3A_127 : i32 to vector<16xi32>
        %parallel_loop3A_129 = tpu.vector_load_idx %arg12[%parallel_loop3A_128] : memref<128xf32, #tpu.memory_space<vmem>>[vector<16xi32>], vector<16xf32>,
        %parallel_loop3A_130 = arith.index_cast %parallel_loop3A_127 : i32 to index
        %parallel_loop3A_131 = arith.constant 0 : index
        %parallel_loop3A_132 = tpu.vector_load %arg14[%parallel_loop3A_130, %parallel_loop3A_131] {strides = array<i32>} : memref<128x128xf32, #tpu.memory_space<vmem>>, vector<16xf32>,
        %parallel_loop3A_133 = arith.mulf %parallel_loop3A_132, %parallel_loop3A_129 : vector<16xf32>
        %parallel_loop3A_134 = arith.index_cast %parallel_loop3A_127 : i32 to index
        %parallel_loop3A_135 = arith.constant 0 : index
        %parallel_loop3A_136 = tpu.vector_load %arg14[%parallel_loop3A_134, %parallel_loop3A_135] {strides = array<i32>} : memref<128x128xf32, #tpu.memory_space<vmem>>, vector<16xf32>,
        tpu.vector_store %arg14[%parallel_loop3A_134, %parallel_loop3A_135], %parallel_loop3A_133 {strides = array<i32>} : memref<128x128xf32, #tpu.memory_space<vmem>>, vector<16xf32>,
        %parallel_loop3A_137 = arith.index_cast %parallel_loop3A_127 : i32 to index
        %parallel_loop3A_138 = arith.constant 16 : index
        %parallel_loop3A_139 = tpu.vector_load %arg14[%parallel_loop3A_137, %parallel_loop3A_138] {strides = array<i32>} : memref<128x128xf32, #tpu.memory_space<vmem>>, vector<16xf32>,
        %parallel_loop3A_140 = arith.mulf %parallel_loop3A_139, %parallel_loop3A_129 : vector<16xf32>
        %parallel_loop3A_141 = arith.index_cast %parallel_loop3A_127 : i32 to index
        %parallel_loop3A_142 = arith.constant 16 : index
        %parallel_loop3A_143 = tpu.vector_load %arg14[%parallel_loop3A_141, %parallel_loop3A_142] {strides = array<i32>} : memref<128x128xf32, #tpu.memory_space<vmem>>, vector<16xf32>,
        tpu.vector_store %arg14[%parallel_loop3A_141, %parallel_loop3A_142], %parallel_loop3A_140 {strides = array<i32>} : memref<128x128xf32, #tpu.memory_space<vmem>>, vector<16xf32>,
        %parallel_loop3A_144 = arith.index_cast %parallel_loop3A_127 : i32 to index
        %parallel_loop3A_145 = arith.constant 32 : index
        %parallel_loop3A_146 = tpu.vector_load %arg14[%parallel_loop3A_144, %parallel_loop3A_145] {strides = array<i32>} : memref<128x128xf32, #tpu.memory_space<vmem>>, vector<16xf32>,
        %parallel_loop3A_147 = arith.mulf %parallel_loop3A_146, %parallel_loop3A_129 : vector<16xf32>
        %parallel_loop3A_148 = arith.index_cast %parallel_loop3A_127 : i32 to index
        %parallel_loop3A_149 = arith.constant 32 : index
        %parallel_loop3A_150 = tpu.vector_load %arg14[%parallel_loop3A_148, %parallel_loop3A_149] {strides = array<i32>} : memref<128x128xf32, #tpu.memory_space<vmem>>, vector<16xf32>,
        tpu.vector_store %arg14[%parallel_loop3A_148, %parallel_loop3A_149], %parallel_loop3A_147 {strides = array<i32>} : memref<128x128xf32, #tpu.memory_space<vmem>>, vector<16xf32>,
        %parallel_loop3A_151 = arith.index_cast %parallel_loop3A_127 : i32 to index
        %parallel_loop3A_152 = arith.constant 48 : index
        %parallel_loop3A_153 = tpu.vector_load %arg14[%parallel_loop3A_151, %parallel_loop3A_152] {strides = array<i32>} : memref<128x128xf32, #tpu.memory_space<vmem>>, vector<16xf32>,
        %parallel_loop3A_154 = arith.mulf %parallel_loop3A_153, %parallel_loop3A_129 : vector<16xf32>
        %parallel_loop3A_155 = arith.index_cast %parallel_loop3A_127 : i32 to index
        %parallel_loop3A_156 = arith.constant 48 : index
        %parallel_loop3A_157 = tpu.vector_load %arg14[%parallel_loop3A_155, %parallel_loop3A_156] {strides = array<i32>} : memref<128x128xf32, #tpu.memory_space<vmem>>, vector<16xf32>,
        tpu.vector_store %arg14[%parallel_loop3A_155, %parallel_loop3A_156], %parallel_loop3A_154 {strides = array<i32>} : memref<128x128xf32, #tpu.memory_space<vmem>>, vector<16xf32>,
      } {sc.loop_unroll_factor = 4 : i64, sc.parallel_access}
      %dma_start3A_117 = arith.constant 0 : i32
      %dma_start3A_118 = arith.constant 0 : i32
      %dma_start3A_119 = tpu.memref_slice %arg15[%dma_start3A_117, %dma_start3A_118] : memref<10000x128xf32, #tpu.memory_space<vmem_shared>> -> memref<10000x128xf32, #tpu.memory_space<vmem_shared>>
      tpu.enqueue_indirect_dma source(%arg14 : memref<128x128xf32, #tpu.memory_space<vmem>>) target(%dma_start3A_119 : memref<10000x128xf32, #tpu.memory_space<vmem_shared>>) offsets(%arg10 : memref<128xi32, #tpu.memory_space<vmem>>) semaphore(%arg21 : memref<!tpu.dma_semaphore, #tpu.memory_space<semaphore_mem>>) {add = true}
      %add3A_120 = arith.constant 1 : i32
      %add3A_121 = arith.addi %add3A_58, %add3A_120 : i32
      %lt3A_122 = arith.constant 20 : i32
      %lt3A_123 = arith.cmpi slt, %add3A_121, %lt3A_122 : i32
      %convert_element_type3A_124 = arith.extui %lt3A_123 : i1 to i32
      %cond3A_125 = arith.constant 0 : i32
      %cond3A_126 = arith.cmpi ne, %convert_element_type3A_124, %cond3A_125 : i32
      scf.if %cond3A_126 {
        %dma_wait3A_127 = arith.constant 0 : i32
        %dma_wait3A_128 = arith.constant 0 : i32
        %dma_wait3A_129 = tpu.memref_slice %arg15[%dma_wait3A_127, %dma_wait3A_128] : memref<10000x128xf32, #tpu.memory_space<vmem_shared>> -> memref<10000x128xf32, #tpu.memory_space<vmem_shared>>
        tpu.wait_indirect_dma semaphore(%arg21 : memref<!tpu.dma_semaphore, #tpu.memory_space<semaphore_mem>>) src(%arg14 : memref<128x128xf32, #tpu.memory_space<vmem>>) dst(%dma_wait3A_129 : memref<10000x128xf32, #tpu.memory_space<vmem_shared>>)
      } else {
      }
    }
    %dma_wait3A = arith.constant 0 : i32
    %dma_wait3A_40 = arith.constant 0 : i32
    %dma_wait3A_41 = tpu.memref_slice %arg15[%dma_wait3A, %dma_wait3A_40] : memref<10000x128xf32, #tpu.memory_space<vmem_shared>> -> memref<10000x128xf32, #tpu.memory_space<vmem_shared>>
    tpu.wait_indirect_dma semaphore(%arg20 : memref<!tpu.dma_semaphore, #tpu.memory_space<semaphore_mem>>) src(%arg13 : memref<128x128xf32, #tpu.memory_space<vmem>>) dst(%dma_wait3A_41 : memref<10000x128xf32, #tpu.memory_space<vmem_shared>>)
    %dma_wait3A_42 = arith.constant 0 : i32
    %dma_wait3A_43 = arith.constant 0 : i32
    %dma_wait3A_44 = tpu.memref_slice %arg15[%dma_wait3A_42, %dma_wait3A_43] : memref<10000x128xf32, #tpu.memory_space<vmem_shared>> -> memref<10000x128xf32, #tpu.memory_space<vmem_shared>>
    tpu.wait_indirect_dma semaphore(%arg21 : memref<!tpu.dma_semaphore, #tpu.memory_space<semaphore_mem>>) src(%arg14 : memref<128x128xf32, #tpu.memory_space<vmem>>) dst(%dma_wait3A_44 : memref<10000x128xf32, #tpu.memory_space<vmem_shared>>)
    %barrier3A_45 = arith.constant 0 : index
    tpu.barrier barrier_id(%barrier3A_45)
    %lt3A_46 = arith.constant 15 : i32
    %lt3A_47 = arith.cmpi slt, %arg1, %lt3A_46 : i32
    %convert_element_type3A_48 = arith.extui %lt3A_47 : i1 to i32
    %cond3A_49 = arith.constant 0 : i32
    %cond3A_50 = arith.cmpi ne, %convert_element_type3A_48, %cond3A_49 : i32
    scf.if %cond3A_50 {
      %mul3A_56 = arith.constant 624 : i32
      %mul3A_57 = arith.muli %arg1, %mul3A_56 : i32
      "tpu.region"() ({
        %run_scoped3A = tpu.sem_alloc : memref<!tpu.dma_semaphore, #tpu.memory_space<semaphore_mem>>
        %dma_start3A_58 = arith.constant 0 : i32
        %dma_start3A_59 = arith.constant 0 : i32
        %dma_start3A_60 = tpu.memref_slice %arg7[%arg0, %dma_start3A_58, %dma_start3A_59] : memref<2x10000x128xf32, #tpu.memory_space<hbm>> -> memref<1x10000x128xf32, #tpu.memory_space<hbm>>
        %dma_start3A_61 = tpu.memref_squeeze %dma_start3A_60 : memref<1x10000x128xf32, #tpu.memory_space<hbm>> -> memref<10000x128xf32, #tpu.memory_space<hbm>>
        %dma_start3A_62 = arith.constant 0 : i32
        %dma_start3A_63 = tpu.memref_slice %dma_start3A_61[%mul3A_57, %dma_start3A_62] : memref<10000x128xf32, #tpu.memory_space<hbm>> -> memref<624x128xf32, #tpu.memory_space<hbm>>
        %dma_start3A_64 = arith.constant 0 : i32
        %dma_start3A_65 = tpu.memref_slice %arg15[%mul3A_57, %dma_start3A_64] : memref<10000x128xf32, #tpu.memory_space<vmem_shared>> -> memref<624x128xf32, #tpu.memory_space<vmem_shared>>
        tpu.enqueue_dma source(%dma_start3A_65 : memref<624x128xf32, #tpu.memory_space<vmem_shared>>) target(%dma_start3A_63 : memref<624x128xf32, #tpu.memory_space<hbm>>) target_semaphore(%run_scoped3A : memref<!tpu.dma_semaphore, #tpu.memory_space<semaphore_mem>>)
        %dma_wait3A_66 = arith.constant 0 : i32
        %dma_wait3A_67 = arith.constant 0 : i32
        %dma_wait3A_68 = tpu.memref_slice %arg7[%arg0, %dma_wait3A_66, %dma_wait3A_67] : memref<2x10000x128xf32, #tpu.memory_space<hbm>> -> memref<1x10000x128xf32, #tpu.memory_space<hbm>>
        %dma_wait3A_69 = tpu.memref_squeeze %dma_wait3A_68 : memref<1x10000x128xf32, #tpu.memory_space<hbm>> -> memref<10000x128xf32, #tpu.memory_space<hbm>>
        %dma_wait3A_70 = arith.constant 0 : i32
        %dma_wait3A_71 = tpu.memref_slice %dma_wait3A_69[%mul3A_57, %dma_wait3A_70] : memref<10000x128xf32, #tpu.memory_space<hbm>> -> memref<624x128xf32, #tpu.memory_space<hbm>>
        %dma_wait3A_72 = arith.constant 0 : i32
        %dma_wait3A_73 = tpu.memref_slice %arg15[%mul3A_57, %dma_wait3A_72] : memref<10000x128xf32, #tpu.memory_space<vmem_shared>> -> memref<624x128xf32, #tpu.memory_space<vmem_shared>>
        tpu.wait_dma2 semaphore(%run_scoped3A : memref<!tpu.dma_semaphore, #tpu.memory_space<semaphore_mem>>) src(%dma_wait3A_73 : memref<624x128xf32, #tpu.memory_space<vmem_shared>>) dst(%dma_wait3A_71 : memref<624x128xf32, #tpu.memory_space<hbm>>)
        tpu.yield
      }) : () -> ()
    } else {
    }
    %eq3A_51 = arith.constant 15 : i32
    %eq3A_52 = arith.cmpi eq, %arg1, %eq3A_51 : i32
    %convert_element_type3A_53 = arith.extui %eq3A_52 : i1 to i32
    %cond3A_54 = arith.constant 0 : i32
    %cond3A_55 = arith.cmpi ne, %convert_element_type3A_53, %cond3A_54 : i32
    scf.if %cond3A_55 {
      %run_scoped3A = arith.constant 9360 : i32
      "tpu.region"() ({
        %run_scoped3A_56 = tpu.sem_alloc : memref<!tpu.dma_semaphore, #tpu.memory_space<semaphore_mem>>
        %dma_start3A_57 = arith.constant 0 : i32
        %dma_start3A_58 = arith.constant 0 : i32
        %dma_start3A_59 = tpu.memref_slice %arg7[%arg0, %dma_start3A_57, %dma_start3A_58] : memref<2x10000x128xf32, #tpu.memory_space<hbm>> -> memref<1x10000x128xf32, #tpu.memory_space<hbm>>
        %dma_start3A_60 = tpu.memref_squeeze %dma_start3A_59 : memref<1x10000x128xf32, #tpu.memory_space<hbm>> -> memref<10000x128xf32, #tpu.memory_space<hbm>>
        %dma_start3A_61 = arith.constant 0 : i32
        %dma_start3A_62 = tpu.memref_slice %dma_start3A_60[%run_scoped3A, %dma_start3A_61] : memref<10000x128xf32, #tpu.memory_space<hbm>> -> memref<640x128xf32, #tpu.memory_space<hbm>>
        %dma_start3A_63 = arith.constant 0 : i32
        %dma_start3A_64 = tpu.memref_slice %arg15[%run_scoped3A, %dma_start3A_63] : memref<10000x128xf32, #tpu.memory_space<vmem_shared>> -> memref<640x128xf32, #tpu.memory_space<vmem_shared>>
        tpu.enqueue_dma source(%dma_start3A_64 : memref<640x128xf32, #tpu.memory_space<vmem_shared>>) target(%dma_start3A_62 : memref<640x128xf32, #tpu.memory_space<hbm>>) target_semaphore(%run_scoped3A_56 : memref<!tpu.dma_semaphore, #tpu.memory_space<semaphore_mem>>)
        %dma_wait3A_65 = arith.constant 0 : i32
        %dma_wait3A_66 = arith.constant 0 : i32
        %dma_wait3A_67 = tpu.memref_slice %arg7[%arg0, %dma_wait3A_65, %dma_wait3A_66] : memref<2x10000x128xf32, #tpu.memory_space<hbm>> -> memref<1x10000x128xf32, #tpu.memory_space<hbm>>
        %dma_wait3A_68 = tpu.memref_squeeze %dma_wait3A_67 : memref<1x10000x128xf32, #tpu.memory_space<hbm>> -> memref<10000x128xf32, #tpu.memory_space<hbm>>
        %dma_wait3A_69 = arith.constant 0 : i32
        %dma_wait3A_70 = tpu.memref_slice %dma_wait3A_68[%run_scoped3A, %dma_wait3A_69] : memref<10000x128xf32, #tpu.memory_space<hbm>> -> memref<640x128xf32, #tpu.memory_space<hbm>>
        %dma_wait3A_71 = arith.constant 0 : i32
        %dma_wait3A_72 = tpu.memref_slice %arg15[%run_scoped3A, %dma_wait3A_71] : memref<10000x128xf32, #tpu.memory_space<vmem_shared>> -> memref<640x128xf32, #tpu.memory_space<vmem_shared>>
        tpu.wait_dma2 semaphore(%run_scoped3A_56 : memref<!tpu.dma_semaphore, #tpu.memory_space<semaphore_mem>>) src(%dma_wait3A_72 : memref<640x128xf32, #tpu.memory_space<vmem_shared>>) dst(%dma_wait3A_70 : memref<640x128xf32, #tpu.memory_space<hbm>>)
        tpu.yield
      }) : () -> ()
    } else {
    }
    return
  }
}

module attributes {stable_mosaic.version = 14 : i64} {
  func.func @_mm1_body(%arg0: i32, %arg1: memref<1000x256xf32, #tpu.memory_space<vmem>>, %arg2: memref<256x256xf32, #tpu.memory_space<vmem>>, %arg3: memref<1x256xf32, #tpu.memory_space<vmem>>, %arg4: memref<2x1000x128xf32, #tpu.memory_space<vmem>>) attributes {dimension_semantics = [#tpu.dimension_semantics<arbitrary>], iteration_bounds = array<i64: 10>, scalar_prefetch = 0 : i64, scratch_operands = 0 : i64, tpu.core_type = #tpu.core_type<tc>, window_params = [{transform_indices = @transform_0, window_bounds = array<i64: 1000, 256>}, {pipeline_mode = #tpu.pipeline_mode<synchronous>, transform_indices = @transform_1, window_bounds = array<i64: 256, 256>}, {pipeline_mode = #tpu.pipeline_mode<synchronous>, transform_indices = @transform_2, window_bounds = array<i64: 1, 256>}, {transform_indices = @transform_3, window_bounds = array<i64: 2, 1000, 128>}]} {
    %get3A = arith.constant 0 : index
    %get3A_0 = arith.constant 0 : index
    %get3A_1 = vector.load %arg1[%get3A, %get3A_0] : memref<1000x256xf32, #tpu.memory_space<vmem>>, vector<1000x256xf32>
    %get3A_2 = arith.constant 0 : index
    %get3A_3 = arith.constant 0 : index
    %get3A_4 = vector.load %arg2[%get3A_2, %get3A_3] : memref<256x256xf32, #tpu.memory_space<vmem>>, vector<256x256xf32>
    %dot_general3A = arith.constant dense<0.000000e+00> : vector<1000x256xf32>
    %dot_general3A_5 = tpu.matmul %get3A_1, %get3A_4, %dot_general3A {dimension_numbers = #tpu.dot_dimension_numbers<[1], [0], [0], [1], [0, 0, 1, 1], [], []>, transpose_lhs_hint = false} : vector<1000x256xf32>, vector<256x256xf32>, vector<1000x256xf32> -> vector<1000x256xf32>
    %get3A_6 = arith.constant 0 : index
    %get3A_7 = arith.constant 0 : index
    %get3A_8 = vector.load %arg3[%get3A_6, %get3A_7] : memref<1x256xf32, #tpu.memory_space<vmem>>, vector<1x256xf32>
    %add3A = vector.broadcast %get3A_8 : vector<1x256xf32> to vector<1000x256xf32>
    %add3A_9 = arith.addf %dot_general3A_5, %add3A : vector<1000x256xf32>
    %slice3A = vector.extract_strided_slice %add3A_9 {offsets = [0, 0], sizes = [1000, 128], strides = [1, 1]} : vector<1000x256xf32> to vector<1000x128xf32>
    %swap3A = arith.constant 0 : index
    %swap3A_10 = arith.constant 0 : index
    %swap3A_11 = arith.constant 0 : index
    %swap3A_12 = vector.load %arg4[%swap3A, %swap3A_10, %swap3A_11] : memref<2x1000x128xf32, #tpu.memory_space<vmem>>, vector<1x1000x128xf32>
    %swap3A_13 = vector.shape_cast %swap3A_12 : vector<1x1000x128xf32> to vector<1000x128xf32>
    %swap3A_14 = vector.shape_cast %slice3A : vector<1000x128xf32> to vector<1x1000x128xf32>
    tpu.vector_store %arg4[%swap3A, %swap3A_10, %swap3A_11], %swap3A_14 {strides = array<i32>} : memref<2x1000x128xf32, #tpu.memory_space<vmem>>, vector<1x1000x128xf32>,
    %slice3A_15 = vector.extract_strided_slice %add3A_9 {offsets = [0, 128], sizes = [1000, 128], strides = [1, 1]} : vector<1000x256xf32> to vector<1000x128xf32>
    %swap3A_16 = arith.constant 1 : index
    %swap3A_17 = arith.constant 0 : index
    %swap3A_18 = arith.constant 0 : index
    %swap3A_19 = vector.load %arg4[%swap3A_16, %swap3A_17, %swap3A_18] : memref<2x1000x128xf32, #tpu.memory_space<vmem>>, vector<1x1000x128xf32>
    %swap3A_20 = vector.shape_cast %swap3A_19 : vector<1x1000x128xf32> to vector<1000x128xf32>
    %swap3A_21 = vector.shape_cast %slice3A_15 : vector<1000x128xf32> to vector<1x1000x128xf32>
    tpu.vector_store %arg4[%swap3A_16, %swap3A_17, %swap3A_18], %swap3A_21 {strides = array<i32>} : memref<2x1000x128xf32, #tpu.memory_space<vmem>>, vector<1x1000x128xf32>,
    return
  }
  func.func @transform_0(%arg0: i32) -> (i32, i32) {
    %c0_i32 = arith.constant 0 : i32
    %c0_i32_0 = arith.constant 0 : i32
    return %arg0, %c0_i32 : i32, i32
  }
  func.func @transform_1(%arg0: i32) -> (i32, i32) {
    %c0_i32 = arith.constant 0 : i32
    %c0_i32_0 = arith.constant 0 : i32
    %c0_i32_1 = arith.constant 0 : i32
    return %c0_i32, %c0_i32_0 : i32, i32
  }
  func.func @transform_2(%arg0: i32) -> (i32, i32) {
    %c0_i32 = arith.constant 0 : i32
    %c0_i32_0 = arith.constant 0 : i32
    %c0_i32_1 = arith.constant 0 : i32
    return %c0_i32, %c0_i32_0 : i32, i32
  }
  func.func @transform_3(%arg0: i32) -> (i32, i32, i32) {
    %c0_i32 = arith.constant 0 : i32
    %c0_i32_0 = arith.constant 0 : i32
    %c0_i32_1 = arith.constant 0 : i32
    return %c0_i32, %arg0, %c0_i32_0 : i32, i32, i32
  }
}

module attributes {stable_mosaic.version = 14 : i64} {
  func.func @_mm2_body(%arg0: i32, %arg1: memref<2x1000x128xf32, #tpu.memory_space<vmem>>, %arg2: memref<256x128xf32, #tpu.memory_space<vmem>>, %arg3: memref<1x128xf32, #tpu.memory_space<vmem>>, %arg4: memref<1000x128xf32, #tpu.memory_space<vmem>>) attributes {dimension_semantics = [#tpu.dimension_semantics<arbitrary>], iteration_bounds = array<i64: 10>, scalar_prefetch = 0 : i64, scratch_operands = 0 : i64, tpu.core_type = #tpu.core_type<tc>, window_params = [{transform_indices = @transform_0, window_bounds = array<i64: 2, 1000, 128>}, {pipeline_mode = #tpu.pipeline_mode<synchronous>, transform_indices = @transform_1, window_bounds = array<i64: 256, 128>}, {pipeline_mode = #tpu.pipeline_mode<synchronous>, transform_indices = @transform_2, window_bounds = array<i64: 1, 128>}, {transform_indices = @transform_3, window_bounds = array<i64: 1000, 128>}]} {
    %get3A = arith.constant 0 : index
    %get3A_0 = arith.constant 0 : index
    %get3A_1 = arith.constant 0 : index
    %get3A_2 = vector.load %arg1[%get3A, %get3A_0, %get3A_1] : memref<2x1000x128xf32, #tpu.memory_space<vmem>>, vector<1x1000x128xf32>
    %get3A_3 = vector.shape_cast %get3A_2 : vector<1x1000x128xf32> to vector<1000x128xf32>
    %max3A = arith.constant 0.000000e+00 : f32
    %max3A_4 = vector.broadcast %max3A : f32 to vector<1000x128xf32>
    %max3A_5 = arith.maximumf %get3A_3, %max3A_4 : vector<1000x128xf32>
    %get3A_6 = arith.constant 1 : index
    %get3A_7 = arith.constant 0 : index
    %get3A_8 = arith.constant 0 : index
    %get3A_9 = vector.load %arg1[%get3A_6, %get3A_7, %get3A_8] : memref<2x1000x128xf32, #tpu.memory_space<vmem>>, vector<1x1000x128xf32>
    %get3A_10 = vector.shape_cast %get3A_9 : vector<1x1000x128xf32> to vector<1000x128xf32>
    %max3A_11 = arith.constant 0.000000e+00 : f32
    %max3A_12 = vector.broadcast %max3A_11 : f32 to vector<1000x128xf32>
    %max3A_13 = arith.maximumf %get3A_10, %max3A_12 : vector<1000x128xf32>
    %get3A_14 = arith.constant 0 : index
    %get3A_15 = arith.constant 0 : index
    %get3A_16 = vector.load %arg2[%get3A_14, %get3A_15] : memref<256x128xf32, #tpu.memory_space<vmem>>, vector<128x128xf32>
    %dot_general3A = arith.constant dense<0.000000e+00> : vector<1000x128xf32>
    %dot_general3A_17 = tpu.matmul %max3A_5, %get3A_16, %dot_general3A {dimension_numbers = #tpu.dot_dimension_numbers<[1], [0], [0], [1], [0, 0, 1, 1], [], []>, transpose_lhs_hint = false} : vector<1000x128xf32>, vector<128x128xf32>, vector<1000x128xf32> -> vector<1000x128xf32>
    %get3A_18 = arith.constant 128 : index
    %get3A_19 = arith.constant 0 : index
    %get3A_20 = vector.load %arg2[%get3A_18, %get3A_19] : memref<256x128xf32, #tpu.memory_space<vmem>>, vector<128x128xf32>
    %dot_general3A_21 = arith.constant dense<0.000000e+00> : vector<1000x128xf32>
    %dot_general3A_22 = tpu.matmul %max3A_13, %get3A_20, %dot_general3A_21 {dimension_numbers = #tpu.dot_dimension_numbers<[1], [0], [0], [1], [0, 0, 1, 1], [], []>, transpose_lhs_hint = false} : vector<1000x128xf32>, vector<128x128xf32>, vector<1000x128xf32> -> vector<1000x128xf32>
    %add3A = arith.addf %dot_general3A_17, %dot_general3A_22 : vector<1000x128xf32>
    %get3A_23 = arith.constant 0 : index
    %get3A_24 = arith.constant 0 : index
    %get3A_25 = vector.load %arg3[%get3A_23, %get3A_24] : memref<1x128xf32, #tpu.memory_space<vmem>>, vector<1x128xf32>
    %add3A_26 = vector.broadcast %get3A_25 : vector<1x128xf32> to vector<1000x128xf32>
    %add3A_27 = arith.addf %add3A, %add3A_26 : vector<1000x128xf32>
    %swap3A = arith.constant 0 : index
    %swap3A_28 = arith.constant 0 : index
    %swap3A_29 = vector.load %arg4[%swap3A, %swap3A_28] : memref<1000x128xf32, #tpu.memory_space<vmem>>, vector<1000x128xf32>
    tpu.vector_store %arg4[%swap3A, %swap3A_28], %add3A_27 {strides = array<i32>} : memref<1000x128xf32, #tpu.memory_space<vmem>>, vector<1000x128xf32>,
    return
  }
  func.func @transform_0(%arg0: i32) -> (i32, i32, i32) {
    %c0_i32 = arith.constant 0 : i32
    %c0_i32_0 = arith.constant 0 : i32
    %c0_i32_1 = arith.constant 0 : i32
    return %c0_i32, %arg0, %c0_i32_0 : i32, i32, i32
  }
  func.func @transform_1(%arg0: i32) -> (i32, i32) {
    %c0_i32 = arith.constant 0 : i32
    %c0_i32_0 = arith.constant 0 : i32
    %c0_i32_1 = arith.constant 0 : i32
    return %c0_i32, %c0_i32_0 : i32, i32
  }
  func.func @transform_2(%arg0: i32) -> (i32, i32) {
    %c0_i32 = arith.constant 0 : i32
    %c0_i32_0 = arith.constant 0 : i32
    %c0_i32_1 = arith.constant 0 : i32
    return %c0_i32, %c0_i32_0 : i32, i32
  }
  func.func @transform_3(%arg0: i32) -> (i32, i32) {
    %c0_i32 = arith.constant 0 : i32
    %c0_i32_0 = arith.constant 0 : i32
    return %arg0, %c0_i32 : i32, i32
  }
}

module attributes {stable_mosaic.version = 14 : i64} {
  func.func @_lsm_body(%arg0: i32, %arg1: memref<2x1000x128xf32, #tpu.memory_space<vmem>>, %arg2: memref<1000x64xf32, #tpu.memory_space<vmem>>) attributes {dimension_semantics = [#tpu.dimension_semantics<arbitrary>], iteration_bounds = array<i64: 10>, scalar_prefetch = 0 : i64, scratch_operands = 0 : i64, tpu.core_type = #tpu.core_type<tc>, window_params = [{transform_indices = @transform_0, window_bounds = array<i64: 2, 1000, 128>}, {transform_indices = @transform_1, window_bounds = array<i64: 1000, 64>}]} {
    %get3A = arith.constant 0 : index
    %get3A_0 = arith.constant 0 : index
    %get3A_1 = arith.constant 0 : index
    %get3A_2 = vector.load %arg1[%get3A, %get3A_0, %get3A_1] : memref<2x1000x128xf32, #tpu.memory_space<vmem>>, vector<1x1000x128xf32>
    %get3A_3 = vector.shape_cast %get3A_2 : vector<1x1000x128xf32> to vector<1000x128xf32>
    %get3A_4 = arith.constant 1 : index
    %get3A_5 = arith.constant 0 : index
    %get3A_6 = arith.constant 0 : index
    %get3A_7 = vector.load %arg1[%get3A_4, %get3A_5, %get3A_6] : memref<2x1000x128xf32, #tpu.memory_space<vmem>>, vector<1x1000x128xf32>
    %get3A_8 = vector.shape_cast %get3A_7 : vector<1x1000x128xf32> to vector<1000x128xf32>
    %add3A = arith.addf %get3A_3, %get3A_8 : vector<1000x128xf32>
    %slice3A = vector.extract_strided_slice %add3A {offsets = [0, 0], sizes = [1000, 64], strides = [1, 1]} : vector<1000x128xf32> to vector<1000x64xf32>
    %reduce_max3A = arith.constant dense<0xFF800000> : vector<1000xf32>
    %reduce_max3A_9 = vector.multi_reduction <maximumf>, %slice3A, %reduce_max3A [1] : vector<1000x64xf32> to vector<1000xf32>
    %broadcast_in_dim3A = vector.shape_cast %reduce_max3A_9 : vector<1000xf32> to vector<1000x1xf32>
    %sub3A = vector.broadcast %broadcast_in_dim3A : vector<1000x1xf32> to vector<1000x64xf32>
    %sub3A_10 = arith.subf %slice3A, %sub3A : vector<1000x64xf32>
    %exp3A = math.exp %sub3A_10 : vector<1000x64xf32>
    %reduce_sum3A = arith.constant dense<0.000000e+00> : vector<1000xf32>
    %reduce_sum3A_11 = vector.multi_reduction <add>, %exp3A, %reduce_sum3A [1] : vector<1000x64xf32> to vector<1000xf32>
    %broadcast_in_dim3A_12 = vector.shape_cast %reduce_sum3A_11 : vector<1000xf32> to vector<1000x1xf32>
    %log3A = math.log %broadcast_in_dim3A_12 : vector<1000x1xf32>
    %sub3A_13 = vector.broadcast %broadcast_in_dim3A : vector<1000x1xf32> to vector<1000x64xf32>
    %sub3A_14 = arith.subf %slice3A, %sub3A_13 : vector<1000x64xf32>
    %sub3A_15 = vector.broadcast %log3A : vector<1000x1xf32> to vector<1000x64xf32>
    %sub3A_16 = arith.subf %sub3A_14, %sub3A_15 : vector<1000x64xf32>
    %swap3A = arith.constant 0 : index
    %swap3A_17 = arith.constant 0 : index
    %swap3A_18 = vector.load %arg2[%swap3A, %swap3A_17] : memref<1000x64xf32, #tpu.memory_space<vmem>>, vector<1000x64xf32>
    tpu.vector_store %arg2[%swap3A, %swap3A_17], %sub3A_16 {strides = array<i32>} : memref<1000x64xf32, #tpu.memory_space<vmem>>, vector<1000x64xf32>,
    return
  }
  func.func @transform_0(%arg0: i32) -> (i32, i32, i32) {
    %c0_i32 = arith.constant 0 : i32
    %c0_i32_0 = arith.constant 0 : i32
    %c0_i32_1 = arith.constant 0 : i32
    return %c0_i32, %arg0, %c0_i32_0 : i32, i32, i32
  }
  func.func @transform_1(%arg0: i32) -> (i32, i32) {
    %c0_i32 = arith.constant 0 : i32
    %c0_i32_0 = arith.constant 0 : i32
    return %arg0, %c0_i32 : i32, i32
  }
}

</mosaic_0001>

<sc_bundles>
// kernel: kernel.10.cloned.1.call-start
scs
__scs_entry_jumppad:
0x0: {  	(pc) =	sbr.rel $0x88, $3  }
0x1: {  	(tag) =	ssettag $0x0;
	lr =	simm.s32 $0x1  }
0x2: {  	[smem:$0x3F9A] =	sst lr;
	_ =	strace $0xD0000000  }
0x3: {  	_ = 	snop  }
0x4: {  	_ = 	snop  }
0x5: {  	_ = 	snop  }
0x6: {  	_ = 	snop  }
0x7: {  	_ = 	snop  }
__scs_overlays_trampoline_lowered:
0x8: {  	[smem:$0x3FA9] =	sst s0  }
0x9: {  	[smem:$0x3FAA] =	sst s1  }
0xa: {  	[smem:$0x3FAB] =	sst s2  }
0xb: {  	[smem:$0x3FAC] =	sst s3  }
0xc: {  	[smem:$0x3FAD] =	sst s4  }
0xd: {  	[smem:$0x3FAE] =	sst s5  }
0xe: {  	[smem:$0x3FAF] =	sst s6  }
0xf: {  	[smem:$0x3FB0] =	sst s7  }
0x10: {  	[smem:$0x3FB1] =	sst s8  }
0x11: {  	[smem:$0x3FB2] =	sst s9;
	s0 =	simm.s32 @!p0 $0x0  }
0x12: {  	s1 =	sld [smem:$0x3F98];
	s0 =	simm.s32 @p0 $0x1  }
0x13: {  	[smem:$0x3FB3] =	sst s0;
	s0 =	simm.s32 @!p1 $0x0  }
0x14: {  	s2 =	sld [smem:$0x3F97];
	s0 =	simm.s32 @p1 $0x1  }
0x15: {  	[smem:$0x3FB4] =	sst s0;
	s0 =	simm.s32 @!p2 $0x0  }
0x16: {  	s3 =	sld [smem:$0x3FDB];
	s0 =	simm.s32 @p2 $0x1  }
0x17: {  	s4 =	simm.s32 $0x1BF5;
	[smem:$0x3FB6] =	sst s0  }
0x18: {  	s0 =	sld [smem:$0x3F99];
	_ =	swait.ge [sflag:s4], $0x0  }
0x19: {  	s7 =	sld [smem:$0x3F9A]  }
0x1a: {  	s8 =	sadd.s32 $0xFFFFE003, lr  }
0x1b: {  	s9 =	sadd.s32 $0xFFFFFEF7, lr;
	s5 =	simm.s32 $0xFFFFFFFF;
	p2 =	slt.u32 s8, $0xFFFFF086  }
0x1c: {  	p1 =	slt.u32 s9, $0xF7A;
	s5 =	simm.s32 @!p2 $0x0  }
0x1d: {  	s5 =	simm.s32 @p1 $0x1;
	p0 =	seq.s32 s7, s2  }
0x1e: {  	s7 =	smul.u32 @!p0 $0xF7A, s2;
	p2 =	seq.s32 @!p0 s5, $0x0  }
0x1f: {  	s9 =	smul.u32 $0xF7A, s1;
	s8 =	simm.s32 @!p0 $0x1BF5;
	p2 =	por !p2, p0  }
0x20: {  	[sflag:s8] =	ssyncset.s32 @!p0 $0xFFFFF086;
	s6 =	sadd.s32 @!p0 s3, s7;
	s7 =	simm.s32 @!p0 $0x108  }
0x21: {  	s3 =	sadd.s32 s3, s9;
	s6 =	sadd.s32 @!p0 $0x88, s6;
	s7 =	simm.s32 @p2 $0x1082  }
0x22: {  	[simem:s7], [sflag:s8] =	dma.local @!p0 [hbm:s6], $0xF7A  }
0x23: {  	s9 =	sor.u32 $0xD0000000, s2;
	s6 =	simm.s32 $0x108;
	_ =	swait.ge @!p0 [sflag:s8], $0x0  }
0x24: {  	s3 =	sadd.s32 $0x88, s3;
	s6 =	simm.s32 @!p1 $0x1082;
	[sflag:s4] =	ssyncset.s32 $0xFFFFF086  }
0x25: {  	[simem:s6], [sflag:s4] =	dma.local [hbm:s3], $0xF7A  }
0x26: {  	[smem:$0x3F9A] =	sst s1;
	(tag) =	ssettag s2;
	_ =	strace s9  }
0x27: {  	s1 =	sld [smem:$0x3FAA]  }
0x28: {  	s2 =	sld [smem:$0x3FAB]  }
0x29: {  	s4 =	sld [smem:$0x3FAD]  }
0x2a: {  	p0 =	seq.s32 s5, $0x0;
	s5 =	sld [smem:$0x3FAE]  }
0x2b: {  	s6 =	sld [smem:$0x3FAF]  }
0x2c: {  	s7 =	sld [smem:$0x3FB0]  }
0x2d: {  	s3 =	simm.s32 $0x108;
	s8 =	sld [smem:$0x3FB1]  }
0x2e: {  	s3 =	simm.s32 @!p0 $0x1082;
	s9 =	sld [smem:$0x3FB2]  }
0x2f: {  	lr =	sadd.s32 s0, s3;
	s0 =	sld [smem:$0x3FA9]  }
0x30: {  	s3 =	sld [smem:$0x3FAC]  }
0x31: {  	[smem:$0x3FB5] =	sst s10  }
0x32: {  	s10 =	sld [smem:$0x3FB3];
	_ =	sdelay $0x3  }
0x33: {  	p0 =	seq.s32 s10, $0x1;
	s10 =	sld [smem:$0x3FB5];
	_ =	sdelay $0x3  }
0x34: {  	[smem:$0x3FB5] =	sst s10  }
0x35: {  	s10 =	sld [smem:$0x3FB4];
	_ =	sdelay $0x3  }
0x36: {  	p1 =	seq.s32 s10, $0x1;
	s10 =	sld [smem:$0x3FB5];
	_ =	sdelay $0x3  }
0x37: {  	[smem:$0x3FB5] =	sst s10  }
0x38: {  	s10 =	sld [smem:$0x3FB6]  }
0x39: {  	_ = 	snop;
	(pc) =	sbr.ind lr, $3  }
0x3a: {  	_ = 	snop  }
0x3b: {  	_ = 	snop  }
0x3c: {  	p2 =	seq.s32 s10, $0x1;
	s10 =	sld [smem:$0x3FB5]  }
0x3d: {  	_ =	shalt  }
0x3e: {  	_ =	shalt  }
0x3f: {  	_ =	shalt  }
0x40: {  	_ =	shalt  }
0x41: {  	_ =	shalt  }
0x42: {  	_ =	shalt  }
0x43: {  	_ =	shalt  }
0x44: {  	_ =	shalt  }
0x45: {  	_ =	shalt  }
0x46: {  	_ =	shalt  }
0x47: {  	_ =	shalt  }
0x48: {  	_ =	shalt  }
0x49: {  	_ =	shalt  }
0x4a: {  	_ =	shalt  }
0x4b: {  	_ =	shalt  }
0x4c: {  	_ =	shalt  }
0x4d: {  	_ =	shalt  }
0x4e: {  	_ =	shalt  }
0x4f: {  	_ =	shalt  }
0x50: {  	_ =	shalt  }
0x51: {  	_ =	shalt  }
0x52: {  	_ =	shalt  }
0x53: {  	_ =	shalt  }
0x54: {  	_ =	shalt  }
0x55: {  	_ =	shalt  }
0x56: {  	_ =	shalt  }
0x57: {  	_ =	shalt  }
0x58: {  	_ =	shalt  }
0x59: {  	_ =	shalt  }
0x5a: {  	_ =	shalt  }
0x5b: {  	_ =	shalt  }
0x5c: {  	_ =	shalt  }
0x5d: {  	_ =	shalt  }
0x5e: {  	_ =	shalt  }
0x5f: {  	_ =	shalt  }
0x60: {  	_ =	shalt  }
0x61: {  	_ =	shalt  }
0x62: {  	_ =	shalt  }
0x63: {  	_ =	shalt  }
0x64: {  	_ =	shalt  }
0x65: {  	_ =	shalt  }
0x66: {  	_ =	shalt  }
0x67: {  	_ =	shalt  }
0x68: {  	_ =	shalt  }
0x69: {  	_ =	shalt  }
0x6a: {  	_ =	shalt  }
0x6b: {  	_ =	shalt  }
0x6c: {  	_ =	shalt  }
0x6d: {  	_ =	shalt  }
0x6e: {  	_ =	shalt  }
0x6f: {  	_ =	shalt  }
0x70: {  	_ =	shalt  }
0x71: {  	_ =	shalt  }
0x72: {  	_ =	shalt  }
0x73: {  	_ =	shalt  }
0x74: {  	_ =	shalt  }
0x75: {  	_ =	shalt  }
0x76: {  	_ =	shalt  }
0x77: {  	_ =	shalt  }
0x78: {  	_ =	shalt  }
0x79: {  	_ =	shalt  }
0x7a: {  	_ =	shalt  }
0x7b: {  	_ =	shalt  }
0x7c: {  	_ =	shalt  }
0x7d: {  	_ =	shalt  }
0x7e: {  	_ =	shalt  }
0x7f: {  	_ =	shalt  }
0x80: {  	_ =	shalt  }
0x81: {  	_ =	shalt  }
0x82: {  	_ =	shalt  }
0x83: {  	_ =	shalt  }
0x84: {  	_ =	shalt  }
0x85: {  	_ =	shalt  }
0x86: {  	_ =	shalt  }
0x87: {  	_ =	shalt  }
.Lfunc_end0:
.L_simem_size_0:
called_computation.1_lowered:
.L_overlay_start_0:
0x88: {  	s2 =	sld [smem:$0x3FD9]  }
0x89: {  	s3 =	sld [smem:$0x3FFE];
	_ =	sdelay $0x1  }
0x8a: {  	s1 =	srdreg.scid  }
0x8b: {  	s0 =	sand.u32 $0x1, s1  }
0x8c: {  	s17 =	sshll.u32 s0, $0xA;
	s2 =	sadd.s32 s3, s2  }
0x8d: {  	s2 =	sadd.s32 s2, s17  }
0x8e: {  	[smem:$0x3FC1] =	sst s2  }
0x8f: {  	_ = 	snop  }
0x90: {  	s2 =	sld [smem:$0x3FD0];
	(tm) =	ssettm $0x1  }
0x91: {  	s18 =	sld [smem:$0x3FFB];
	_ =	sdelay $0x3  }
0x92: {  	_ =	strace s18  }
0x93: {  	s3 =	sld [smem:$0x3FFC];
	_ =	sdelay $0x3  }
0x94: {  	_ =	strace s3  }
0x95: {  	s3 =	sld [smem:$0x3FFD];
	_ =	sdelay $0x3  }
0x96: {  	_ =	strace s3  }
0x97: {  	_ =	strace $0x8FFFFFFF  }
0x98: {  	s19 =	sld [smem:$0x3FDB];
	_ =	sdelay $0x1  }
0x99: {  	s4 =	simm.s32 $_scs_section_size  }
0x9a: {  	s5 =	simm.s32 $_size__tile_overlayer_lowered;
	s6 =	simm.s32 $_tile_overlayer_lowered  }
0x9b: {  	s22 =	simm.s32 $0x1BFF;
	s21 =	sshll.u32 s6, $0x1;
	s3 =	sadd.s32 s4, s19  }
0x9c: {  	s7 =	simm.s32 $0x0;
	s20 =	sshll.u32 s5, $0x1;
	s5 =	sadd.s32 s21, s3  }
0x9d: {  	[timem:s7], [sflag:s22] =	dma.local [hbm:s5], s20  }
0x9e: {  	_ =	swait.ge [sflag:s22], s20  }
0x9f: {  	s4 =	ssub.s32 $0x0, s20;
	[sflag:s22] =	ssyncset.done $0x0  }
0xa0: {  	[sflag:s22] =	ssyncadd.s32 s4;
	_ =	sdelay $0x1  }
0xa1: {  	s23 =	simm.s32 $0x1B8B  }
0xa2: {  	_ =	swait.ge [sflag:s23], $0x1  }
0xa3: {  	[sflag:s23] =	ssyncset.done $0x0  }
0xa4: {  	s25 =	simm.s32 $0x1B8E;
	s24 =	sld [smem:$0x3FFE];
	[sflag:s23] =	ssyncadd.s32 $0xFFFFFFFF  }
0xa5: {  	s26 =	simm.s32 $execute0_lowered;
	[smem:$0x3FD2] =	sst s25  }
0xa6: {  	s5 =	sshll.u32 s26, $0x1;
	_ =	strace $0x80000049;
	[dreg:$0x1] =	wrdreg $0xFFFFFFFF  }
0xa7: {  	s28 =	simm.s32 $_size_execute0_lowered;
	s3 =	sadd.s32 s3, s5;
	[dreg:$0x0] =	wrdreg $0x0  }
0xa8: {  	s5 =	sshll.u32 s28, $0x1;
	[dreg:$0x2] =	wrdreg s3  }
0xa9: {  	[dreg:$0x3] =	wrdreg s5  }
0xaa: {  	[dreg:$0x4] =	wrdreg $0xC0  }
0xab: {  	_ =	task [dreg:s7], $0x5FFFF  }
0xac: {  	[dreg:$0x1] =	wrdreg $0xFFFFFFFF  }
0xad: {  	[dreg:$0x0] =	wrdreg $0x60  }
0xae: {  	[dreg:$0x2] =	wrdreg s24  }
0xaf: {  	[dreg:$0x3] =	wrdreg s2  }
0xb0: {  	[dreg:$0x4] =	wrdreg $0x96000  }
0xb1: {  	[dreg:$0x5] =	wrdreg $0x9  }
0xb2: {  	_ =	task.clear_ibuf [dreg:s7], $0x6FFFF;
	_ =	strace $0x90000049  }
0xb3: {  	s29 =	simm.s32 $0x9;
	_ =	strace $0x8000004B  }
0xb4: {  	_ =	swait.ge [sflag:s29], $0x1  }
0xb5: {  	[sflag:s29] =	ssyncadd.s32 $0xFFFFFFFF  }
0xb6: {  	_ =	strace $0x9000004B  }
0xb7: {  	_ =	sfence  }
0xb8: {  	s30 =	sld [smem:$0x0];
	_ =	sdelay $0x2  }
0xb9: {  	s31 =	sshll.u32 s1, $0xD;
	s1 =	sshrl.u32 s1, $0x2  }
0xba: {  	s3 =	sand.u32 $0x4000, s31;
	s1 =	sadd.s32 s1, s30  }
0xbb: {  	s0 =	sor.u32 s3, s0;
	s1 =	sshll.u32 s1, $0x11  }
0xbc: {  	s0 =	sor.u32 s1, s0  }
0xbd: {  	s0 =	sadd.s32 $0x8F2B, s0  }
0xbe: {  	[sflag:s0] =	ssyncadd.remote.s32 $0x1  }
0xbf: {  	_ =	sfence.sel $0xFFFF  }
0xc0: {  	[dreg:$0x0] =	wrdreg $0xFFFFFFFF;
	(pc) =	sbr.abs _section_cstart, $3  }
0xc1: {  	[dreg:$0x1] =	wrdreg $0xFFFFFFFF  }
0xc2: {  	_ =	task.clear_ibuf [dreg:s7], $0x2FFFF;
	_ =	strace $0x9FFFFFFF  }
0xc3: {  	(tm) =	ssettm $0x7FFFFFFF  }
tec
execute0_lowered:
.L_overlay_start_1:
0x0: {  	(tag) =	ssettag $0x1  }
0x1: {  	s0 =	rddreg [dreg:$0x0]  }
0x2: {  	s3 =	rddreg [dreg:$0x1]  }
0x3: {  	s1 =	rddreg [dreg:$0x2];
	s2 =	simm.s32 $0x0  }
0x4: {  	s6 =	srdreg.scid;
	s13 =	stileid.u32;
	s18 =	simm.s32 $0x1400  }
0x5: {  	s19 =	simm.s32 $0x1500;
	s20 =	simm.s32 $0x80;
	s28 =	simm.s32 $0x1  }
0x6: {  	s29 =	simm.s32 $0x4;
	s30 =	simm.s32 $0x2;
	s31 =	simm.s32 $0x5  }
0x7: {  	[smem:$0x7FF] =	sst s2;
	s4 =	sadd.s32 $0xB400, s0;
	s5 =	sadd.s32 $0x1400, s0  }
0x8: {  	s7 =	sand.u32 $0x1, s6;
	s6 =	sadd.s32 $0x6400, s0;
	s8 =	sshll.u32 s13, $0x1  }
0x9: {  	s11 =	smul.u32 $0x4E000, s13;
	p0 =	seq.s32 s13, $0xF;
	_ =	strace $0x8000004A  }
0xa: {  	s9 =	smul.u32 $0x27100, s7;
	s10 =	ssub.s32 $0x2, s7;
	s8 =	sor.u32 s7, s8  }
0xb: {  	s7 =	sadd.s32 $0x59600, s0;
	s12 =	sshrl.u32 s10, $0x1;
	s8 =	smul.u32 $0x1400, s8  }
0xc: {  	s22 =	sshrl.u32 s11, $0x2;
	s11 =	sadd.s32 $0x124800, s1;
	s0 =	sadd.s32 s9, s0  }
0xd: {  	s21 =	ssub.s32 s10, s12;
	s10 =	sadd.s32 s22, s1;
	s14 =	sshrl.u32 @p0 s11, $0x3  }
0xe: {  	s22 =	simm.s32 $0x1480;
	s23 =	sshrl.u32 s8, $0x3;
	s26 =	smax.u32 s21, $0x1  }
0xf: {  	s12 =	sadd.s32 $0x5BE00, s0;
	s0 =	smul.u32 $0x2700, s13;
	[dreg:$0x8] =	wrdreg s26  }
0x10: {  	s16 =	sshrl.u32 @!p0 s10, $0x3;
	s3 =	sadd.s32 s3, s23;
	[dreg:$0x7] =	wrdreg s12  }
0x11: {  	s21 =	simm.s32 $0x1600;
	s24 =	sadd.s32 s5, s23;
	[dreg:$0x4] =	wrdreg s3  }
0x12: {  	s25 =	sadd.s32 s6, s23;
	s23 =	simm.s32 $0x1580;
	[dreg:$0x5] =	wrdreg s24  }
0x13: {  	s26 =	simm.s32 $0x3;
	[dreg:$0x6] =	wrdreg s25;
	s3 =	sshll.u32 @!p0 s13, $0x6  }
0x14: {  	s24 =	simm.s32 $0x5600;
	s0 =	sadd.s32 @!p0 s0, s12;
	s15 =	sor.u32 @!p0 $0x1C07, s3  }
0x15: {  	[dreg:$0x9] =	wrdreg s0;
	s0 =	simm.s32 $0x6;
	s3 =	simm.s32 $0x0  }
.LBB2_1:
0x16: {  	s9 =	simm.s32 @p0 $0x1FC7  }
0x17: {  	[spmem:s14], [sflag:s9] =	dma.local @p0 [hbm:s7], $0x2800  }
0x18: {  	s9 =	simm.s32 @p0 $0x7  }
0x19: {  	_ =	swait.ge @p0 [sflag:s9], $0x2800  }
0x1a: {  	[sflag:s9] =	ssyncset.done @p0 $0x0  }
0x1b: {  	[sflag:s9] =	ssyncadd.s32 @p0 $0xFFFFD800;
	s9 =	simm.s32 @!p0 $0x7  }
0x1c: {  	[spmem:s16], [sflag:s15] =	dma.local @!p0 [hbm:s7], $0x2700  }
0x1d: {  	_ =	swait.ge @!p0 [sflag:s9], $0x2700  }
0x1e: {  	[sflag:s9] =	ssyncset.done @!p0 $0x0  }
0x1f: {  	s13 =	simm.s32 $0x7;
	s12 =	rddreg [dreg:$0x4];
	[sflag:s9] =	ssyncadd.s32 @!p0 $0xFFFFD900  }
0x20: {  	[tilespmem:s2], [sflag:$0x7] =	stream.linear.gather [hbm4b:s12+s2], $0x1400, $0x38;
	[tilespmem:$0x1CE80] =	vst v63  }
0x21: {  	_ =	swait.ge [sflag:s13], $0x1400  }
0x22: {  	[sflag:s13] =	ssyncset.done $0x0  }
0x23: {  	[sflag:s13] =	ssyncadd.s32 $0xFFFFEC00  }
0x24: {  	[bflag:$0x0] =	sbarrier.arrive $0xFFFF  }
0x25: {  	s17 =	rddreg [dreg:$0x5]  }
0x26: {  	[tilespmem:s18], [sflag:$0x3] =	stream.linear.gather [hbm4b:s17+s2], $0x80, $0x38;
	[tilespmem:$0x1CE80] =	vst v63  }
0x27: {  	s25 =	rddreg [dreg:$0x6]  }
0x28: {  	[tilespmem:s19], [sflag:$0x3] =	stream.linear.gather [hbm4b:s25+s2], $0x80, $0x38;
	[tilespmem:$0x1CE80] =	vst v63  }
0x29: {  	s9 =	simm.s32 $0x0  }
0x2a: {  	[tilespmem:s21], [sflag:$0x1] =	stream.indirect.gather [hbm4b:s4+s20], $0x80, s2, s20, $0xb8;
	[tilespmem:$0x1CE80] =	vst v63  }
.LBB2_2:
0x2b: {  	s10 =	sshll.u32 s9, $0x8  }
0x2c: {  	s11 =	sor.u32 $0x80, s10  }
0x2d: {  	s12 =	sadd.s32 s8, s11  }
0x2e: {  	s12 =	sshrl.u32 s12, $0x3  }
0x2f: {  	s25 =	simm.s32 $0x0;
	s13 =	sadd.s32 s5, s12  }
0x30: {  	[tilespmem:s22], [sflag:$0x4] =	stream.linear.gather [hbm4b:s13+s25], $0x80, $0x38;
	[tilespmem:$0x1CE80] =	vst v63  }
0x31: {  	s12 =	sadd.s32 s6, s12  }
0x32: {  	[tilespmem:s23], [sflag:$0x4] =	stream.linear.gather [hbm4b:s12+s25], $0x80, $0x38;
	[tilespmem:$0x1CE80] =	vst v63  }
0x33: {  	_ = 	snop  }
0x34: {  	[tilespmem:s24], [sflag:$0x2] =	stream.indirect.gather [hbm4b:s4+s20], $0x80, s11, s20, $0xb8;
	[tilespmem:$0x1CE80] =	vst v63  }
0x35: {  	_ =	swait.ge [sflag:s26], $0x80  }
0x36: {  	[sflag:s26] =	ssyncset.done $0x0  }
0x37: {  	s17 =	simm.s32 $0x3;
	v0 =	vmov s25;
	s25 =	simm.s32 $0x1;
	[sflag:s26] =	ssyncadd.s32 $0xFFFFFF80  }
0x38: {  	v1 =	vmov s17;
	v0 =	vand.u32 $0xFFFFFFFC, v0;
	s12 =	simm.s32 $0x2;
	v2 =	vmov s25;
	_ =	swait.ge [sflag:s26], $0x80  }
0x39: {  	v3 =	vbroadcast v0, $0x0;
	v0 =	vand.u32 $0xFFFFFFFD, v2;
	v2 =	vmov s12;
	[sflag:s26] =	ssyncset.done $0x0  }
0x3a: {  	v4 =	vbroadcast v0, $0x0;
	v0 =	vand.u32 $0xFFFFFFFE, v2;
	[sflag:s26] =	ssyncadd.s32 $0xFFFFFF80  }
0x3b: {  	v5 =	vbroadcast v0, $0x0;
	_ =	swait.ge [sflag:s28], $0x4000  }
0x3c: {  	[sflag:s28] =	ssyncset.done $0x0  }
0x3d: {  	[sflag:s28] =	ssyncadd.s32 $0xFFFFC000  }
0x3e: {  	v0 =	vld.idx.msk [tilespmem:v1+s19+$0x0], $0xffff  }
0x3f: {  	v7 =	vld.idx.msk [tilespmem:v3+s19+$0x0], $0xffff  }
0x40: {  	v2 =	vld.idx.msk [tilespmem:v4+s19+$0x0], $0xffff  }
0x41: {  	s11 =	simm.s32 $0x1700;
	v1 =	vld.idx.msk [tilespmem:v5+s19+$0x0], $0xffff  }
0x42: {  	v3 =	vld [tilespmem:s11+$0x30]  }
0x43: {  	v4 =	vld [tilespmem:s11+$0xFFFFFF00]  }
0x44: {  	v5 =	vld [tilespmem:s11+$0xFFFFFF10]  }
0x45: {  	v6 =	vld [tilespmem:s11+$0xFFFFFF20]  }
0x46: {  	v8 =	vld [tilespmem:s11+$0xFFFFFF30]  }
0x47: {  	v9 =	vld [tilespmem:s11+$0xFFFFFF80];
	v10 =	vmul.f32 v3, v1  }
0x48: {  	v11 =	vmul.f32 v4, v7;
	v4 =	vld [tilespmem:s11+$0xFFFFFF90]  }
0x49: {  	s13 =	simm.s32 $0x4;
	v12 =	vmul.f32 v5, v7;
	v3 =	vld [tilespmem:s11+$0xFFFFFFA0];
	[tilespmem:s11+$0x30] =	vst v10  }
0x4a: {  	s17 =	simm.s32 $0x7;
	v5 =	vmov s13;
	[tilespmem:s11+$0xFFFFFF00] =	vst v11;
	v11 =	vmul.f32 v6, v7;
	v6 =	vld [tilespmem:s11+$0xFFFFFFB0]  }
0x4b: {  	s25 =	simm.s32 $0x5;
	v13 =	vand.u32 $0xFFFFFFFC, v5;
	v5 =	vmov s17;
	[tilespmem:s11+$0xFFFFFF10] =	vst v12;
	v10 =	vmul.f32 v8, v7;
	v8 =	vld [tilespmem:s11+$0x0]  }
0x4c: {  	s12 =	simm.s32 $0x6;
	s13 =	simm.s32 $0x1700;
	v7 =	vbroadcast v13, $0x0;
	v12 =	vmov s25;
	s25 =	simm.s32 $0x8;
	[tilespmem:s11+$0xFFFFFF20] =	vst v11;
	v11 =	vmul.f32 v9, v2;
	v9 =	vld [tilespmem:s11+$0x10]  }
.LBB2_3:
0x4d: {  	p1 =	slt.u32 s25, $0x7C;
	v12 =	vand.u32 $0xFFFFFFFD, v12;
	v13 =	vmov s12;
	[tilespmem:s11+$0xFFFFFF30] =	vst v10;
	v4 =	vmul.f32 v4, v2;
	v10 =	vld [tilespmem:s11+$0x20]  }
0x4e: {  	v12 =	vbroadcast v12, $0x0;
	v13 =	vand.u32 $0xFFFFFFFE, v13;
	[tilespmem:s11+$0xFFFFFF80] =	vst v11;
	v3 =	vmul.f32 v3, v2;
	v11 =	vld [tilespmem:s11+$0x80]  }
0x4f: {  	v13 =	vbroadcast v13, $0x0;
	[tilespmem:s11+$0xFFFFFF90] =	vst v4;
	v2 =	vmul.f32 v6, v2;
	v4 =	vld [tilespmem:s11+$0x90]  }
0x50: {  	[tilespmem:s11+$0xFFFFFFA0] =	vst v3;
	v3 =	vmul.f32 v8, v1;
	v6 =	vld [tilespmem:s11+$0xA0]  }
0x51: {  	[tilespmem:s11+$0xFFFFFFB0] =	vst v2;
	v2 =	vmul.f32 v9, v1;
	v8 =	vld [tilespmem:s11+$0xB0]  }
0x52: {  	v5 =	vld.idx.msk [tilespmem:v5+s19+$0x0], $0xffff;
	[tilespmem:s11+$0x0] =	vst v3;
	v1 =	vmul.f32 v10, v1  }
0x53: {  	v7 =	vld.idx.msk [tilespmem:v7+s19+$0x0], $0xffff;
	[tilespmem:s11+$0x10] =	vst v2;
	v3 =	vmul.f32 v11, v0  }
0x54: {  	v2 =	vld.idx.msk [tilespmem:v12+s19+$0x0], $0xffff;
	[tilespmem:s11+$0x20] =	vst v1;
	v4 =	vmul.f32 v4, v0  }
0x55: {  	s11 =	sadd.s32 $0x200, s11;
	v1 =	vld.idx.msk [tilespmem:v13+s19+$0x0], $0xffff;
	[tilespmem:s13+$0x80] =	vst v3;
	v3 =	vmul.f32 v6, v0  }
0x56: {  	v6 =	vld [tilespmem:s11+$0x30];
	[tilespmem:s13+$0x90] =	vst v4;
	v8 =	vmul.f32 v8, v0  }
0x57: {  	v4 =	vld [tilespmem:s11+$0xFFFFFF00];
	[tilespmem:s13+$0xA0] =	vst v3  }
0x58: {  	v0 =	vmov v5;
	v3 =	vld [tilespmem:s11+$0xFFFFFF10];
	[tilespmem:s13+$0xB0] =	vst v8;
	s13 =	smov.u32 s11  }
0x59: {  	v5 =	vld [tilespmem:s11+$0xFFFFFF20]  }
0x5a: {  	v8 =	vld [tilespmem:s11+$0xFFFFFF30]  }
0x5b: {  	v9 =	vld [tilespmem:s11+$0xFFFFFF80];
	v6 =	vmul.f32 v6, v1  }
.Ltmp0:
0x5c: {  	v10 =	vmul.f32 v4, v7;
	v4 =	vld [tilespmem:s11+$0xFFFFFF90];
	(pc) =	sbr.rel @p1 .LBB2_3-.Ltmp0, $4  }
0x5d: {  	v11 =	vmul.f32 v3, v7;
	v3 =	vld [tilespmem:s11+$0xFFFFFFA0];
	[tilespmem:s11+$0x30] =	vst v6  }
0x5e: {  	s12 =	sadd.s32 $0x3, s25;
	v12 =	vmov s25;
	[tilespmem:s11+$0xFFFFFF00] =	vst v10;
	v13 =	vmul.f32 v5, v7;
	v6 =	vld [tilespmem:s11+$0xFFFFFFB0]  }
0x5f: {  	s17 =	sadd.s32 $0x1, s25;
	v12 =	vand.u32 $0xFFFFFFFC, v12;
	v5 =	vmov s12;
	[tilespmem:s11+$0xFFFFFF10] =	vst v11;
	v10 =	vmul.f32 v8, v7;
	v8 =	vld [tilespmem:s11+$0x0]  }
0x60: {  	s12 =	sadd.s32 $0x2, s25;
	s25 =	sadd.s32 $0x4, s25;
	v7 =	vbroadcast v12, $0x0;
	v12 =	vmov s17;
	[tilespmem:s11+$0xFFFFFF20] =	vst v13;
	v11 =	vmul.f32 v9, v2;
	v9 =	vld [tilespmem:s11+$0x10]  }
0x61: {  	v14 =	vld [tilespmem:s11+$0x20]  }
0x62: {  	v15 =	vld [tilespmem:s11+$0x80]  }
0x63: {  	v13 =	vmov s12;
	v16 =	vld [tilespmem:s11+$0x90]  }
0x64: {  	v17 =	vld [tilespmem:s11+$0xA0];
	[tilespmem:s11+$0xFFFFFF30] =	vst v10;
	v4 =	vmul.f32 v4, v2;
	v13 =	vand.u32 $0xFFFFFFFE, v13  }
0x65: {  	v10 =	vld [tilespmem:s11+$0xB0];
	[tilespmem:s11+$0xFFFFFF80] =	vst v11;
	v3 =	vmul.f32 v3, v2;
	v13 =	vbroadcast v13, $0x0  }
0x66: {  	v12 =	vand.u32 $0xFFFFFFFD, v12;
	v5 =	vld.idx.msk [tilespmem:v5+s19+$0x0], $0xffff;
	s25 =	sadd.s32 $0x200, s11;
	[tilespmem:s11+$0xFFFFFF90] =	vst v4;
	v2 =	vmul.f32 v6, v2  }
0x67: {  	v12 =	vbroadcast v12, $0x0;
	v11 =	vld [tilespmem:s25+$0xFFFFFF20];
	[tilespmem:s11+$0xFFFFFFA0] =	vst v3;
	v3 =	vmul.f32 v8, v1  }
0x68: {  	v4 =	vld.idx.msk [tilespmem:v7+s19+$0x0], $0xffff;
	[tilespmem:s11+$0xFFFFFFB0] =	vst v2;
	v2 =	vmul.f32 v9, v1  }
0x69: {  	v8 =	vld [tilespmem:s25+$0xFFFFFF00];
	[tilespmem:s11+$0x0] =	vst v3;
	v1 =	vmul.f32 v14, v1  }
0x6a: {  	v3 =	vld [tilespmem:s25+$0x30];
	[tilespmem:s11+$0x10] =	vst v2;
	v2 =	vmul.f32 v15, v0  }
0x6b: {  	[tilespmem:s11+$0x20] =	vst v1;
	v1 =	vmul.f32 v16, v0;
	v7 =	vld.idx.msk [tilespmem:v13+s19+$0x0], $0xffff  }
0x6c: {  	v9 =	vld [tilespmem:s25+$0xFFFFFF10];
	[tilespmem:s13+$0x80] =	vst v2;
	v2 =	vmul.f32 v17, v0  }
0x6d: {  	v6 =	vld.idx.msk [tilespmem:v12+s19+$0x0], $0xffff;
	v0 =	vmul.f32 v10, v0;
	[tilespmem:s13+$0x90] =	vst v1  }
0x6e: {  	v1 =	vld [tilespmem:s25+$0xFFFFFF30];
	[tilespmem:s13+$0xA0] =	vst v2  }
0x6f: {  	v2 =	vld [tilespmem:s25+$0xFFFFFF80];
	[tilespmem:s13+$0xB0] =	vst v0;
	v0 =	vmul.f32 v8, v4  }
0x70: {  	v8 =	vld [tilespmem:s25+$0xFFFFFF90];
	v3 =	vmul.f32 v3, v7  }
0x71: {  	v10 =	vld [tilespmem:s25+$0xFFFFFFA0];
	v9 =	vmul.f32 v9, v4;
	[tilespmem:s25+$0xFFFFFF00] =	vst v0  }
0x72: {  	v0 =	vmul.f32 v11, v4;
	[tilespmem:s25+$0x30] =	vst v3;
	v3 =	vld [tilespmem:s25+$0xFFFFFFB0]  }
0x73: {  	[tilespmem:s25+$0xFFFFFF10] =	vst v9;
	v1 =	vmul.f32 v1, v4;
	v4 =	vld [tilespmem:s25+$0x0]  }
0x74: {  	[tilespmem:s25+$0xFFFFFF20] =	vst v0;
	v0 =	vmul.f32 v2, v6;
	v2 =	vld [tilespmem:s25+$0x10]  }
0x75: {  	[tilespmem:s25+$0xFFFFFF30] =	vst v1;
	v1 =	vmul.f32 v8, v6;
	v8 =	vld [tilespmem:s25+$0x20]  }
0x76: {  	v9 =	vld [tilespmem:s25+$0x80];
	[tilespmem:s25+$0xFFFFFF80] =	vst v0;
	v0 =	vmul.f32 v10, v6  }
0x77: {  	[tilespmem:s25+$0xFFFFFF90] =	vst v1;
	v1 =	vmul.f32 v3, v6;
	v3 =	vld [tilespmem:s25+$0x90]  }
0x78: {  	[tilespmem:s25+$0xFFFFFFA0] =	vst v0;
	v0 =	vmul.f32 v4, v7;
	v4 =	vld [tilespmem:s25+$0xA0]  }
0x79: {  	[tilespmem:s25+$0xFFFFFFB0] =	vst v1;
	v1 =	vmul.f32 v2, v7;
	v2 =	vld [tilespmem:s25+$0xB0]  }
0x7a: {  	[tilespmem:s25+$0x0] =	vst v0;
	v0 =	vmul.f32 v8, v7  }
0x7b: {  	[tilespmem:s25+$0x10] =	vst v1;
	v1 =	vmul.f32 v9, v5  }
0x7c: {  	[tilespmem:s25+$0x20] =	vst v0;
	v0 =	vmul.f32 v3, v5  }
0x7d: {  	[tilespmem:s25+$0x80] =	vst v1;
	v1 =	vmul.f32 v4, v5  }
0x7e: {  	[tilespmem:s25+$0x90] =	vst v0;
	v0 =	vmul.f32 v2, v5  }
0x7f: {  	p1 =	seq.s32 s9, $0x13;
	[tilespmem:s25+$0xA0] =	vst v1  }
0x80: {  	s11 =	simm.s32 @!p1 $0x5;
	[tilespmem:s25+$0xB0] =	vst v0  }
0x81: {  	[spmem:s1] =	stream.indirect.scatter.add.f32 [tilespmem:s21], [sflag:$0x5], $0x80, s18, s20, $0xb8;
	[tilespmem:$0x1CE80] =	vst v63  }
0x82: {  	s10 =	sadd.s32 @!p1 $0x100, s10;
	_ =	swait.ge @!p1 [sflag:s11], $0x4000  }
0x83: {  	s12 =	sadd.s32 @!p1 s8, s10;
	[sflag:s11] =	ssyncset.done @!p1 $0x0  }
0x84: {  	[sflag:s11] =	ssyncadd.s32 @!p1 $0xFFFFC000;
	s11 =	sshrl.u32 @!p1 s12, $0x3  }
0x85: {  	s17 =	simm.s32 @!p1 $0x1400;
	s13 =	simm.s32 @!p1 $0x0;
	s12 =	sadd.s32 @!p1 s5, s11  }
0x86: {  	[tilespmem:s17], [sflag:$0x3] =	stream.linear.gather @!p1 [hbm4b:s12+s13], $0x80, $0x38;
	[tilespmem:$0x1CE80] =	vst v63  }
0x87: {  	s11 =	sadd.s32 @!p1 s6, s11;
	s12 =	simm.s32 @!p1 $0x1500  }
0x88: {  	[tilespmem:s12], [sflag:$0x3] =	stream.linear.gather @!p1 [hbm4b:s11+s13], $0x80, $0x38;
	[tilespmem:$0x1CE80] =	vst v63  }
0x89: {  	s11 =	simm.s32 @!p1 $0x80;
	s12 =	simm.s32 @!p1 $0x1600  }
0x8a: {  	[tilespmem:s12], [sflag:$0x1] =	stream.indirect.gather @!p1 [hbm4b:s4+s11], $0x80, s10, s11, $0xb8;
	[tilespmem:$0x1CE80] =	vst v63  }
0x8b: {  	_ =	swait.ge [sflag:s29], $0x80  }
0x8c: {  	s13 =	simm.s32 $0x0;
	[sflag:s29] =	ssyncset.done $0x0  }
0x8d: {  	s25 =	simm.s32 $0x1;
	s17 =	simm.s32 $0x3;
	v0 =	vmov s13;
	[sflag:s29] =	ssyncadd.s32 $0xFFFFFF80  }
0x8e: {  	v2 =	vmov s25;
	v1 =	vmov s17;
	v0 =	vand.u32 $0xFFFFFFFC, v0;
	s12 =	simm.s32 $0x2;
	_ =	swait.ge [sflag:s29], $0x80  }
0x8f: {  	v3 =	vbroadcast v0, $0x0;
	v0 =	vand.u32 $0xFFFFFFFD, v2;
	v2 =	vmov s12;
	[sflag:s29] =	ssyncset.done $0x0  }
0x90: {  	v4 =	vbroadcast v0, $0x0;
	v0 =	vand.u32 $0xFFFFFFFE, v2;
	[sflag:s29] =	ssyncadd.s32 $0xFFFFFF80  }
0x91: {  	v5 =	vbroadcast v0, $0x0;
	_ =	swait.ge [sflag:s30], $0x4000  }
0x92: {  	[sflag:s30] =	ssyncset.done $0x0  }
0x93: {  	[sflag:s30] =	ssyncadd.s32 $0xFFFFC000  }
0x94: {  	v0 =	vld.idx.msk [tilespmem:v1+s23+$0x0], $0xffff  }
0x95: {  	v7 =	vld.idx.msk [tilespmem:v3+s23+$0x0], $0xffff  }
0x96: {  	v2 =	vld.idx.msk [tilespmem:v4+s23+$0x0], $0xffff  }
0x97: {  	s10 =	simm.s32 $0x5700;
	v1 =	vld.idx.msk [tilespmem:v5+s23+$0x0], $0xffff  }
0x98: {  	v3 =	vld [tilespmem:s10+$0x30]  }
0x99: {  	v4 =	vld [tilespmem:s10+$0xFFFFFF00]  }
0x9a: {  	v5 =	vld [tilespmem:s10+$0xFFFFFF10]  }
0x9b: {  	v6 =	vld [tilespmem:s10+$0xFFFFFF20]  }
0x9c: {  	v8 =	vld [tilespmem:s10+$0xFFFFFF30]  }
0x9d: {  	v9 =	vld [tilespmem:s10+$0xFFFFFF80];
	v10 =	vmul.f32 v3, v1  }
0x9e: {  	v11 =	vmul.f32 v4, v7;
	v4 =	vld [tilespmem:s10+$0xFFFFFF90]  }
0x9f: {  	s13 =	simm.s32 $0x4;
	v12 =	vmul.f32 v5, v7;
	v3 =	vld [tilespmem:s10+$0xFFFFFFA0];
	[tilespmem:s10+$0x30] =	vst v10  }
0xa0: {  	s17 =	simm.s32 $0x7;
	v5 =	vmov s13;
	[tilespmem:s10+$0xFFFFFF00] =	vst v11;
	v11 =	vmul.f32 v6, v7;
	v6 =	vld [tilespmem:s10+$0xFFFFFFB0]  }
0xa1: {  	s9 =	sadd.s32 $0x1, s9;
	s25 =	simm.s32 $0x5;
	v13 =	vand.u32 $0xFFFFFFFC, v5;
	v5 =	vmov s17;
	[tilespmem:s10+$0xFFFFFF10] =	vst v12;
	v10 =	vmul.f32 v8, v7;
	v8 =	vld [tilespmem:s10+$0x0]  }
0xa2: {  	s11 =	simm.s32 $0x5700;
	s12 =	simm.s32 $0x6;
	s13 =	simm.s32 $0x8;
	v7 =	vbroadcast v13, $0x0;
	v12 =	vmov s25;
	[tilespmem:s10+$0xFFFFFF20] =	vst v11;
	v11 =	vmul.f32 v9, v2;
	v9 =	vld [tilespmem:s10+$0x10]  }
.LBB2_5:
0xa3: {  	p2 =	slt.u32 s13, $0x7C;
	v12 =	vand.u32 $0xFFFFFFFD, v12;
	v13 =	vmov s12;
	[tilespmem:s10+$0xFFFFFF30] =	vst v10;
	v4 =	vmul.f32 v4, v2;
	v10 =	vld [tilespmem:s10+$0x20]  }
0xa4: {  	v12 =	vbroadcast v12, $0x0;
	v13 =	vand.u32 $0xFFFFFFFE, v13;
	[tilespmem:s10+$0xFFFFFF80] =	vst v11;
	v3 =	vmul.f32 v3, v2;
	v11 =	vld [tilespmem:s10+$0x80]  }
0xa5: {  	v13 =	vbroadcast v13, $0x0;
	[tilespmem:s10+$0xFFFFFF90] =	vst v4;
	v2 =	vmul.f32 v6, v2;
	v4 =	vld [tilespmem:s10+$0x90]  }
0xa6: {  	[tilespmem:s10+$0xFFFFFFA0] =	vst v3;
	v3 =	vmul.f32 v8, v1;
	v6 =	vld [tilespmem:s10+$0xA0]  }
0xa7: {  	[tilespmem:s10+$0xFFFFFFB0] =	vst v2;
	v2 =	vmul.f32 v9, v1;
	v8 =	vld [tilespmem:s10+$0xB0]  }
0xa8: {  	v5 =	vld.idx.msk [tilespmem:v5+s23+$0x0], $0xffff;
	[tilespmem:s10+$0x0] =	vst v3;
	v1 =	vmul.f32 v10, v1  }
0xa9: {  	v7 =	vld.idx.msk [tilespmem:v7+s23+$0x0], $0xffff;
	[tilespmem:s10+$0x10] =	vst v2;
	v3 =	vmul.f32 v11, v0  }
0xaa: {  	v2 =	vld.idx.msk [tilespmem:v12+s23+$0x0], $0xffff;
	[tilespmem:s10+$0x20] =	vst v1;
	v4 =	vmul.f32 v4, v0  }
0xab: {  	s10 =	sadd.s32 $0x200, s10;
	v1 =	vld.idx.msk [tilespmem:v13+s23+$0x0], $0xffff;
	[tilespmem:s11+$0x80] =	vst v3;
	v3 =	vmul.f32 v6, v0  }
0xac: {  	v6 =	vld [tilespmem:s10+$0x30];
	[tilespmem:s11+$0x90] =	vst v4;
	v8 =	vmul.f32 v8, v0  }
0xad: {  	v4 =	vld [tilespmem:s10+$0xFFFFFF00];
	[tilespmem:s11+$0xA0] =	vst v3  }
0xae: {  	v0 =	vmov v5;
	v3 =	vld [tilespmem:s10+$0xFFFFFF10];
	[tilespmem:s11+$0xB0] =	vst v8;
	s11 =	smov.u32 s10  }
0xaf: {  	v5 =	vld [tilespmem:s10+$0xFFFFFF20]  }
0xb0: {  	v8 =	vld [tilespmem:s10+$0xFFFFFF30]  }
0xb1: {  	v9 =	vld [tilespmem:s10+$0xFFFFFF80];
	v6 =	vmul.f32 v6, v1  }
.Ltmp1:
0xb2: {  	v10 =	vmul.f32 v4, v7;
	v4 =	vld [tilespmem:s10+$0xFFFFFF90];
	(pc) =	sbr.rel @p2 .LBB2_5-.Ltmp1, $4  }
0xb3: {  	v11 =	vmul.f32 v3, v7;
	v3 =	vld [tilespmem:s10+$0xFFFFFFA0];
	[tilespmem:s10+$0x30] =	vst v6  }
0xb4: {  	s12 =	sadd.s32 $0x3, s13;
	v12 =	vmov s13;
	[tilespmem:s10+$0xFFFFFF00] =	vst v10;
	v13 =	vmul.f32 v5, v7;
	v6 =	vld [tilespmem:s10+$0xFFFFFFB0]  }
0xb5: {  	s17 =	sadd.s32 $0x1, s13;
	v12 =	vand.u32 $0xFFFFFFFC, v12;
	v5 =	vmov s12;
	[tilespmem:s10+$0xFFFFFF10] =	vst v11;
	v10 =	vmul.f32 v8, v7;
	v8 =	vld [tilespmem:s10+$0x0]  }
0xb6: {  	s12 =	sadd.s32 $0x2, s13;
	s13 =	sadd.s32 $0x4, s13;
	v7 =	vbroadcast v12, $0x0;
	v12 =	vmov s17;
	[tilespmem:s10+$0xFFFFFF20] =	vst v13;
	v11 =	vmul.f32 v9, v2;
	v9 =	vld [tilespmem:s10+$0x10]  }
0xb7: {  	v14 =	vld [tilespmem:s10+$0x20]  }
0xb8: {  	v15 =	vld [tilespmem:s10+$0x80]  }
0xb9: {  	v16 =	vld [tilespmem:s10+$0x90]  }
0xba: {  	v17 =	vld [tilespmem:s10+$0xA0]  }
0xbb: {  	[tilespmem:s10+$0xFFFFFF30] =	vst v10;
	v4 =	vmul.f32 v4, v2;
	v23 =	vld [tilespmem:s10+$0xB0]  }
0xbc: {  	v5 =	vld.idx.msk [tilespmem:v5+s23+$0x0], $0xffff;
	[tilespmem:s10+$0xFFFFFF80] =	vst v11;
	v3 =	vmul.f32 v3, v2  }
0xbd: {  	s25 =	sadd.s32 $0x200, s10;
	v25 =	vld.idx.msk [tilespmem:v7+s23+$0x0], $0xffff;
	[tilespmem:s10+$0xFFFFFF90] =	vst v4;
	v24 =	vmul.f32 v6, v2  }
0xbe: {  	v31 =	vld [tilespmem:s25+$0x30];
	[tilespmem:s10+$0xFFFFFFA0] =	vst v3;
	v26 =	vmul.f32 v8, v1  }
0xbf: {  	v33 =	vld [tilespmem:s25+$0xFFFFFF00];
	[tilespmem:s10+$0xFFFFFFB0] =	vst v24;
	v28 =	vmul.f32 v9, v1  }
0xc0: {  	v35 =	vld [tilespmem:s25+$0xFFFFFF10];
	[tilespmem:s10+$0x0] =	vst v26;
	v30 =	vmul.f32 v14, v1  }
0xc1: {  	v12 =	vand.u32 $0xFFFFFFFD, v12;
	v37 =	vld [tilespmem:s25+$0xFFFFFF20];
	v32 =	vmul.f32 v15, v0;
	[tilespmem:s10+$0x10] =	vst v28  }
0xc2: {  	v12 =	vbroadcast v12, $0x0;
	v39 =	vld [tilespmem:s25+$0xFFFFFF30];
	v34 =	vmul.f32 v16, v0;
	[tilespmem:s10+$0x20] =	vst v30  }
0xc3: {  	v40 =	vld [tilespmem:s25+$0xFFFFFF80];
	v36 =	vmul.f32 v17, v0;
	[tilespmem:s11+$0x80] =	vst v32  }
0xc4: {  	v13 =	vmov s12;
	v52 =	vld [tilespmem:s25+$0x80];
	v38 =	vmul.f32 v23, v0;
	[tilespmem:s11+$0x90] =	vst v34  }
0xc5: {  	v13 =	vand.u32 $0xFFFFFFFE, v13;
	v54 =	vld [tilespmem:s25+$0x90];
	v41 =	vmul.f32 v33, v25;
	[tilespmem:s11+$0xA0] =	vst v36  }
0xc6: {  	v56 =	vld [tilespmem:s25+$0xA0];
	v13 =	vbroadcast v13, $0x0;
	v9 =	vmul.f32 v35, v25;
	[tilespmem:s11+$0xB0] =	vst v38  }
0xc7: {  	v58 =	vld [tilespmem:s25+$0xB0];
	v44 =	vmul.f32 v37, v25;
	[tilespmem:s25+$0xFFFFFF00] =	vst v41  }
0xc8: {  	v1 =	vmul.f32 v39, v25;
	v27 =	vld.idx.msk [tilespmem:v12+s23+$0x0], $0xffff;
	[tilespmem:s25+$0xFFFFFF10] =	vst v9  }
0xc9: {  	v42 =	vld [tilespmem:s25+$0xFFFFFF90];
	v60 =	vmul.f32 v52, v5;
	[tilespmem:s25+$0xFFFFFF20] =	vst v44  }
0xca: {  	v43 =	vld [tilespmem:s25+$0xFFFFFFA0];
	v61 =	vmul.f32 v54, v5;
	[tilespmem:s25+$0xFFFFFF30] =	vst v1  }
0xcb: {  	v45 =	vld [tilespmem:s25+$0xFFFFFFB0];
	v62 =	vmul.f32 v56, v5;
	[tilespmem:s25+$0x80] =	vst v60  }
0xcc: {  	v63 =	vmul.f32 v58, v5;
	v29 =	vld.idx.msk [tilespmem:v13+s23+$0x0], $0xffff;
	[tilespmem:s25+$0x90] =	vst v61  }
0xcd: {  	v46 =	vld [tilespmem:s25+$0x0];
	[tilespmem:s25+$0xA0] =	vst v62;
	v47 =	vmul.f32 v40, v27  }
0xce: {  	v48 =	vld [tilespmem:s25+$0x10];
	[tilespmem:s25+$0xB0] =	vst v63;
	v49 =	vmul.f32 v42, v27  }
0xcf: {  	v50 =	vld [tilespmem:s25+$0x20];
	v51 =	vmul.f32 v43, v27;
	[tilespmem:s25+$0xFFFFFF80] =	vst v47  }
0xd0: {  	v53 =	vmul.f32 v45, v27;
	[tilespmem:s25+$0xFFFFFF90] =	vst v49  }
0xd1: {  	v3 =	vmul.f32 v31, v29;
	[tilespmem:s25+$0xFFFFFFA0] =	vst v51  }
0xd2: {  	v55 =	vmul.f32 v46, v29;
	[tilespmem:s25+$0xFFFFFFB0] =	vst v53  }
0xd3: {  	v57 =	vmul.f32 v48, v29;
	[tilespmem:s25+$0x30] =	vst v3  }
0xd4: {  	p2 =	sne.s32 @!p1 s9, $0x14;
	v59 =	vmul.f32 v50, v29;
	[tilespmem:s25+$0x0] =	vst v55  }
0xd5: {  	p2 =	por p1, !p2;
	[tilespmem:s25+$0x10] =	vst v57  }
.Ltmp2:
0xd6: {  	s10 =	simm.s32 @!p1 $0x6;
	[tilespmem:s25+$0x20] =	vst v59;
	(pc) =	sbr.rel @!p2 .LBB2_2-.Ltmp2, $4  }
0xd7: {  	[spmem:s1] =	stream.indirect.scatter.add.f32 [tilespmem:s24], [sflag:$0x6], $0x80, s22, s20, $0xb8;
	[tilespmem:$0x1CE80] =	vst v63  }
0xd8: {  	_ =	swait.ge @!p1 [sflag:s10], $0x4000  }
0xd9: {  	[sflag:s10] =	ssyncset.done @!p1 $0x0  }
0xda: {  	[sflag:s10] =	ssyncadd.s32 @!p1 $0xFFFFC000  }
0xdb: {  	_ =	swait.ge [sflag:s31], $0x4000  }
0xdc: {  	[sflag:s31] =	ssyncset.done $0x0  }
0xdd: {  	[sflag:s31] =	ssyncadd.s32 $0xFFFFC000  }
0xde: {  	_ =	swait.ge [sflag:s0], $0x4000  }
0xdf: {  	[sflag:s0] =	ssyncset.done $0x0  }
0xe0: {  	[sflag:s0] =	ssyncadd.s32 $0xFFFFC000  }
0xe1: {  	[bflag:$0x0] =	sbarrier.arrive $0xFFFF  }
0xe2: {  	s9 =	rddreg [dreg:$0x7]  }
0xe3: {  	s10 =	simm.s32 @p0 $0x1FC7;
	s9 =	sadd.s32 @p0 $0x24900, s9  }
0xe4: {  	[hbm:s9], [sflag:s10] =	dma.local @p0 [spmem:s14], $0x2800  }
0xe5: {  	s9 =	simm.s32 @p0 $0x7  }
0xe6: {  	_ =	swait.ge @p0 [sflag:s9], $0x2800  }
0xe7: {  	[sflag:s9] =	ssyncset.done @p0 $0x0  }
0xe8: {  	[sflag:s9] =	ssyncadd.s32 @p0 $0xFFFFD800;
	s9 =	rddreg [dreg:$0x9]  }
0xe9: {  	[hbm:s9], [sflag:s15] =	dma.local @!p0 [spmem:s16], $0x2700  }
0xea: {  	s9 =	simm.s32 @!p0 $0x7  }
0xeb: {  	_ =	swait.ge @!p0 [sflag:s9], $0x2700  }
0xec: {  	s3 =	sadd.s32 $0x1, s3;
	s25 =	rddreg [dreg:$0x8]  }
0xed: {  	p1 =	sne.s32 s3, s25  }
.Ltmp3:
0xee: {  	_ = 	snop;
	(pc) =	sbr.rel @p1 .LBB2_1-.Ltmp3, $3  }
0xef: {  	_ =	sdelay $0x1  }
0xf0: {  	[sflag:s9] =	ssyncset.done @!p0 $0x0  }
0xf1: {  	[sflag:s9] =	ssyncadd.s32 @!p0 $0xFFFFD900  }
0xf2: {  	_ =	sfence.sel $0x180000  }
0xf3: {  	[bflag:$0x0] =	sbarrier.arrive $0xFFFF  }
0xf4: {  	_ =	strace $0x9000004A  }
0xf5: {  	s0 =	stileid.u32;
	[bflag:$0x2] =	sbarrier.arrive $0xFFFF  }
0xf6: {  	p0 =	sne.s32 s0, $0x0;
	s0 =	rddreg [dreg:$0x3]  }
0xf7: {  	s0 =	sadd.s32 @!p0 $0x100000, s0  }
0xf8: {  	[sflag:s0] =	ssyncadd.tile.s32 @!p0 $0x1;
	_ =	shalt  }
.Lfunc_end2:
_tile_overlayer_lowered:
.L_overlay_start_2:
0xf9: {  	(tag) =	ssettag $0x2  }
0xfa: {  	s0 =	rddreg [dreg:$0x0];
	s2 =	stileid.u32  }
0xfb: {  	s1 =	rddreg [dreg:$0x1];
	p0 =	sne.s32 s2, $0x0  }
0xfc: {  	s3 =	rddreg [dreg:$0x2];
	[bflag:$0x3] =	sbarrier.arrive $0xFFFF;
	s2 =	simm.s32 @!p0 $0x1C07  }
0xfd: {  	[timem:s3], [sflag:s2] =	dma.local @!p0 [hbm:s0], s1  }
0xfe: {  	s0 =	simm.s32 @!p0 $0x7  }
0xff: {  	_ =	swait.ge @!p0 [sflag:s0], s1  }
0x100: {  	s1 =	ssub.s32 @!p0 $0x0, s1;
	[sflag:s0] =	ssyncset.done @!p0 $0x0  }
0x101: {  	[sflag:s0] =	ssyncadd.s32 @!p0 s1  }
0x102: {  	[bflag:$0x3] =	sbarrier.arrive $0xFFFF  }
0x103: {  	_ =	shalt  }

// kernel: kernel.7.cloned.1.call-start
scs
__scs_entry_jumppad:
0x0: {  	(pc) =	sbr.rel $0x88, $3  }
0x1: {  	(tag) =	ssettag $0x0;
	lr =	simm.s32 $0x1  }
0x2: {  	[smem:$0x3F9A] =	sst lr;
	_ =	strace $0xD0000000  }
0x3: {  	_ = 	snop  }
0x4: {  	_ = 	snop  }
0x5: {  	_ = 	snop  }
0x6: {  	_ = 	snop  }
0x7: {  	_ = 	snop  }
__scs_overlays_trampoline_lowered:
0x8: {  	[smem:$0x3FA9] =	sst s0  }
0x9: {  	[smem:$0x3FAA] =	sst s1  }
0xa: {  	[smem:$0x3FAB] =	sst s2  }
0xb: {  	[smem:$0x3FAC] =	sst s3  }
0xc: {  	[smem:$0x3FAD] =	sst s4  }
0xd: {  	[smem:$0x3FAE] =	sst s5  }
0xe: {  	[smem:$0x3FAF] =	sst s6  }
0xf: {  	[smem:$0x3FB0] =	sst s7  }
0x10: {  	[smem:$0x3FB1] =	sst s8  }
0x11: {  	[smem:$0x3FB2] =	sst s9;
	s0 =	simm.s32 @!p0 $0x0  }
0x12: {  	s1 =	sld [smem:$0x3F98];
	s0 =	simm.s32 @p0 $0x1  }
0x13: {  	[smem:$0x3FB3] =	sst s0;
	s0 =	simm.s32 @!p1 $0x0  }
0x14: {  	s2 =	sld [smem:$0x3F97];
	s0 =	simm.s32 @p1 $0x1  }
0x15: {  	[smem:$0x3FB4] =	sst s0;
	s0 =	simm.s32 @!p2 $0x0  }
0x16: {  	s3 =	sld [smem:$0x3FDB];
	s0 =	simm.s32 @p2 $0x1  }
0x17: {  	s4 =	simm.s32 $0x1BF5;
	[smem:$0x3FB6] =	sst s0  }
0x18: {  	s0 =	sld [smem:$0x3F99];
	_ =	swait.ge [sflag:s4], $0x0  }
0x19: {  	s7 =	sld [smem:$0x3F9A]  }
0x1a: {  	s8 =	sadd.s32 $0xFFFFE003, lr  }
0x1b: {  	s9 =	sadd.s32 $0xFFFFFEF7, lr;
	s5 =	simm.s32 $0xFFFFFFFF;
	p2 =	slt.u32 s8, $0xFFFFF086  }
0x1c: {  	p1 =	slt.u32 s9, $0xF7A;
	s5 =	simm.s32 @!p2 $0x0  }
0x1d: {  	s5 =	simm.s32 @p1 $0x1;
	p0 =	seq.s32 s7, s2  }
0x1e: {  	s7 =	smul.u32 @!p0 $0xF7A, s2;
	p2 =	seq.s32 @!p0 s5, $0x0  }
0x1f: {  	s9 =	smul.u32 $0xF7A, s1;
	s8 =	simm.s32 @!p0 $0x1BF5;
	p2 =	por !p2, p0  }
0x20: {  	[sflag:s8] =	ssyncset.s32 @!p0 $0xFFFFF086;
	s6 =	sadd.s32 @!p0 s3, s7;
	s7 =	simm.s32 @!p0 $0x108  }
0x21: {  	s3 =	sadd.s32 s3, s9;
	s6 =	sadd.s32 @!p0 $0x88, s6;
	s7 =	simm.s32 @p2 $0x1082  }
0x22: {  	[simem:s7], [sflag:s8] =	dma.local @!p0 [hbm:s6], $0xF7A  }
0x23: {  	s9 =	sor.u32 $0xD0000000, s2;
	s6 =	simm.s32 $0x108;
	_ =	swait.ge @!p0 [sflag:s8], $0x0  }
0x24: {  	s3 =	sadd.s32 $0x88, s3;
	s6 =	simm.s32 @!p1 $0x1082;
	[sflag:s4] =	ssyncset.s32 $0xFFFFF086  }
0x25: {  	[simem:s6], [sflag:s4] =	dma.local [hbm:s3], $0xF7A  }
0x26: {  	[smem:$0x3F9A] =	sst s1;
	(tag) =	ssettag s2;
	_ =	strace s9  }
0x27: {  	s1 =	sld [smem:$0x3FAA]  }
0x28: {  	s2 =	sld [smem:$0x3FAB]  }
0x29: {  	s4 =	sld [smem:$0x3FAD]  }
0x2a: {  	p0 =	seq.s32 s5, $0x0;
	s5 =	sld [smem:$0x3FAE]  }
0x2b: {  	s6 =	sld [smem:$0x3FAF]  }
0x2c: {  	s7 =	sld [smem:$0x3FB0]  }
0x2d: {  	s3 =	simm.s32 $0x108;
	s8 =	sld [smem:$0x3FB1]  }
0x2e: {  	s3 =	simm.s32 @!p0 $0x1082;
	s9 =	sld [smem:$0x3FB2]  }
0x2f: {  	lr =	sadd.s32 s0, s3;
	s0 =	sld [smem:$0x3FA9]  }
0x30: {  	s3 =	sld [smem:$0x3FAC]  }
0x31: {  	[smem:$0x3FB5] =	sst s10  }
0x32: {  	s10 =	sld [smem:$0x3FB3];
	_ =	sdelay $0x3  }
0x33: {  	p0 =	seq.s32 s10, $0x1;
	s10 =	sld [smem:$0x3FB5];
	_ =	sdelay $0x3  }
0x34: {  	[smem:$0x3FB5] =	sst s10  }
0x35: {  	s10 =	sld [smem:$0x3FB4];
	_ =	sdelay $0x3  }
0x36: {  	p1 =	seq.s32 s10, $0x1;
	s10 =	sld [smem:$0x3FB5];
	_ =	sdelay $0x3  }
0x37: {  	[smem:$0x3FB5] =	sst s10  }
0x38: {  	s10 =	sld [smem:$0x3FB6]  }
0x39: {  	_ = 	snop;
	(pc) =	sbr.ind lr, $3  }
0x3a: {  	_ = 	snop  }
0x3b: {  	_ = 	snop  }
0x3c: {  	p2 =	seq.s32 s10, $0x1;
	s10 =	sld [smem:$0x3FB5]  }
0x3d: {  	_ =	shalt  }
0x3e: {  	_ =	shalt  }
0x3f: {  	_ =	shalt  }
0x40: {  	_ =	shalt  }
0x41: {  	_ =	shalt  }
0x42: {  	_ =	shalt  }
0x43: {  	_ =	shalt  }
0x44: {  	_ =	shalt  }
0x45: {  	_ =	shalt  }
0x46: {  	_ =	shalt  }
0x47: {  	_ =	shalt  }
0x48: {  	_ =	shalt  }
0x49: {  	_ =	shalt  }
0x4a: {  	_ =	shalt  }
0x4b: {  	_ =	shalt  }
0x4c: {  	_ =	shalt  }
0x4d: {  	_ =	shalt  }
0x4e: {  	_ =	shalt  }
0x4f: {  	_ =	shalt  }
0x50: {  	_ =	shalt  }
0x51: {  	_ =	shalt  }
0x52: {  	_ =	shalt  }
0x53: {  	_ =	shalt  }
0x54: {  	_ =	shalt  }
0x55: {  	_ =	shalt  }
0x56: {  	_ =	shalt  }
0x57: {  	_ =	shalt  }
0x58: {  	_ =	shalt  }
0x59: {  	_ =	shalt  }
0x5a: {  	_ =	shalt  }
0x5b: {  	_ =	shalt  }
0x5c: {  	_ =	shalt  }
0x5d: {  	_ =	shalt  }
0x5e: {  	_ =	shalt  }
0x5f: {  	_ =	shalt  }
0x60: {  	_ =	shalt  }
0x61: {  	_ =	shalt  }
0x62: {  	_ =	shalt  }
0x63: {  	_ =	shalt  }
0x64: {  	_ =	shalt  }
0x65: {  	_ =	shalt  }
0x66: {  	_ =	shalt  }
0x67: {  	_ =	shalt  }
0x68: {  	_ =	shalt  }
0x69: {  	_ =	shalt  }
0x6a: {  	_ =	shalt  }
0x6b: {  	_ =	shalt  }
0x6c: {  	_ =	shalt  }
0x6d: {  	_ =	shalt  }
0x6e: {  	_ =	shalt  }
0x6f: {  	_ =	shalt  }
0x70: {  	_ =	shalt  }
0x71: {  	_ =	shalt  }
0x72: {  	_ =	shalt  }
0x73: {  	_ =	shalt  }
0x74: {  	_ =	shalt  }
0x75: {  	_ =	shalt  }
0x76: {  	_ =	shalt  }
0x77: {  	_ =	shalt  }
0x78: {  	_ =	shalt  }
0x79: {  	_ =	shalt  }
0x7a: {  	_ =	shalt  }
0x7b: {  	_ =	shalt  }
0x7c: {  	_ =	shalt  }
0x7d: {  	_ =	shalt  }
0x7e: {  	_ =	shalt  }
0x7f: {  	_ =	shalt  }
0x80: {  	_ =	shalt  }
0x81: {  	_ =	shalt  }
0x82: {  	_ =	shalt  }
0x83: {  	_ =	shalt  }
0x84: {  	_ =	shalt  }
0x85: {  	_ =	shalt  }
0x86: {  	_ =	shalt  }
0x87: {  	_ =	shalt  }
.Lfunc_end0:
.L_simem_size_0:
called_computation_lowered:
.L_overlay_start_0:
0x88: {  	s2 =	sld [smem:$0x3FD9]  }
0x89: {  	s3 =	sld [smem:$0x3FFE];
	_ =	sdelay $0x1  }
0x8a: {  	s1 =	srdreg.scid  }
0x8b: {  	s0 =	sand.u32 $0x1, s1  }
0x8c: {  	s17 =	sshll.u32 s0, $0xA;
	s2 =	sadd.s32 s3, s2  }
0x8d: {  	s2 =	sadd.s32 s2, s17  }
0x8e: {  	[smem:$0x3FC1] =	sst s2  }
0x8f: {  	_ = 	snop  }
0x90: {  	s2 =	sld [smem:$0x3FD0];
	(tm) =	ssettm $0x1  }
0x91: {  	s18 =	sld [smem:$0x3FFB];
	_ =	sdelay $0x3  }
0x92: {  	_ =	strace s18  }
0x93: {  	s3 =	sld [smem:$0x3FFC];
	_ =	sdelay $0x3  }
0x94: {  	_ =	strace s3  }
0x95: {  	s3 =	sld [smem:$0x3FFD];
	_ =	sdelay $0x3  }
0x96: {  	_ =	strace s3  }
0x97: {  	_ =	strace $0x8FFFFFFF  }
0x98: {  	s19 =	sld [smem:$0x3FDB];
	_ =	sdelay $0x1  }
0x99: {  	s4 =	simm.s32 $_scs_section_size  }
0x9a: {  	s5 =	simm.s32 $_size__tile_overlayer_lowered;
	s6 =	simm.s32 $_tile_overlayer_lowered  }
0x9b: {  	s22 =	simm.s32 $0x1BFF;
	s21 =	sshll.u32 s6, $0x1;
	s3 =	sadd.s32 s4, s19  }
0x9c: {  	s7 =	simm.s32 $0x0;
	s20 =	sshll.u32 s5, $0x1;
	s5 =	sadd.s32 s21, s3  }
0x9d: {  	[timem:s7], [sflag:s22] =	dma.local [hbm:s5], s20  }
0x9e: {  	_ =	swait.ge [sflag:s22], s20  }
0x9f: {  	s4 =	ssub.s32 $0x0, s20;
	[sflag:s22] =	ssyncset.done $0x0  }
0xa0: {  	[sflag:s22] =	ssyncadd.s32 s4;
	_ =	sdelay $0x1  }
0xa1: {  	s23 =	simm.s32 $0x1B8B  }
0xa2: {  	_ =	swait.ge [sflag:s23], $0x1  }
0xa3: {  	[sflag:s23] =	ssyncset.done $0x0  }
0xa4: {  	s25 =	simm.s32 $0x1B8E;
	s24 =	sld [smem:$0x3FFE];
	[sflag:s23] =	ssyncadd.s32 $0xFFFFFFFF  }
0xa5: {  	s26 =	simm.s32 $execute0_lowered;
	[smem:$0x3FD2] =	sst s25  }
0xa6: {  	s5 =	sshll.u32 s26, $0x1;
	_ =	strace $0x80000046;
	[dreg:$0x1] =	wrdreg $0xFFFFFFFF  }
0xa7: {  	s28 =	simm.s32 $_size_execute0_lowered;
	s3 =	sadd.s32 s3, s5;
	[dreg:$0x0] =	wrdreg $0x0  }
0xa8: {  	s5 =	sshll.u32 s28, $0x1;
	[dreg:$0x2] =	wrdreg s3  }
0xa9: {  	[dreg:$0x3] =	wrdreg s5  }
0xaa: {  	[dreg:$0x4] =	wrdreg $0xC0  }
0xab: {  	_ =	task [dreg:s7], $0x5FFFF  }
0xac: {  	[dreg:$0x1] =	wrdreg $0xFFFFFFFF  }
0xad: {  	[dreg:$0x0] =	wrdreg $0x60  }
0xae: {  	[dreg:$0x2] =	wrdreg s24  }
0xaf: {  	[dreg:$0x3] =	wrdreg s2  }
0xb0: {  	[dreg:$0x4] =	wrdreg $0xAA000  }
0xb1: {  	[dreg:$0x5] =	wrdreg $0x9  }
0xb2: {  	_ =	task.clear_ibuf [dreg:s7], $0x6FFFF;
	_ =	strace $0x90000046  }
0xb3: {  	s29 =	simm.s32 $0x9;
	_ =	strace $0x80000048  }
0xb4: {  	_ =	swait.ge [sflag:s29], $0x1  }
0xb5: {  	[sflag:s29] =	ssyncadd.s32 $0xFFFFFFFF  }
0xb6: {  	_ =	strace $0x90000048  }
0xb7: {  	_ =	sfence  }
0xb8: {  	s30 =	sld [smem:$0x0];
	_ =	sdelay $0x2  }
0xb9: {  	s31 =	sshll.u32 s1, $0xD;
	s1 =	sshrl.u32 s1, $0x2  }
0xba: {  	s3 =	sand.u32 $0x4000, s31;
	s1 =	sadd.s32 s1, s30  }
0xbb: {  	s0 =	sor.u32 s3, s0;
	s1 =	sshll.u32 s1, $0x11  }
0xbc: {  	s0 =	sor.u32 s1, s0  }
0xbd: {  	s0 =	sadd.s32 $0x8F2B, s0  }
0xbe: {  	[sflag:s0] =	ssyncadd.remote.s32 $0x1  }
0xbf: {  	_ =	sfence.sel $0xFFFF  }
0xc0: {  	[dreg:$0x0] =	wrdreg $0xFFFFFFFF;
	(pc) =	sbr.abs _section_cstart, $3  }
0xc1: {  	[dreg:$0x1] =	wrdreg $0xFFFFFFFF  }
0xc2: {  	_ =	task.clear_ibuf [dreg:s7], $0x2FFFF;
	_ =	strace $0x9FFFFFFF  }
0xc3: {  	(tm) =	ssettm $0x7FFFFFFF  }
tec
execute0_lowered:
.L_overlay_start_1:
0x0: {  	(tag) =	ssettag $0x1  }
0x1: {  	s0 =	rddreg [dreg:$0x0]  }
0x2: {  	s3 =	rddreg [dreg:$0x1]  }
0x3: {  	s1 =	rddreg [dreg:$0x2];
	s2 =	simm.s32 $0x0;
	s4 =	srdreg.scid  }
0x4: {  	s13 =	stileid.u32;
	s18 =	simm.s32 $0x2800;
	s19 =	simm.s32 $0x2900  }
0x5: {  	s20 =	simm.s32 $0x80;
	s21 =	simm.s32 $0x2A00;
	s28 =	simm.s32 $0x1  }
0x6: {  	s29 =	simm.s32 $0x4;
	s30 =	simm.s32 $0x2;
	s31 =	simm.s32 $0x5  }
0x7: {  	[smem:$0x7FF] =	sst s2;
	s6 =	sand.u32 $0x1, s4;
	s4 =	sadd.s32 $0x1400, s0  }
0x8: {  	s9 =	smul.u32 $0x4E000, s13;
	s5 =	sadd.s32 $0x6400, s0;
	s7 =	sadd.s32 $0x59600, s0  }
0x9: {  	s12 =	sadd.s32 $0x124800, s1;
	p0 =	seq.s32 s13, $0xF;
	s8 =	smul.u32 $0x27100, s6  }
0xa: {  	_ =	strace $0x80000047;
	s10 =	ssub.s32 $0x2, s6;
	s6 =	smul.u32 $0x2800, s13  }
0xb: {  	s14 =	sshrl.u32 @p0 s12, $0x3;
	s22 =	sshrl.u32 s10, $0x1;
	s9 =	sshrl.u32 s9, $0x2  }
0xc: {  	s0 =	sadd.s32 s8, s0;
	s8 =	ssub.s32 s10, s22;
	s23 =	sshrl.u32 s6, $0x3  }
0xd: {  	s9 =	sadd.s32 s9, s1;
	s22 =	simm.s32 $0x2880;
	s3 =	sadd.s32 s3, s23  }
0xe: {  	s24 =	sadd.s32 s4, s23;
	s25 =	sadd.s32 s5, s23;
	[dreg:$0x4] =	wrdreg s3  }
0xf: {  	s11 =	sadd.s32 $0xB400, s0;
	s10 =	sadd.s32 $0x5BE00, s0;
	[dreg:$0x5] =	wrdreg s24  }
0x10: {  	s0 =	smul.u32 $0x2700, s13;
	s26 =	smax.u32 s8, $0x1;
	[dreg:$0x6] =	wrdreg s25  }
0x11: {  	s16 =	sshrl.u32 @!p0 s9, $0x3;
	s23 =	simm.s32 $0x2980;
	[dreg:$0x8] =	wrdreg s26  }
0x12: {  	s3 =	sshll.u32 @!p0 s13, $0x6;
	s24 =	simm.s32 $0x6A00;
	[dreg:$0x7] =	wrdreg s10  }
0x13: {  	s26 =	simm.s32 $0x3;
	s15 =	sor.u32 @!p0 $0x1C07, s3;
	s0 =	sadd.s32 @!p0 s0, s10  }
0x14: {  	s3 =	simm.s32 $0x0;
	[dreg:$0x9] =	wrdreg s0;
	s0 =	simm.s32 $0x6  }
.LBB2_1:
0x15: {  	s8 =	simm.s32 @p0 $0x1FC7  }
0x16: {  	[spmem:s14], [sflag:s8] =	dma.local @p0 [hbm:s7], $0x2800  }
0x17: {  	s8 =	simm.s32 @p0 $0x7  }
0x18: {  	_ =	swait.ge @p0 [sflag:s8], $0x2800  }
0x19: {  	[sflag:s8] =	ssyncset.done @p0 $0x0  }
0x1a: {  	[sflag:s8] =	ssyncadd.s32 @p0 $0xFFFFD800;
	s8 =	simm.s32 @!p0 $0x7  }
0x1b: {  	[spmem:s16], [sflag:s15] =	dma.local @!p0 [hbm:s7], $0x2700  }
0x1c: {  	_ =	swait.ge @!p0 [sflag:s8], $0x2700  }
0x1d: {  	[sflag:s8] =	ssyncset.done @!p0 $0x0  }
0x1e: {  	s13 =	simm.s32 $0x7;
	s12 =	rddreg [dreg:$0x4];
	[sflag:s8] =	ssyncadd.s32 @!p0 $0xFFFFD900  }
0x1f: {  	[tilespmem:s2], [sflag:$0x7] =	stream.linear.gather [hbm4b:s12+s2], $0x2800, $0x38;
	[tilespmem:$0x1E280] =	vst v63  }
0x20: {  	_ =	swait.ge [sflag:s13], $0x2800  }
0x21: {  	[sflag:s13] =	ssyncset.done $0x0  }
0x22: {  	[sflag:s13] =	ssyncadd.s32 $0xFFFFD800  }
0x23: {  	[bflag:$0x0] =	sbarrier.arrive $0xFFFF  }
0x24: {  	s17 =	rddreg [dreg:$0x5]  }
0x25: {  	[tilespmem:s18], [sflag:$0x3] =	stream.linear.gather [hbm4b:s17+s2], $0x80, $0x38;
	[tilespmem:$0x1E280] =	vst v63  }
0x26: {  	s25 =	rddreg [dreg:$0x6]  }
0x27: {  	[tilespmem:s19], [sflag:$0x3] =	stream.linear.gather [hbm4b:s25+s2], $0x80, $0x38;
	[tilespmem:$0x1E280] =	vst v63  }
0x28: {  	s8 =	simm.s32 $0x0  }
0x29: {  	[tilespmem:s21], [sflag:$0x1] =	stream.indirect.gather [hbm4b:s11+s20], $0x80, s2, s20, $0xb8;
	[tilespmem:$0x1E280] =	vst v63  }
.LBB2_2:
0x2a: {  	s9 =	sshll.u32 s8, $0x8  }
0x2b: {  	s10 =	sor.u32 $0x80, s9  }
0x2c: {  	s12 =	sadd.s32 s6, s10  }
0x2d: {  	s12 =	sshrl.u32 s12, $0x3  }
0x2e: {  	s25 =	simm.s32 $0x0;
	s13 =	sadd.s32 s4, s12  }
0x2f: {  	[tilespmem:s22], [sflag:$0x4] =	stream.linear.gather [hbm4b:s13+s25], $0x80, $0x38;
	[tilespmem:$0x1E280] =	vst v63  }
0x30: {  	s12 =	sadd.s32 s5, s12  }
0x31: {  	[tilespmem:s23], [sflag:$0x4] =	stream.linear.gather [hbm4b:s12+s25], $0x80, $0x38;
	[tilespmem:$0x1E280] =	vst v63  }
0x32: {  	_ = 	snop  }
0x33: {  	[tilespmem:s24], [sflag:$0x2] =	stream.indirect.gather [hbm4b:s11+s20], $0x80, s10, s20, $0xb8;
	[tilespmem:$0x1E280] =	vst v63  }
0x34: {  	_ =	swait.ge [sflag:s26], $0x80  }
0x35: {  	v0 =	vmov s25;
	s13 =	simm.s32 $0x2;
	[sflag:s26] =	ssyncset.done $0x0  }
0x36: {  	v0 =	vand.u32 $0xFFFFFFFC, v0;
	v1 =	vmov s13;
	[sflag:s26] =	ssyncadd.s32 $0xFFFFFF80  }
0x37: {  	v0 =	vbroadcast v0, $0x0;
	v1 =	vand.u32 $0xFFFFFFFE, v1;
	_ =	swait.ge [sflag:s26], $0x80  }
0x38: {  	v1 =	vbroadcast v1, $0x0;
	[sflag:s26] =	ssyncset.done $0x0  }
0x39: {  	[sflag:s26] =	ssyncadd.s32 $0xFFFFFF80  }
0x3a: {  	_ =	swait.ge [sflag:s28], $0x4000  }
0x3b: {  	[sflag:s28] =	ssyncset.done $0x0  }
0x3c: {  	[sflag:s28] =	ssyncadd.s32 $0xFFFFC000  }
0x3d: {  	v0 =	vld.idx.msk [tilespmem:v0+s19+$0x0], $0xffff  }
0x3e: {  	s17 =	simm.s32 $0x1;
	s10 =	simm.s32 $0x2B00;
	v1 =	vld.idx.msk [tilespmem:v1+s19+$0x0], $0xffff  }
0x3f: {  	v2 =	vmov s17;
	v3 =	vld [tilespmem:s10+$0x70]  }
0x40: {  	v2 =	vand.u32 $0xFFFFFFFD, v2;
	v4 =	vld [tilespmem:s10+$0xFFFFFF00]  }
0x41: {  	v2 =	vbroadcast v2, $0x0;
	v5 =	vld [tilespmem:s10+$0xFFFFFF10]  }
0x42: {  	v6 =	vld [tilespmem:s10+$0xFFFFFF20]  }
0x43: {  	v7 =	vld [tilespmem:s10+$0xFFFFFF30]  }
0x44: {  	v8 =	vld [tilespmem:s10+$0xFFFFFF40]  }
0x45: {  	v9 =	vld [tilespmem:s10+$0xFFFFFF50]  }
0x46: {  	v10 =	vld [tilespmem:s10+$0xFFFFFF60];
	v4 =	vmul.f32 v4, v0  }
0x47: {  	v2 =	vld.idx.msk [tilespmem:v2+s19+$0x0], $0xffff;
	v3 =	vmul.f32 v3, v1  }
0x48: {  	v12 =	vld [tilespmem:s10+$0x40];
	[tilespmem:s10+$0xFFFFFF00] =	vst v4;
	v4 =	vmul.f32 v5, v0  }
0x49: {  	v5 =	vld [tilespmem:s10+$0xFFFFFF70];
	[tilespmem:s10+$0x70] =	vst v3;
	v3 =	vmul.f32 v6, v0  }
0x4a: {  	v6 =	vld [tilespmem:s10+$0xFFFFFF80];
	[tilespmem:s10+$0xFFFFFF10] =	vst v4;
	v4 =	vmul.f32 v7, v0  }
0x4b: {  	v7 =	vld [tilespmem:s10+$0xFFFFFF90];
	[tilespmem:s10+$0xFFFFFF20] =	vst v3;
	v3 =	vmul.f32 v8, v0  }
0x4c: {  	v8 =	vld [tilespmem:s10+$0xFFFFFFA0];
	[tilespmem:s10+$0xFFFFFF30] =	vst v4;
	v4 =	vmul.f32 v9, v0  }
0x4d: {  	v9 =	vld [tilespmem:s10+$0xFFFFFFB0];
	[tilespmem:s10+$0xFFFFFF40] =	vst v3;
	v3 =	vmul.f32 v10, v0  }
0x4e: {  	v10 =	vld [tilespmem:s10+$0xFFFFFFC0];
	v5 =	vmul.f32 v5, v0;
	[tilespmem:s10+$0xFFFFFF50] =	vst v4  }
0x4f: {  	v4 =	vmul.f32 v6, v2;
	v6 =	vld [tilespmem:s10+$0xFFFFFFD0];
	[tilespmem:s10+$0xFFFFFF60] =	vst v3  }
0x50: {  	s25 =	simm.s32 $0x3;
	v3 =	vld [tilespmem:s10+$0xFFFFFFE0];
	v7 =	vmul.f32 v7, v2;
	[tilespmem:s10+$0xFFFFFF70] =	vst v5  }
0x51: {  	v11 =	vmov s25;
	v5 =	vld [tilespmem:s10+$0xFFFFFFF0];
	[tilespmem:s10+$0xFFFFFF80] =	vst v4;
	v4 =	vmul.f32 v8, v2  }
0x52: {  	v8 =	vld [tilespmem:s10+$0x0];
	[tilespmem:s10+$0xFFFFFF90] =	vst v7;
	v7 =	vmul.f32 v9, v2  }
0x53: {  	v9 =	vld [tilespmem:s10+$0x10];
	[tilespmem:s10+$0xFFFFFFA0] =	vst v4;
	v4 =	vmul.f32 v10, v2  }
0x54: {  	[tilespmem:s10+$0xFFFFFFB0] =	vst v7;
	v6 =	vmul.f32 v6, v2;
	v7 =	vld [tilespmem:s10+$0x20]  }
0x55: {  	v10 =	vld [tilespmem:s10+$0x30];
	v3 =	vmul.f32 v3, v2;
	[tilespmem:s10+$0xFFFFFFC0] =	vst v4  }
0x56: {  	v0 =	vld.idx.msk [tilespmem:v11+s19+$0x0], $0xffff;
	v2 =	vmul.f32 v5, v2;
	[tilespmem:s10+$0xFFFFFFD0] =	vst v6  }
0x57: {  	[tilespmem:s10+$0xFFFFFFE0] =	vst v3;
	v4 =	vmul.f32 v8, v1;
	v3 =	vld [tilespmem:s10+$0x50]  }
0x58: {  	s13 =	simm.s32 $0x4;
	[tilespmem:s10+$0xFFFFFFF0] =	vst v2;
	v5 =	vmul.f32 v9, v1;
	v2 =	vld [tilespmem:s10+$0x60]  }
0x59: {  	s17 =	simm.s32 $0x7;
	v6 =	vmov s13;
	[tilespmem:s10+$0x0] =	vst v4;
	v8 =	vmul.f32 v7, v1;
	v7 =	vld [tilespmem:s10+$0x80]  }
0x5a: {  	s25 =	simm.s32 $0x5;
	v11 =	vand.u32 $0xFFFFFFFC, v6;
	v6 =	vld [tilespmem:s10+$0x90];
	v4 =	vmov s17;
	v9 =	vmul.f32 v10, v1;
	[tilespmem:s10+$0x10] =	vst v5  }
0x5b: {  	s12 =	simm.s32 $0x6;
	s13 =	simm.s32 $0x2B00;
	v10 =	vmul.f32 v12, v1;
	v5 =	vbroadcast v11, $0x0;
	v11 =	vmov s25;
	s25 =	simm.s32 $0x8;
	[tilespmem:s10+$0x20] =	vst v8;
	v8 =	vld [tilespmem:s10+$0xA0]  }
.LBB2_3:
0x5c: {  	p1 =	slt.u32 s25, $0x7C;
	v11 =	vand.u32 $0xFFFFFFFD, v11;
	v12 =	vmov s12;
	[tilespmem:s10+$0x30] =	vst v9;
	v3 =	vmul.f32 v3, v1;
	v9 =	vld [tilespmem:s10+$0xB0]  }
0x5d: {  	v11 =	vbroadcast v11, $0x0;
	v12 =	vand.u32 $0xFFFFFFFE, v12;
	[tilespmem:s10+$0x40] =	vst v10;
	v1 =	vmul.f32 v2, v1;
	v2 =	vld [tilespmem:s10+$0xC0]  }
0x5e: {  	v10 =	vbroadcast v12, $0x0;
	[tilespmem:s10+$0x50] =	vst v3;
	v3 =	vmul.f32 v7, v0;
	v7 =	vld [tilespmem:s10+$0xD0]  }
0x5f: {  	[tilespmem:s10+$0x60] =	vst v1;
	v1 =	vmul.f32 v6, v0;
	v6 =	vld [tilespmem:s10+$0xE0]  }
0x60: {  	[tilespmem:s10+$0x80] =	vst v3;
	v3 =	vmul.f32 v8, v0;
	v8 =	vld [tilespmem:s10+$0xF0]  }
0x61: {  	v4 =	vld.idx.msk [tilespmem:v4+s19+$0x0], $0xffff;
	[tilespmem:s10+$0x90] =	vst v1;
	v1 =	vmul.f32 v9, v0  }
0x62: {  	v5 =	vld.idx.msk [tilespmem:v5+s19+$0x0], $0xffff;
	[tilespmem:s10+$0xA0] =	vst v3;
	v2 =	vmul.f32 v2, v0  }
0x63: {  	v3 =	vld.idx.msk [tilespmem:v11+s19+$0x0], $0xffff;
	[tilespmem:s10+$0xB0] =	vst v1;
	v7 =	vmul.f32 v7, v0  }
0x64: {  	s10 =	sadd.s32 $0x200, s10;
	v1 =	vld.idx.msk [tilespmem:v10+s19+$0x0], $0xffff;
	[tilespmem:s13+$0xC0] =	vst v2;
	v2 =	vmul.f32 v6, v0  }
0x65: {  	v6 =	vld [tilespmem:s10+$0x70];
	[tilespmem:s13+$0xD0] =	vst v7;
	v8 =	vmul.f32 v8, v0  }
0x66: {  	v7 =	vld [tilespmem:s10+$0xFFFFFF00];
	[tilespmem:s13+$0xE0] =	vst v2  }
0x67: {  	v0 =	vmov v4;
	v2 =	vld [tilespmem:s10+$0xFFFFFF10];
	[tilespmem:s13+$0xF0] =	vst v8;
	s13 =	smov.u32 s10  }
0x68: {  	v4 =	vld [tilespmem:s10+$0xFFFFFF20]  }
0x69: {  	v8 =	vld [tilespmem:s10+$0xFFFFFF30]  }
0x6a: {  	v9 =	vld [tilespmem:s10+$0xFFFFFF40];
	v6 =	vmul.f32 v6, v1  }
0x6b: {  	v7 =	vmul.f32 v7, v5;
	v10 =	vld [tilespmem:s10+$0xFFFFFF50]  }
0x6c: {  	v2 =	vmul.f32 v2, v5;
	v11 =	vld [tilespmem:s10+$0xFFFFFF60];
	[tilespmem:s10+$0x70] =	vst v6  }
0x6d: {  	[tilespmem:s10+$0xFFFFFF00] =	vst v7;
	v4 =	vmul.f32 v4, v5;
	v6 =	vld [tilespmem:s10+$0xFFFFFF70]  }
0x6e: {  	[tilespmem:s10+$0xFFFFFF10] =	vst v2;
	v2 =	vmul.f32 v8, v5;
	v7 =	vld [tilespmem:s10+$0xFFFFFF80]  }
0x6f: {  	[tilespmem:s10+$0xFFFFFF20] =	vst v4;
	v4 =	vmul.f32 v9, v5;
	v8 =	vld [tilespmem:s10+$0xFFFFFF90]  }
0x70: {  	[tilespmem:s10+$0xFFFFFF30] =	vst v2;
	v2 =	vmul.f32 v10, v5;
	v9 =	vld [tilespmem:s10+$0xFFFFFFA0]  }
0x71: {  	[tilespmem:s10+$0xFFFFFF40] =	vst v4;
	v4 =	vmul.f32 v11, v5;
	v10 =	vld [tilespmem:s10+$0xFFFFFFB0]  }
0x72: {  	[tilespmem:s10+$0xFFFFFF50] =	vst v2;
	v2 =	vmul.f32 v6, v5;
	v5 =	vld [tilespmem:s10+$0xFFFFFFC0]  }
0x73: {  	[tilespmem:s10+$0xFFFFFF60] =	vst v4;
	v4 =	vmul.f32 v7, v3;
	v6 =	vld [tilespmem:s10+$0xFFFFFFD0]  }
0x74: {  	[tilespmem:s10+$0xFFFFFF70] =	vst v2;
	v2 =	vmul.f32 v8, v3;
	v7 =	vld [tilespmem:s10+$0xFFFFFFE0]  }
0x75: {  	[tilespmem:s10+$0xFFFFFF80] =	vst v4;
	v4 =	vmul.f32 v9, v3;
	v8 =	vld [tilespmem:s10+$0xFFFFFFF0]  }
0x76: {  	[tilespmem:s10+$0xFFFFFF90] =	vst v2;
	v2 =	vmul.f32 v10, v3;
	v9 =	vld [tilespmem:s10+$0x0]  }
0x77: {  	[tilespmem:s10+$0xFFFFFFA0] =	vst v4;
	v4 =	vmul.f32 v5, v3;
	v5 =	vld [tilespmem:s10+$0x10]  }
0x78: {  	[tilespmem:s10+$0xFFFFFFB0] =	vst v2;
	v2 =	vmul.f32 v6, v3;
	v6 =	vld [tilespmem:s10+$0x20]  }
0x79: {  	[tilespmem:s10+$0xFFFFFFC0] =	vst v4;
	v4 =	vmul.f32 v7, v3;
	v10 =	vld [tilespmem:s10+$0x30]  }
0x7a: {  	[tilespmem:s10+$0xFFFFFFD0] =	vst v2;
	v2 =	vmul.f32 v8, v3;
	v8 =	vld [tilespmem:s10+$0x40]  }
.Ltmp0:
0x7b: {  	[tilespmem:s10+$0xFFFFFFE0] =	vst v4;
	v4 =	vmul.f32 v9, v1;
	v3 =	vld [tilespmem:s10+$0x50];
	(pc) =	sbr.rel @p1 .LBB2_3-.Ltmp0, $4  }
0x7c: {  	[tilespmem:s10+$0xFFFFFFF0] =	vst v2;
	v5 =	vmul.f32 v5, v1;
	v2 =	vld [tilespmem:s10+$0x60]  }
0x7d: {  	s12 =	sadd.s32 $0x3, s25;
	v9 =	vmov s25;
	[tilespmem:s10+$0x0] =	vst v4;
	v12 =	vmul.f32 v6, v1;
	v7 =	vld [tilespmem:s10+$0x80]  }
0x7e: {  	s17 =	sadd.s32 $0x1, s25;
	v11 =	vand.u32 $0xFFFFFFFC, v9;
	v4 =	vmov s12;
	[tilespmem:s10+$0x10] =	vst v5;
	v9 =	vmul.f32 v10, v1;
	v6 =	vld [tilespmem:s10+$0x90]  }
0x7f: {  	s12 =	sadd.s32 $0x2, s25;
	s25 =	sadd.s32 $0x4, s25;
	v5 =	vbroadcast v11, $0x0;
	v11 =	vmov s17;
	[tilespmem:s10+$0x20] =	vst v12;
	v10 =	vmul.f32 v8, v1;
	v8 =	vld [tilespmem:s10+$0xA0]  }
0x80: {  	v12 =	vld [tilespmem:s10+$0xB0]  }
0x81: {  	v14 =	vld [tilespmem:s10+$0xC0]  }
0x82: {  	v13 =	vmov s12;
	v15 =	vld [tilespmem:s10+$0xD0]  }
0x83: {  	v16 =	vld [tilespmem:s10+$0xE0];
	[tilespmem:s10+$0x30] =	vst v9;
	v3 =	vmul.f32 v3, v1;
	v13 =	vand.u32 $0xFFFFFFFE, v13  }
0x84: {  	v11 =	vand.u32 $0xFFFFFFFD, v11;
	v4 =	vld.idx.msk [tilespmem:v4+s19+$0x0], $0xffff;
	[tilespmem:s10+$0x40] =	vst v10;
	v1 =	vmul.f32 v2, v1;
	v13 =	vbroadcast v13, $0x0  }
0x85: {  	s25 =	sadd.s32 $0x200, s10;
	v11 =	vbroadcast v11, $0x0;
	v2 =	vld.idx.msk [tilespmem:v5+s19+$0x0], $0xffff;
	v7 =	vmul.f32 v7, v0;
	[tilespmem:s10+$0x50] =	vst v3  }
0x86: {  	v9 =	vld [tilespmem:s25+$0xFFFFFF00];
	v3 =	vmul.f32 v6, v0;
	[tilespmem:s10+$0x60] =	vst v1  }
0x87: {  	[tilespmem:s10+$0x80] =	vst v7;
	v7 =	vld [tilespmem:s10+$0xF0];
	v1 =	vmul.f32 v8, v0  }
0x88: {  	v10 =	vld [tilespmem:s25+$0xFFFFFF10];
	[tilespmem:s10+$0x90] =	vst v3;
	v3 =	vmul.f32 v12, v0  }
0x89: {  	v8 =	vld [tilespmem:s25+$0x70];
	[tilespmem:s10+$0xA0] =	vst v1;
	v1 =	vmul.f32 v14, v0  }
0x8a: {  	[tilespmem:s10+$0xB0] =	vst v3;
	v3 =	vmul.f32 v15, v0;
	v6 =	vld.idx.msk [tilespmem:v13+s19+$0x0], $0xffff  }
0x8b: {  	v5 =	vld.idx.msk [tilespmem:v11+s19+$0x0], $0xffff;
	[tilespmem:s13+$0xC0] =	vst v1;
	v1 =	vmul.f32 v16, v0  }
0x8c: {  	v11 =	vld [tilespmem:s25+$0xFFFFFF20];
	[tilespmem:s13+$0xD0] =	vst v3;
	v0 =	vmul.f32 v7, v0  }
0x8d: {  	v3 =	vld [tilespmem:s25+$0xFFFFFF30];
	[tilespmem:s13+$0xE0] =	vst v1  }
0x8e: {  	v1 =	vld [tilespmem:s25+$0xFFFFFF40];
	[tilespmem:s13+$0xF0] =	vst v0;
	v0 =	vmul.f32 v9, v2  }
0x8f: {  	v7 =	vmul.f32 v8, v6;
	v8 =	vld [tilespmem:s25+$0xFFFFFF50]  }
0x90: {  	v9 =	vmul.f32 v10, v2;
	v10 =	vld [tilespmem:s25+$0xFFFFFF60];
	[tilespmem:s25+$0xFFFFFF00] =	vst v0  }
0x91: {  	v0 =	vmul.f32 v11, v2;
	[tilespmem:s25+$0x70] =	vst v7;
	v7 =	vld [tilespmem:s25+$0xFFFFFF70]  }
0x92: {  	[tilespmem:s25+$0xFFFFFF10] =	vst v9;
	v9 =	vld [tilespmem:s25+$0xFFFFFF80];
	v3 =	vmul.f32 v3, v2  }
0x93: {  	[tilespmem:s25+$0xFFFFFF20] =	vst v0;
	v0 =	vmul.f32 v1, v2;
	v1 =	vld [tilespmem:s25+$0xFFFFFF90]  }
0x94: {  	[tilespmem:s25+$0xFFFFFF30] =	vst v3;
	v3 =	vmul.f32 v8, v2;
	v8 =	vld [tilespmem:s25+$0xFFFFFFA0]  }
0x95: {  	[tilespmem:s25+$0xFFFFFF40] =	vst v0;
	v0 =	vmul.f32 v10, v2;
	v10 =	vld [tilespmem:s25+$0xFFFFFFB0]  }
0x96: {  	[tilespmem:s25+$0xFFFFFF50] =	vst v3;
	v2 =	vmul.f32 v7, v2;
	v3 =	vld [tilespmem:s25+$0xFFFFFFC0]  }
0x97: {  	[tilespmem:s25+$0xFFFFFF60] =	vst v0;
	v0 =	vmul.f32 v9, v5;
	v7 =	vld [tilespmem:s25+$0xFFFFFFD0]  }
0x98: {  	v1 =	vmul.f32 v1, v5;
	[tilespmem:s25+$0xFFFFFF70] =	vst v2;
	v2 =	vld [tilespmem:s25+$0xFFFFFFE0]  }
0x99: {  	[tilespmem:s25+$0xFFFFFF80] =	vst v0;
	v0 =	vmul.f32 v8, v5;
	v8 =	vld [tilespmem:s25+$0xFFFFFFF0]  }
0x9a: {  	v9 =	vld [tilespmem:s25+$0x0];
	[tilespmem:s25+$0xFFFFFF90] =	vst v1;
	v1 =	vmul.f32 v10, v5  }
0x9b: {  	[tilespmem:s25+$0xFFFFFFA0] =	vst v0;
	v0 =	vmul.f32 v3, v5;
	v3 =	vld [tilespmem:s25+$0x10]  }
0x9c: {  	[tilespmem:s25+$0xFFFFFFB0] =	vst v1;
	v1 =	vmul.f32 v7, v5;
	v7 =	vld [tilespmem:s25+$0x20]  }
0x9d: {  	[tilespmem:s25+$0xFFFFFFC0] =	vst v0;
	v0 =	vmul.f32 v2, v5;
	v2 =	vld [tilespmem:s25+$0x30]  }
0x9e: {  	[tilespmem:s25+$0xFFFFFFD0] =	vst v1;
	v1 =	vmul.f32 v8, v5;
	v5 =	vld [tilespmem:s25+$0x40]  }
0x9f: {  	v8 =	vld [tilespmem:s25+$0x50];
	[tilespmem:s25+$0xFFFFFFE0] =	vst v0;
	v0 =	vmul.f32 v9, v6  }
0xa0: {  	[tilespmem:s25+$0xFFFFFFF0] =	vst v1;
	v1 =	vmul.f32 v3, v6;
	v3 =	vld [tilespmem:s25+$0x60]  }
0xa1: {  	[tilespmem:s25+$0x0] =	vst v0;
	v0 =	vmul.f32 v7, v6;
	v7 =	vld [tilespmem:s25+$0x80]  }
0xa2: {  	[tilespmem:s25+$0x10] =	vst v1;
	v1 =	vmul.f32 v2, v6;
	v2 =	vld [tilespmem:s25+$0x90]  }
0xa3: {  	[tilespmem:s25+$0x20] =	vst v0;
	v0 =	vmul.f32 v5, v6;
	v5 =	vld [tilespmem:s25+$0xA0]  }
0xa4: {  	[tilespmem:s25+$0x30] =	vst v1;
	v1 =	vmul.f32 v8, v6;
	v8 =	vld [tilespmem:s25+$0xB0]  }
0xa5: {  	[tilespmem:s25+$0x40] =	vst v0;
	v0 =	vmul.f32 v3, v6;
	v3 =	vld [tilespmem:s25+$0xC0]  }
0xa6: {  	v6 =	vld [tilespmem:s25+$0xD0];
	[tilespmem:s25+$0x50] =	vst v1;
	v1 =	vmul.f32 v7, v4  }
0xa7: {  	[tilespmem:s25+$0x60] =	vst v0;
	v0 =	vmul.f32 v2, v4;
	v2 =	vld [tilespmem:s25+$0xE0]  }
0xa8: {  	[tilespmem:s25+$0x80] =	vst v1;
	v1 =	vmul.f32 v5, v4;
	v5 =	vld [tilespmem:s25+$0xF0]  }
0xa9: {  	[tilespmem:s25+$0x90] =	vst v0;
	v0 =	vmul.f32 v8, v4  }
0xaa: {  	[tilespmem:s25+$0xA0] =	vst v1;
	v1 =	vmul.f32 v3, v4  }
0xab: {  	[tilespmem:s25+$0xB0] =	vst v0;
	v0 =	vmul.f32 v6, v4  }
0xac: {  	[tilespmem:s25+$0xC0] =	vst v1;
	v1 =	vmul.f32 v2, v4  }
0xad: {  	[tilespmem:s25+$0xD0] =	vst v0;
	v0 =	vmul.f32 v5, v4  }
0xae: {  	p1 =	seq.s32 s8, $0x27;
	[tilespmem:s25+$0xE0] =	vst v1  }
0xaf: {  	s10 =	simm.s32 @!p1 $0x5;
	[tilespmem:s25+$0xF0] =	vst v0  }
0xb0: {  	[spmem:s1] =	stream.indirect.scatter.add.f32 [tilespmem:s21], [sflag:$0x5], $0x80, s18, s20, $0xb8;
	[tilespmem:$0x1E280] =	vst v63  }
0xb1: {  	s9 =	sadd.s32 @!p1 $0x100, s9;
	_ =	swait.ge @!p1 [sflag:s10], $0x4000  }
0xb2: {  	s12 =	sadd.s32 @!p1 s6, s9;
	[sflag:s10] =	ssyncset.done @!p1 $0x0  }
0xb3: {  	[sflag:s10] =	ssyncadd.s32 @!p1 $0xFFFFC000;
	s10 =	sshrl.u32 @!p1 s12, $0x3  }
0xb4: {  	s17 =	simm.s32 @!p1 $0x2800;
	s13 =	simm.s32 @!p1 $0x0;
	s12 =	sadd.s32 @!p1 s4, s10  }
0xb5: {  	[tilespmem:s17], [sflag:$0x3] =	stream.linear.gather @!p1 [hbm4b:s12+s13], $0x80, $0x38;
	[tilespmem:$0x1E280] =	vst v63  }
0xb6: {  	s10 =	sadd.s32 @!p1 s5, s10;
	s12 =	simm.s32 @!p1 $0x2900  }
0xb7: {  	[tilespmem:s12], [sflag:$0x3] =	stream.linear.gather @!p1 [hbm4b:s10+s13], $0x80, $0x38;
	[tilespmem:$0x1E280] =	vst v63  }
0xb8: {  	s10 =	simm.s32 @!p1 $0x80;
	s12 =	simm.s32 @!p1 $0x2A00  }
0xb9: {  	[tilespmem:s12], [sflag:$0x1] =	stream.indirect.gather @!p1 [hbm4b:s11+s10], $0x80, s9, s10, $0xb8;
	[tilespmem:$0x1E280] =	vst v63  }
0xba: {  	s13 =	simm.s32 $0x0;
	_ =	swait.ge [sflag:s29], $0x80  }
0xbb: {  	s17 =	simm.s32 $0x2;
	v0 =	vmov s13;
	[sflag:s29] =	ssyncset.done $0x0  }
0xbc: {  	v1 =	vmov s17;
	v0 =	vand.u32 $0xFFFFFFFC, v0;
	[sflag:s29] =	ssyncadd.s32 $0xFFFFFF80  }
0xbd: {  	v1 =	vand.u32 $0xFFFFFFFE, v1;
	v0 =	vbroadcast v0, $0x0;
	_ =	swait.ge [sflag:s29], $0x80  }
0xbe: {  	v1 =	vbroadcast v1, $0x0;
	[sflag:s29] =	ssyncset.done $0x0  }
0xbf: {  	[sflag:s29] =	ssyncadd.s32 $0xFFFFFF80  }
0xc0: {  	_ =	swait.ge [sflag:s30], $0x4000  }
0xc1: {  	[sflag:s30] =	ssyncset.done $0x0  }
0xc2: {  	[sflag:s30] =	ssyncadd.s32 $0xFFFFC000  }
0xc3: {  	v0 =	vld.idx.msk [tilespmem:v0+s23+$0x0], $0xffff  }
0xc4: {  	s25 =	simm.s32 $0x1;
	s9 =	simm.s32 $0x6B00;
	v1 =	vld.idx.msk [tilespmem:v1+s23+$0x0], $0xffff  }
0xc5: {  	v2 =	vmov s25;
	v3 =	vld [tilespmem:s9+$0x70]  }
0xc6: {  	v2 =	vand.u32 $0xFFFFFFFD, v2;
	v4 =	vld [tilespmem:s9+$0xFFFFFF00]  }
0xc7: {  	v2 =	vbroadcast v2, $0x0;
	v5 =	vld [tilespmem:s9+$0xFFFFFF10]  }
0xc8: {  	v6 =	vld [tilespmem:s9+$0xFFFFFF20]  }
0xc9: {  	v7 =	vld [tilespmem:s9+$0xFFFFFF30]  }
0xca: {  	v8 =	vld [tilespmem:s9+$0xFFFFFF40]  }
0xcb: {  	v9 =	vld [tilespmem:s9+$0xFFFFFF50]  }
0xcc: {  	v10 =	vld [tilespmem:s9+$0xFFFFFF60];
	v4 =	vmul.f32 v4, v0  }
0xcd: {  	v2 =	vld.idx.msk [tilespmem:v2+s23+$0x0], $0xffff;
	v3 =	vmul.f32 v3, v1  }
0xce: {  	v63 =	vld [tilespmem:s9+$0x40];
	[tilespmem:s9+$0xFFFFFF00] =	vst v4;
	v4 =	vmul.f32 v5, v0  }
0xcf: {  	v5 =	vld [tilespmem:s9+$0xFFFFFF70];
	[tilespmem:s9+$0x70] =	vst v3;
	v3 =	vmul.f32 v6, v0  }
0xd0: {  	v6 =	vld [tilespmem:s9+$0xFFFFFF80];
	[tilespmem:s9+$0xFFFFFF10] =	vst v4;
	v4 =	vmul.f32 v7, v0  }
0xd1: {  	v7 =	vld [tilespmem:s9+$0xFFFFFF90];
	[tilespmem:s9+$0xFFFFFF20] =	vst v3;
	v3 =	vmul.f32 v8, v0  }
0xd2: {  	v8 =	vld [tilespmem:s9+$0xFFFFFFA0];
	[tilespmem:s9+$0xFFFFFF30] =	vst v4;
	v4 =	vmul.f32 v9, v0  }
0xd3: {  	v9 =	vld [tilespmem:s9+$0xFFFFFFB0];
	[tilespmem:s9+$0xFFFFFF40] =	vst v3;
	v3 =	vmul.f32 v10, v0  }
0xd4: {  	v10 =	vld [tilespmem:s9+$0xFFFFFFC0];
	v5 =	vmul.f32 v5, v0;
	[tilespmem:s9+$0xFFFFFF50] =	vst v4  }
0xd5: {  	v4 =	vmul.f32 v6, v2;
	v6 =	vld [tilespmem:s9+$0xFFFFFFD0];
	[tilespmem:s9+$0xFFFFFF60] =	vst v3  }
0xd6: {  	s12 =	simm.s32 $0x3;
	v3 =	vld [tilespmem:s9+$0xFFFFFFE0];
	v7 =	vmul.f32 v7, v2;
	[tilespmem:s9+$0xFFFFFF70] =	vst v5  }
0xd7: {  	v11 =	vmov s12;
	v5 =	vld [tilespmem:s9+$0xFFFFFFF0];
	[tilespmem:s9+$0xFFFFFF80] =	vst v4;
	v4 =	vmul.f32 v8, v2  }
0xd8: {  	v8 =	vld [tilespmem:s9+$0x0];
	[tilespmem:s9+$0xFFFFFF90] =	vst v7;
	v7 =	vmul.f32 v9, v2  }
0xd9: {  	v9 =	vld [tilespmem:s9+$0x10];
	[tilespmem:s9+$0xFFFFFFA0] =	vst v4;
	v4 =	vmul.f32 v10, v2  }
0xda: {  	[tilespmem:s9+$0xFFFFFFB0] =	vst v7;
	v6 =	vmul.f32 v6, v2;
	v7 =	vld [tilespmem:s9+$0x20]  }
0xdb: {  	v10 =	vld [tilespmem:s9+$0x30];
	v3 =	vmul.f32 v3, v2;
	[tilespmem:s9+$0xFFFFFFC0] =	vst v4  }
0xdc: {  	v0 =	vld.idx.msk [tilespmem:v11+s23+$0x0], $0xffff;
	v2 =	vmul.f32 v5, v2;
	[tilespmem:s9+$0xFFFFFFD0] =	vst v6  }
0xdd: {  	[tilespmem:s9+$0xFFFFFFE0] =	vst v3;
	v4 =	vmul.f32 v8, v1;
	v3 =	vld [tilespmem:s9+$0x50]  }
0xde: {  	s13 =	simm.s32 $0x4;
	[tilespmem:s9+$0xFFFFFFF0] =	vst v2;
	v5 =	vmul.f32 v9, v1;
	v2 =	vld [tilespmem:s9+$0x60]  }
0xdf: {  	s17 =	simm.s32 $0x7;
	v6 =	vmov s13;
	[tilespmem:s9+$0x0] =	vst v4;
	v8 =	vmul.f32 v7, v1;
	v7 =	vld [tilespmem:s9+$0x80]  }
0xe0: {  	s8 =	sadd.s32 $0x1, s8;
	s25 =	simm.s32 $0x5;
	v11 =	vand.u32 $0xFFFFFFFC, v6;
	v6 =	vld [tilespmem:s9+$0x90];
	v4 =	vmov s17;
	v9 =	vmul.f32 v10, v1;
	[tilespmem:s9+$0x10] =	vst v5  }
0xe1: {  	s10 =	simm.s32 $0x6B00;
	s12 =	simm.s32 $0x6;
	s13 =	simm.s32 $0x8;
	v10 =	vmul.f32 v63, v1;
	v5 =	vbroadcast v11, $0x0;
	v11 =	vmov s25;
	[tilespmem:s9+$0x20] =	vst v8;
	v8 =	vld [tilespmem:s9+$0xA0]  }
.LBB2_5:
0xe2: {  	p2 =	slt.u32 s13, $0x7C;
	v11 =	vand.u32 $0xFFFFFFFD, v11;
	v12 =	vmov s12;
	[tilespmem:s9+$0x30] =	vst v9;
	v3 =	vmul.f32 v3, v1;
	v9 =	vld [tilespmem:s9+$0xB0]  }
0xe3: {  	v11 =	vbroadcast v11, $0x0;
	v12 =	vand.u32 $0xFFFFFFFE, v12;
	[tilespmem:s9+$0x40] =	vst v10;
	v1 =	vmul.f32 v2, v1;
	v2 =	vld [tilespmem:s9+$0xC0]  }
0xe4: {  	v10 =	vbroadcast v12, $0x0;
	[tilespmem:s9+$0x50] =	vst v3;
	v3 =	vmul.f32 v7, v0;
	v7 =	vld [tilespmem:s9+$0xD0]  }
0xe5: {  	[tilespmem:s9+$0x60] =	vst v1;
	v1 =	vmul.f32 v6, v0;
	v6 =	vld [tilespmem:s9+$0xE0]  }
0xe6: {  	[tilespmem:s9+$0x80] =	vst v3;
	v3 =	vmul.f32 v8, v0;
	v8 =	vld [tilespmem:s9+$0xF0]  }
0xe7: {  	v4 =	vld.idx.msk [tilespmem:v4+s23+$0x0], $0xffff;
	[tilespmem:s9+$0x90] =	vst v1;
	v1 =	vmul.f32 v9, v0  }
0xe8: {  	v5 =	vld.idx.msk [tilespmem:v5+s23+$0x0], $0xffff;
	[tilespmem:s9+$0xA0] =	vst v3;
	v2 =	vmul.f32 v2, v0  }
0xe9: {  	v3 =	vld.idx.msk [tilespmem:v11+s23+$0x0], $0xffff;
	[tilespmem:s9+$0xB0] =	vst v1;
	v7 =	vmul.f32 v7, v0  }
0xea: {  	s9 =	sadd.s32 $0x200, s9;
	v1 =	vld.idx.msk [tilespmem:v10+s23+$0x0], $0xffff;
	[tilespmem:s10+$0xC0] =	vst v2;
	v2 =	vmul.f32 v6, v0  }
0xeb: {  	v6 =	vld [tilespmem:s9+$0x70];
	[tilespmem:s10+$0xD0] =	vst v7;
	v8 =	vmul.f32 v8, v0  }
0xec: {  	v7 =	vld [tilespmem:s9+$0xFFFFFF00];
	[tilespmem:s10+$0xE0] =	vst v2  }
0xed: {  	v0 =	vmov v4;
	v2 =	vld [tilespmem:s9+$0xFFFFFF10];
	[tilespmem:s10+$0xF0] =	vst v8;
	s10 =	smov.u32 s9  }
0xee: {  	v4 =	vld [tilespmem:s9+$0xFFFFFF20]  }
0xef: {  	v8 =	vld [tilespmem:s9+$0xFFFFFF30]  }
0xf0: {  	v9 =	vld [tilespmem:s9+$0xFFFFFF40];
	v6 =	vmul.f32 v6, v1  }
0xf1: {  	v7 =	vmul.f32 v7, v5;
	v10 =	vld [tilespmem:s9+$0xFFFFFF50]  }
0xf2: {  	v2 =	vmul.f32 v2, v5;
	v11 =	vld [tilespmem:s9+$0xFFFFFF60];
	[tilespmem:s9+$0x70] =	vst v6  }
0xf3: {  	[tilespmem:s9+$0xFFFFFF00] =	vst v7;
	v4 =	vmul.f32 v4, v5;
	v6 =	vld [tilespmem:s9+$0xFFFFFF70]  }
0xf4: {  	[tilespmem:s9+$0xFFFFFF10] =	vst v2;
	v2 =	vmul.f32 v8, v5;
	v7 =	vld [tilespmem:s9+$0xFFFFFF80]  }
0xf5: {  	[tilespmem:s9+$0xFFFFFF20] =	vst v4;
	v4 =	vmul.f32 v9, v5;
	v8 =	vld [tilespmem:s9+$0xFFFFFF90]  }
0xf6: {  	[tilespmem:s9+$0xFFFFFF30] =	vst v2;
	v2 =	vmul.f32 v10, v5;
	v9 =	vld [tilespmem:s9+$0xFFFFFFA0]  }
0xf7: {  	[tilespmem:s9+$0xFFFFFF40] =	vst v4;
	v4 =	vmul.f32 v11, v5;
	v10 =	vld [tilespmem:s9+$0xFFFFFFB0]  }
0xf8: {  	[tilespmem:s9+$0xFFFFFF50] =	vst v2;
	v2 =	vmul.f32 v6, v5;
	v5 =	vld [tilespmem:s9+$0xFFFFFFC0]  }
0xf9: {  	[tilespmem:s9+$0xFFFFFF60] =	vst v4;
	v4 =	vmul.f32 v7, v3;
	v6 =	vld [tilespmem:s9+$0xFFFFFFD0]  }
0xfa: {  	[tilespmem:s9+$0xFFFFFF70] =	vst v2;
	v2 =	vmul.f32 v8, v3;
	v7 =	vld [tilespmem:s9+$0xFFFFFFE0]  }
0xfb: {  	[tilespmem:s9+$0xFFFFFF80] =	vst v4;
	v4 =	vmul.f32 v9, v3;
	v8 =	vld [tilespmem:s9+$0xFFFFFFF0]  }
0xfc: {  	[tilespmem:s9+$0xFFFFFF90] =	vst v2;
	v2 =	vmul.f32 v10, v3;
	v9 =	vld [tilespmem:s9+$0x0]  }
0xfd: {  	[tilespmem:s9+$0xFFFFFFA0] =	vst v4;
	v4 =	vmul.f32 v5, v3;
	v5 =	vld [tilespmem:s9+$0x10]  }
0xfe: {  	[tilespmem:s9+$0xFFFFFFB0] =	vst v2;
	v2 =	vmul.f32 v6, v3;
	v6 =	vld [tilespmem:s9+$0x20]  }
0xff: {  	[tilespmem:s9+$0xFFFFFFC0] =	vst v4;
	v4 =	vmul.f32 v7, v3;
	v10 =	vld [tilespmem:s9+$0x30]  }
0x100: {  	[tilespmem:s9+$0xFFFFFFD0] =	vst v2;
	v2 =	vmul.f32 v8, v3;
	v8 =	vld [tilespmem:s9+$0x40]  }
.Ltmp1:
0x101: {  	[tilespmem:s9+$0xFFFFFFE0] =	vst v4;
	v4 =	vmul.f32 v9, v1;
	v3 =	vld [tilespmem:s9+$0x50];
	(pc) =	sbr.rel @p2 .LBB2_5-.Ltmp1, $4  }
0x102: {  	[tilespmem:s9+$0xFFFFFFF0] =	vst v2;
	v5 =	vmul.f32 v5, v1;
	v2 =	vld [tilespmem:s9+$0x60]  }
0x103: {  	s12 =	sadd.s32 $0x3, s13;
	v9 =	vmov s13;
	[tilespmem:s9+$0x0] =	vst v4;
	v12 =	vmul.f32 v6, v1;
	v7 =	vld [tilespmem:s9+$0x80]  }
0x104: {  	s17 =	sadd.s32 $0x1, s13;
	v11 =	vand.u32 $0xFFFFFFFC, v9;
	v4 =	vmov s12;
	[tilespmem:s9+$0x10] =	vst v5;
	v9 =	vmul.f32 v10, v1;
	v6 =	vld [tilespmem:s9+$0x90]  }
0x105: {  	s12 =	sadd.s32 $0x2, s13;
	s13 =	sadd.s32 $0x4, s13;
	v5 =	vbroadcast v11, $0x0;
	v11 =	vmov s17;
	[tilespmem:s9+$0x20] =	vst v12;
	v10 =	vmul.f32 v8, v1;
	v8 =	vld [tilespmem:s9+$0xA0]  }
0x106: {  	v12 =	vld [tilespmem:s9+$0xB0]  }
0x107: {  	v14 =	vld [tilespmem:s9+$0xC0]  }
0x108: {  	v15 =	vld [tilespmem:s9+$0xD0]  }
0x109: {  	v16 =	vld [tilespmem:s9+$0xE0]  }
0x10a: {  	v44 =	vld [tilespmem:s9+$0xF0];
	[tilespmem:s9+$0x30] =	vst v9;
	v3 =	vmul.f32 v3, v1  }
0x10b: {  	v4 =	vld.idx.msk [tilespmem:v4+s23+$0x0], $0xffff;
	[tilespmem:s9+$0x40] =	vst v10;
	v45 =	vmul.f32 v2, v1  }
0x10c: {  	s13 =	sadd.s32 $0x200, s9;
	v46 =	vld.idx.msk [tilespmem:v5+s23+$0x0], $0xffff;
	v7 =	vmul.f32 v7, v0;
	[tilespmem:s9+$0x50] =	vst v3  }
0x10d: {  	v51 =	vld [tilespmem:s13+$0x70];
	v47 =	vmul.f32 v6, v0;
	[tilespmem:s9+$0x60] =	vst v45  }
0x10e: {  	v53 =	vld [tilespmem:s13+$0xFFFFFF00];
	[tilespmem:s9+$0x80] =	vst v7;
	v49 =	vmul.f32 v8, v0  }
0x10f: {  	v55 =	vld [tilespmem:s13+$0xFFFFFF10];
	[tilespmem:s9+$0x90] =	vst v47;
	v50 =	vmul.f32 v12, v0  }
0x110: {  	v11 =	vand.u32 $0xFFFFFFFD, v11;
	v57 =	vld [tilespmem:s13+$0xFFFFFF20];
	v52 =	vmul.f32 v14, v0;
	[tilespmem:s9+$0xA0] =	vst v49  }
0x111: {  	v11 =	vbroadcast v11, $0x0;
	v59 =	vld [tilespmem:s13+$0xFFFFFF30];
	v54 =	vmul.f32 v15, v0;
	[tilespmem:s9+$0xB0] =	vst v50  }
0x112: {  	v60 =	vld [tilespmem:s13+$0xFFFFFF40];
	v56 =	vmul.f32 v16, v0;
	[tilespmem:s10+$0xC0] =	vst v52  }
0x113: {  	v63 =	vld [tilespmem:s13+$0xFFFFFF50];
	v58 =	vmul.f32 v44, v0;
	[tilespmem:s10+$0xD0] =	vst v54  }
0x114: {  	v15 =	vld [tilespmem:s13+$0xFFFFFF70];
	v62 =	vmul.f32 v53, v46;
	[tilespmem:s10+$0xE0] =	vst v56  }
0x115: {  	v16 =	vld [tilespmem:s13+$0xFFFFFF80];
	v12 =	vmul.f32 v55, v46;
	[tilespmem:s10+$0xF0] =	vst v58  }
0x116: {  	v44 =	vld [tilespmem:s13+$0x80];
	v14 =	vmul.f32 v57, v46;
	[tilespmem:s13+$0xFFFFFF00] =	vst v62  }
0x117: {  	v3 =	vmul.f32 v59, v46;
	v48 =	vld.idx.msk [tilespmem:v11+s23+$0x0], $0xffff;
	[tilespmem:s13+$0xFFFFFF10] =	vst v12  }
0x118: {  	v13 =	vmov s12;
	v18 =	vld [tilespmem:s13+$0xFFFFFF90];
	v17 =	vmul.f32 v60, v46;
	[tilespmem:s13+$0xFFFFFF20] =	vst v14  }
0x119: {  	v13 =	vand.u32 $0xFFFFFFFE, v13;
	v20 =	vld [tilespmem:s13+$0xFFFFFFA0];
	v19 =	vmul.f32 v63, v46;
	[tilespmem:s13+$0xFFFFFF30] =	vst v3  }
0x11a: {  	v22 =	vld [tilespmem:s13+$0xFFFFFFB0];
	v13 =	vbroadcast v13, $0x0;
	[tilespmem:s13+$0xFFFFFF40] =	vst v17;
	v2 =	vmul.f32 v15, v46  }
0x11b: {  	v23 =	vld [tilespmem:s13+$0xFFFFFFC0];
	[tilespmem:s13+$0xFFFFFF50] =	vst v19;
	v53 =	vmul.f32 v44, v4  }
0x11c: {  	v25 =	vld [tilespmem:s13+$0xFFFFFFD0];
	v24 =	vmul.f32 v16, v48;
	[tilespmem:s13+$0xFFFFFF70] =	vst v2  }
0x11d: {  	v26 =	vld [tilespmem:s13+$0xFFFFFFE0];
	v1 =	vmul.f32 v18, v48;
	[tilespmem:s13+$0x80] =	vst v53  }
0x11e: {  	v28 =	vld [tilespmem:s13+$0xFFFFFFF0];
	v27 =	vmul.f32 v20, v48;
	[tilespmem:s13+$0xFFFFFF80] =	vst v24  }
0x11f: {  	v50 =	vld [tilespmem:s13+$0xB0];
	v29 =	vmul.f32 v22, v48;
	[tilespmem:s13+$0xFFFFFF90] =	vst v1  }
0x120: {  	v6 =	vld.idx.msk [tilespmem:v13+s23+$0x0], $0xffff;
	v31 =	vmul.f32 v23, v48;
	[tilespmem:s13+$0xFFFFFFA0] =	vst v27  }
0x121: {  	v13 =	vld [tilespmem:s13+$0xFFFFFF60];
	v33 =	vmul.f32 v25, v48;
	[tilespmem:s13+$0xFFFFFFB0] =	vst v29  }
0x122: {  	v30 =	vld [tilespmem:s13+$0x0];
	v35 =	vmul.f32 v26, v48;
	[tilespmem:s13+$0xFFFFFFC0] =	vst v31  }
0x123: {  	v32 =	vld [tilespmem:s13+$0x10];
	v37 =	vmul.f32 v28, v48;
	[tilespmem:s13+$0xFFFFFFD0] =	vst v33  }
0x124: {  	v34 =	vld [tilespmem:s13+$0x20];
	v59 =	vmul.f32 v50, v4;
	[tilespmem:s13+$0xFFFFFFE0] =	vst v35  }
0x125: {  	v36 =	vld [tilespmem:s13+$0x30];
	v61 =	vmul.f32 v51, v6;
	[tilespmem:s13+$0xFFFFFFF0] =	vst v37  }
0x126: {  	v38 =	vld [tilespmem:s13+$0x40];
	v21 =	vmul.f32 v13, v46;
	[tilespmem:s13+$0xB0] =	vst v59  }
0x127: {  	v40 =	vld [tilespmem:s13+$0x50];
	v39 =	vmul.f32 v30, v6;
	[tilespmem:s13+$0x70] =	vst v61  }
0x128: {  	v42 =	vld [tilespmem:s13+$0x60];
	v41 =	vmul.f32 v32, v6;
	[tilespmem:s13+$0xFFFFFF60] =	vst v21  }
0x129: {  	v52 =	vld [tilespmem:s13+$0xC0];
	v43 =	vmul.f32 v34, v6;
	[tilespmem:s13+$0x0] =	vst v39  }
0x12a: {  	v56 =	vld [tilespmem:s13+$0xE0];
	v45 =	vmul.f32 v36, v6;
	[tilespmem:s13+$0x10] =	vst v41  }
0x12b: {  	v58 =	vld [tilespmem:s13+$0xF0];
	v47 =	vmul.f32 v38, v6;
	[tilespmem:s13+$0x20] =	vst v43  }
0x12c: {  	v54 =	vld [tilespmem:s13+$0xD0];
	v49 =	vmul.f32 v40, v6;
	[tilespmem:s13+$0x30] =	vst v45  }
0x12d: {  	v48 =	vld [tilespmem:s13+$0xA0];
	v51 =	vmul.f32 v42, v6;
	[tilespmem:s13+$0x40] =	vst v47  }
0x12e: {  	v46 =	vld [tilespmem:s13+$0x90];
	v60 =	vmul.f32 v52, v4;
	[tilespmem:s13+$0x50] =	vst v49  }
0x12f: {  	v62 =	vmul.f32 v56, v4;
	[tilespmem:s13+$0x60] =	vst v51  }
0x130: {  	v63 =	vmul.f32 v58, v4;
	[tilespmem:s13+$0xC0] =	vst v60  }
0x131: {  	v61 =	vmul.f32 v54, v4;
	[tilespmem:s13+$0xE0] =	vst v62  }
0x132: {  	[tilespmem:s13+$0xF0] =	vst v63;
	v57 =	vmul.f32 v48, v4  }
0x133: {  	p2 =	sne.s32 @!p1 s8, $0x28;
	[tilespmem:s13+$0xD0] =	vst v61;
	v55 =	vmul.f32 v46, v4  }
0x134: {  	p2 =	por p1, !p2;
	[tilespmem:s13+$0xA0] =	vst v57  }
.Ltmp2:
0x135: {  	s9 =	simm.s32 @!p1 $0x6;
	[tilespmem:s13+$0x90] =	vst v55;
	(pc) =	sbr.rel @!p2 .LBB2_2-.Ltmp2, $4  }
0x136: {  	[spmem:s1] =	stream.indirect.scatter.add.f32 [tilespmem:s24], [sflag:$0x6], $0x80, s22, s20, $0xb8;
	[tilespmem:$0x1E280] =	vst v63  }
0x137: {  	_ =	swait.ge @!p1 [sflag:s9], $0x4000  }
0x138: {  	[sflag:s9] =	ssyncset.done @!p1 $0x0  }
0x139: {  	[sflag:s9] =	ssyncadd.s32 @!p1 $0xFFFFC000  }
0x13a: {  	_ =	swait.ge [sflag:s31], $0x4000  }
0x13b: {  	[sflag:s31] =	ssyncset.done $0x0  }
0x13c: {  	[sflag:s31] =	ssyncadd.s32 $0xFFFFC000  }
0x13d: {  	_ =	swait.ge [sflag:s0], $0x4000  }
0x13e: {  	[sflag:s0] =	ssyncset.done $0x0  }
0x13f: {  	[sflag:s0] =	ssyncadd.s32 $0xFFFFC000  }
0x140: {  	[bflag:$0x0] =	sbarrier.arrive $0xFFFF  }
0x141: {  	s8 =	rddreg [dreg:$0x7]  }
0x142: {  	s9 =	simm.s32 @p0 $0x1FC7;
	s8 =	sadd.s32 @p0 $0x24900, s8  }
0x143: {  	[hbm:s8], [sflag:s9] =	dma.local @p0 [spmem:s14], $0x2800  }
0x144: {  	s8 =	simm.s32 @p0 $0x7  }
0x145: {  	_ =	swait.ge @p0 [sflag:s8], $0x2800  }
0x146: {  	[sflag:s8] =	ssyncset.done @p0 $0x0  }
0x147: {  	[sflag:s8] =	ssyncadd.s32 @p0 $0xFFFFD800;
	s8 =	rddreg [dreg:$0x9]  }
0x148: {  	[hbm:s8], [sflag:s15] =	dma.local @!p0 [spmem:s16], $0x2700  }
0x149: {  	s8 =	simm.s32 @!p0 $0x7  }
0x14a: {  	_ =	swait.ge @!p0 [sflag:s8], $0x2700  }
0x14b: {  	s3 =	sadd.s32 $0x1, s3;
	s25 =	rddreg [dreg:$0x8]  }
0x14c: {  	p1 =	sne.s32 s3, s25  }
.Ltmp3:
0x14d: {  	_ = 	snop;
	(pc) =	sbr.rel @p1 .LBB2_1-.Ltmp3, $3  }
0x14e: {  	_ =	sdelay $0x1  }
0x14f: {  	[sflag:s8] =	ssyncset.done @!p0 $0x0  }
0x150: {  	[sflag:s8] =	ssyncadd.s32 @!p0 $0xFFFFD900  }
0x151: {  	_ =	sfence.sel $0x180000  }
0x152: {  	[bflag:$0x0] =	sbarrier.arrive $0xFFFF  }
0x153: {  	_ =	strace $0x90000047  }
0x154: {  	s0 =	stileid.u32;
	[bflag:$0x2] =	sbarrier.arrive $0xFFFF  }
0x155: {  	p0 =	sne.s32 s0, $0x0;
	s0 =	rddreg [dreg:$0x3]  }
0x156: {  	s0 =	sadd.s32 @!p0 $0x100000, s0  }
0x157: {  	[sflag:s0] =	ssyncadd.tile.s32 @!p0 $0x1;
	_ =	shalt  }
.Lfunc_end2:
_tile_overlayer_lowered:
.L_overlay_start_2:
0x158: {  	(tag) =	ssettag $0x2  }
0x159: {  	s0 =	rddreg [dreg:$0x0];
	s2 =	stileid.u32  }
0x15a: {  	s1 =	rddreg [dreg:$0x1];
	p0 =	sne.s32 s2, $0x0  }
0x15b: {  	s3 =	rddreg [dreg:$0x2];
	[bflag:$0x3] =	sbarrier.arrive $0xFFFF;
	s2 =	simm.s32 @!p0 $0x1C07  }
0x15c: {  	[timem:s3], [sflag:s2] =	dma.local @!p0 [hbm:s0], s1  }
0x15d: {  	s0 =	simm.s32 @!p0 $0x7  }
0x15e: {  	_ =	swait.ge @!p0 [sflag:s0], s1  }
0x15f: {  	s1 =	ssub.s32 @!p0 $0x0, s1;
	[sflag:s0] =	ssyncset.done @!p0 $0x0  }
0x160: {  	[sflag:s0] =	ssyncadd.s32 @!p0 s1  }
0x161: {  	[bflag:$0x3] =	sbarrier.arrive $0xFFFF  }
0x162: {  	_ =	shalt  }

</sc_bundles>
